<compile_context>
chip_gen: v7x
topology: tpu7x:2x2x1
jax: 0.10.2.dev20260603
libtpu: 0.0.44.dev20260713+nightly
codegen_flags: <defaults>
</compile_context>

<pallas_src>
import functools
import math

import jax
import jax.numpy as jnp
import numpy as np
from jax import lax
from jax.experimental import pallas as pl
from jax.experimental.pallas import tpu as pltpu
from jax.experimental.pallas import tpu_sc as plsc

L = 2048
DM = 1024
DK = 64
RANK = 32
H = 12
KMAX = 32

BQ = 256
NQB = L // BQ
NCH = 16
CH = 128

_NEG = -1e9
_SCALE = 1.0 / 8.0

NC = 2
NS = 16
NW = NC * NS
QPW = H * L // NW

TS = 65536
TMASK = TS - 1
NPROBE = 4

_PWNP = np.zeros((DK, 3), np.float32)
for _k in range(DK):
    _PWNP[_k, _k // 22] = float(2.0 ** (_k - 22 * (_k // 22)))


def _prep_kernel(q_ref, k_ref, v_ref, wq_ref, wk_ref, wv_ref,
                 uq_ref, vq_ref, uk_ref, vk_ref, pw_ref,
                 qproj_ref, qpm_ref, kd_ref, kpm_ref, vd_ref,
                 qsig_ref, ksig_ref):
    q_down = jnp.dot(q_ref[...], wq_ref[...], preferred_element_type=jnp.float32)
    kd = jnp.dot(k_ref[...], wk_ref[...], preferred_element_type=jnp.float32)
    kd_ref[...] = kd
    kpm_ref[...] = jnp.where(kd > 0, 1.0, -1.0).astype(jnp.bfloat16)
    vd_ref[...] = jnp.dot(v_ref[...], wv_ref[...], preferred_element_type=jnp.float32)

    pw = pw_ref[...]
    kbits = jnp.where(kd > 0, 1.0, 0.0).astype(jnp.bfloat16)
    ksig_ref[...] = jax.lax.dot_general(
        pw, kbits, (((0,), (1,)), ((), ())),
        preferred_element_type=jnp.float32).astype(jnp.int32)

    for h in range(H):
        w_uq = jnp.dot(uq_ref[h], vq_ref[h], preferred_element_type=jnp.float32)
        w_uk = jnp.dot(uk_ref[h], vk_ref[h], preferred_element_type=jnp.float32)
        wabs_t = jax.lax.dot_general(w_uq, w_uk, (((0,), (0,)), ((), ())),
                                     preferred_element_type=jnp.float32)
        qp = jnp.dot(q_down, wabs_t, preferred_element_type=jnp.float32)
        qproj_ref[h] = qp
        qpm_ref[h] = jnp.where(qp > 0, 1.0, -1.0).astype(jnp.bfloat16)
        qbits = jnp.where(qp > 0, 1.0, 0.0).astype(jnp.bfloat16)
        qsig_ref[h] = jax.lax.dot_general(
            pw, qbits, (((0,), (1,)), ((), ())),
            preferred_element_type=jnp.float32).astype(jnp.int32)


def _mix(c0, c1, c2):
    g1 = c0 ^ (c1 << 9) ^ lax.shift_right_logical(c1, 5) \
        ^ (c2 << 18) ^ lax.shift_right_logical(c2, 4)
    g2 = c2 ^ (c0 << 9) ^ lax.shift_right_logical(c0, 5) \
        ^ (c1 << 18) ^ lax.shift_right_logical(c1, 4)
    return g1 & TMASK, (g2 & TMASK) | 1


def _sc_screen_kernel(qsig_hbm, ksig_hbm, ztab_hbm, flags_hbm,
                      table_v, k0_v, k1_v, k2_v, q0_v, q1_v, q2_v, flag_v):
    wid = lax.axis_index("s") * NC + lax.axis_index("c")
    base = wid * QPW
    head = base // L
    l0 = base - head * L
    qb0 = l0 // BQ

    for c, qv in ((0, q0_v), (1, q1_v), (2, q2_v)):
        pltpu.sync_copy(qsig_hbm.at[pl.ds((head * 3 + c) * L + l0, QPW)], qv)
    for c, kv in ((0, k0_v), (1, k1_v), (2, k2_v)):
        pltpu.sync_copy(ksig_hbm.at[pl.ds(c * L, L)], kv)
    pltpu.sync_copy(ztab_hbm, table_v)

    lane = lax.broadcasted_iota(jnp.int32, (16,), 0)
    ones_i = jnp.full((16,), 1, jnp.int32)

    def build(i, carry):
        idx = i * 16 + lane
        g1, st = _mix(plsc.load_gather(k0_v, [idx]),
                      plsc.load_gather(k1_v, [idx]),
                      plsc.load_gather(k2_v, [idx]))
        hh = g1
        for _ in range(NPROBE):
            plsc.store_scatter(table_v, [hh], ones_i)
            hh = (hh + st) & TMASK
        return carry

    lax.fori_loop(0, L // 16, build, 0)

    def probe(i, carry):
        idx = i * 16 + lane
        g1, st = _mix(plsc.load_gather(q0_v, [idx]),
                      plsc.load_gather(q1_v, [idx]),
                      plsc.load_gather(q2_v, [idx]))
        hh = g1
        ok = None
        for _ in range(NPROBE):
            hit = plsc.load_gather(table_v, [hh]) > 0
            ok = hit if ok is None else (ok & hit)
            hh = (hh + st) & TMASK
        plsc.store_scatter(flag_v, [idx], jnp.where(ok, 1.0, 0.0))
        return carry

    lax.fori_loop(0, QPW // 16, probe, 0)

    for t in range(QPW // BQ):
        pltpu.sync_copy(flag_v.at[pl.ds(t * BQ, BQ)],
                        flags_hbm.at[pl.ds((qb0 + t) * (H * BQ) + head * BQ, BQ)])


_sc_screen = functools.partial(
    pl.kernel,
    out_type=jax.ShapeDtypeStruct((NQB * H * BQ,), jnp.float32),
    compiler_params=pltpu.CompilerParams(needs_layout_passes=False),
    mesh=plsc.VectorSubcoreMesh(core_axis_name="c", subcore_axis_name="s",
                                num_cores=NC, num_subcores=NS),
    scratch_types=[
        pltpu.VMEM((TS,), jnp.int32),
        pltpu.VMEM((L,), jnp.int32),
        pltpu.VMEM((L,), jnp.int32),
        pltpu.VMEM((L,), jnp.int32),
        pltpu.VMEM((QPW,), jnp.int32),
        pltpu.VMEM((QPW,), jnp.int32),
        pltpu.VMEM((QPW,), jnp.int32),
        pltpu.VMEM((QPW,), jnp.float32),
    ],
)(_sc_screen_kernel)


def _attn_kernel(fl_ref, qp_ref, qpm_ref, kd_ref, kpm_ref, vd_ref, wo_ref,
                 out_ref):
    out_ref[...] = jnp.zeros_like(out_ref)

    for h in range(H):
        any_flag = jnp.max(fl_ref[0, h]) > 0.5

        @pl.when(any_flag)
        def _(h=h):
            qp = qp_ref[h]
            kd = kd_ref[...]
            s = jax.lax.dot_general(
                qpm_ref[h], kpm_ref[...], (((1,), (1,)), ((), ())),
                preferred_element_type=jnp.float32)
            match = (s >= DK - 0.5).astype(jnp.float32)

            m2 = match.astype(jnp.bfloat16).reshape(BQ * NCH, CH)
            row = jax.lax.broadcasted_iota(jnp.int32, (CH, CH), 0)
            col = jax.lax.broadcasted_iota(jnp.int32, (CH, CH), 1)
            upper_incl = (row <= col).astype(jnp.bfloat16)
            pre = jnp.dot(m2, upper_incl, preferred_element_type=jnp.float32)
            pre3 = pre.reshape(BQ, NCH, CH)

            tot = jnp.sum(match.reshape(BQ, NCH, CH), axis=2)
            crow = jax.lax.broadcasted_iota(jnp.int32, (NCH, NCH), 0)
            ccol = jax.lax.broadcasted_iota(jnp.int32, (NCH, NCH), 1)
            strict = (crow < ccol).astype(jnp.bfloat16)
            off = jnp.dot(tot.astype(jnp.bfloat16), strict,
                          preferred_element_type=jnp.float32)

            rank3 = pre3 + off[:, :, None]
            keep3 = jnp.where((match.reshape(BQ, NCH, CH) > 0.5)
                              & (rank3 <= KMAX + 0.5), 1.0, 0.0)
            keep = keep3.reshape(BQ, L)

            scores = jax.lax.dot_general(
                qp, kd, (((1,), (1,)), ((), ())),
                preferred_element_type=jnp.float32) * _SCALE
            scores = jnp.where(keep > 0.5, scores, _NEG)
            mx = jnp.max(scores, axis=1, keepdims=True)
            e = jnp.exp(scores - mx)
            w = e / jnp.sum(e, axis=1, keepdims=True) * keep

            part = jnp.dot(w, vd_ref[...], preferred_element_type=jnp.float32)
            out_ref[...] += jnp.dot(part, wo_ref[h],
                                    preferred_element_type=jnp.float32)


def kernel(query, key, value, W_q_down, W_k_down, W_v_down,
           u_q, v_q, u_k, v_k, W_o):
    q2 = query.reshape(L, DM)
    k2 = key.reshape(L, DM)
    v2 = value.reshape(L, DM)
    pw = jnp.asarray(_PWNP, dtype=jnp.bfloat16)

    qproj, qpm, kd, kpm, vd, qsig, ksig = pl.pallas_call(
        _prep_kernel,
        out_shape=(
            jax.ShapeDtypeStruct((H, L, DK), jnp.float32),
            jax.ShapeDtypeStruct((H, L, DK), jnp.bfloat16),
            jax.ShapeDtypeStruct((L, DK), jnp.float32),
            jax.ShapeDtypeStruct((L, DK), jnp.bfloat16),
            jax.ShapeDtypeStruct((L, DK), jnp.float32),
            jax.ShapeDtypeStruct((H, 3, L), jnp.int32),
            jax.ShapeDtypeStruct((3, L), jnp.int32),
        ),
    )(q2, k2, v2, W_q_down, W_k_down, W_v_down, u_q, v_q, u_k, v_k, pw)

    ztab = jnp.zeros((TS,), jnp.int32)
    flags = _sc_screen(qsig.reshape(-1), ksig.reshape(-1), ztab)
    flags3 = flags.reshape(NQB, H, BQ)

    wo3 = W_o.reshape(H, DK, DM)

    out = pl.pallas_call(
        _attn_kernel,
        grid=(NQB,),
        in_specs=[
            pl.BlockSpec((1, H, BQ), lambda qb: (qb, 0, 0)),
            pl.BlockSpec((H, BQ, DK), lambda qb: (0, qb, 0)),
            pl.BlockSpec((H, BQ, DK), lambda qb: (0, qb, 0)),
            pl.BlockSpec((L, DK), lambda qb: (0, 0)),
            pl.BlockSpec((L, DK), lambda qb: (0, 0)),
            pl.BlockSpec((L, DK), lambda qb: (0, 0)),
            pl.BlockSpec((H, DK, DM), lambda qb: (0, 0, 0)),
        ],
        out_specs=pl.BlockSpec((BQ, DM), lambda qb: (qb, 0)),
        out_shape=jax.ShapeDtypeStruct((L, DM), jnp.float32),
    )(flags3, qproj, qpm, kd, kpm, vd, wo3)

    return out.reshape(1, L, DM)

# --- scband reference (transcript-rebuilt; emitter-appended) ---
"""Pipeline reference for scband-fast-attention-14474039787701 (READ-ONLY COPY).

The authoritative reference and input builder live on the scoring server;
editing this copy changes nothing except your own understanding.
"""

import jax, jax.numpy as jnp
import numpy as np
import math

B, L, DM = 1, 2048, 1024
DK = 64
RANK = 32
H = 12
KMAX = 32


def setup_inputs(seed: int = 0) -> dict:
    key = jax.random.key(seed)
    ks = jax.random.split(key, 12)
    inp = {}
    inp['query'] = jax.random.normal(ks[0], (B, L, DM), dtype=jnp.float32)
    inp['key'] = jax.random.normal(ks[1], (B, L, DM), dtype=jnp.float32)
    inp['value'] = jax.random.normal(ks[2], (B, L, DM), dtype=jnp.float32)
    inp['W_q_down'] = jax.random.normal(ks[3], (DM, DK), dtype=jnp.float32) / math.sqrt(DM)
    inp['W_k_down'] = jax.random.normal(ks[4], (DM, DK), dtype=jnp.float32) / math.sqrt(DM)
    inp['W_v_down'] = jax.random.normal(ks[5], (DM, DK), dtype=jnp.float32) / math.sqrt(DM)
    inp['u_q'] = jax.random.normal(ks[6], (H, DK, RANK), dtype=jnp.float32) / math.sqrt(RANK)
    inp['v_q'] = jax.random.normal(ks[7], (H, RANK, DK), dtype=jnp.float32) / math.sqrt(RANK)
    inp['u_k'] = jax.random.normal(ks[8], (H, DK, RANK), dtype=jnp.float32) / math.sqrt(RANK)
    inp['v_k'] = jax.random.normal(ks[9], (H, RANK, DK), dtype=jnp.float32) / math.sqrt(RANK)
    inp['W_o'] = jax.random.normal(ks[10], (H * DK, DM), dtype=jnp.float32) / math.sqrt(H * DK)
    return inp


def _forward(query, key, value, W_q_down, W_k_down, W_v_down, u_q, v_q, u_k, v_k, W_o):
    # optimized_sqrt(64) == 8 (power of two path)
    scale = 1.0 / 8.0
    q_down = query @ W_q_down          # [B, L, DK] (d_query == d_key, required by W_absorb matmul)
    k_down = key @ W_k_down            # [B, L, DK]
    v_down = value @ W_v_down          # [B, L, DK]
    k_pm = jnp.where(k_down > 0, 1.0, -1.0)
    heads = []
    for h in range(H):
        # AbsorptionProjection
        W_UQ = u_q[h] @ v_q[h]                 # [DK, DK]
        W_UK = u_k[h] @ v_k[h]                 # [DK, DK]
        W_absorb = W_UK.T @ W_UQ               # [DK, DK]
        Q_proj = q_down @ W_absorb.T           # [B, L, DK]
        # CandidateFinder: trie search matches the FULL binary-quantized vector,
        # wu-manber matches its prefix; their set-intersection == exact binary sign match.
        q_pm = jnp.where(Q_proj > 0, 1.0, -1.0)
        s = jnp.einsum('bld,bmd->blm', q_pm, k_pm)   # [B, L, L] sign-agreement count (+/-)
        match = s >= (DK - 0.5)                      # exact full-vector sign match
        # first k_max matching key indices in ascending order, pad with -1 -> clamp to 0 + valid mask
        order = jnp.argsort(jnp.where(match, 0, 1).astype(jnp.int32), axis=-1)  # stable
        cand = order[..., :KMAX]                     # [B, L, KMAX]
        valid = jnp.take_along_axis(match, cand, axis=-1)
        cand = jnp.where(valid, cand, 0)
        k_g = jnp.take_along_axis(k_down[:, None, :, :], cand[..., None], axis=2)  # [B, L, KMAX, DK]
        v_g = jnp.take_along_axis(v_down[:, None, :, :], cand[..., None], axis=2)  # [B, L, KMAX, DK]
        scores = jnp.einsum('bld,blkd->blk', Q_proj, k_g) * scale
        scores = jnp.where(valid, scores, -1e9)
        w = jax.nn.softmax(scores, axis=-1)
        w = w * valid.astype(w.dtype)                # rows with no candidates output 0
        heads.append(jnp.einsum('blk,blkd->bld', w, v_g))
    concat = jnp.concatenate(heads, axis=-1)         # [B, L, H*DK]
    return concat @ W_o                              # [B, L, DM]


def reference(query, key, value, W_q_down, W_k_down, W_v_down, u_q, v_q, u_k, v_k, W_o):
    return _forward(query, key, value, W_q_down, W_k_down, W_v_down, u_q, v_q, u_k, v_k, W_o)

if __name__ == "__main__":
    import jax
    _d = setup_inputs()
    print(jax.jit(kernel)(*tuple(_d.values())))

</pallas_src>

<mosaic_0001>
#map = affine_map<(d0, d1) -> (0)>
module attributes {stable_mosaic.version = 14 : i64} {
  func.func @_sc_screen_kernel(%arg0: i32, %arg1: i32, %arg2: memref<73728xi32, #tpu.memory_space<hbm>>, %arg3: memref<6144xi32, #tpu.memory_space<hbm>>, %arg4: memref<65536xi32, #tpu.memory_space<hbm>>, %arg5: memref<24576xf32, #tpu.memory_space<hbm>>, %arg6: memref<65536xi32, #tpu.memory_space<vmem>>, %arg7: memref<2048xi32, #tpu.memory_space<vmem>>, %arg8: memref<2048xi32, #tpu.memory_space<vmem>>, %arg9: memref<2048xi32, #tpu.memory_space<vmem>>, %arg10: memref<768xi32, #tpu.memory_space<vmem>>, %arg11: memref<768xi32, #tpu.memory_space<vmem>>, %arg12: memref<768xi32, #tpu.memory_space<vmem>>, %arg13: memref<768xf32, #tpu.memory_space<vmem>>) attributes {dimension_semantics = [#tpu.dimension_semantics<core_parallel>, #tpu.dimension_semantics<subcore_parallel>], iteration_bounds = array<i64: 2, 16>, scalar_prefetch = 0 : i64, scratch_operands = 8 : i64, tpu.core_type = #tpu.core_type<sc_vector_subcore>, window_params = [{transform_indices = #map}, {transform_indices = #map}, {transform_indices = #map}, {transform_indices = #map}]} {
    %mul3A = arith.constant 2 : i32
    %mul3A_0 = arith.muli %arg1, %mul3A : i32
    %add3A = arith.addi %mul3A_0, %arg0 : i32
    %mul3A_1 = arith.constant 768 : i32
    %mul3A_2 = arith.muli %add3A, %mul3A_1 : i32
    %jit3A = arith.constant 2048 : i32
    %div3A = arith.divsi %mul3A_2, %jit3A : i32
    %sign3A = arith.constant 0 : i32
    %sign3A_3 = arith.cmpi sgt, %mul3A_2, %sign3A : i32
    %sign3A_4 = arith.extui %sign3A_3 : i1 to i32
    %sign3A_5 = arith.constant 0 : i32
    %sign3A_6 = arith.cmpi slt, %mul3A_2, %sign3A_5 : i32
    %sign3A_7 = arith.extui %sign3A_6 : i1 to i32
    %sign3A_8 = arith.subi %sign3A_4, %sign3A_7 : i32
    %sign3A_9 = arith.constant 0 : i32
    %sign3A_10 = arith.cmpi sgt, %jit3A, %sign3A_9 : i32
    %sign3A_11 = arith.extui %sign3A_10 : i1 to i32
    %sign3A_12 = arith.constant 0 : i32
    %sign3A_13 = arith.cmpi slt, %jit3A, %sign3A_12 : i32
    %sign3A_14 = arith.extui %sign3A_13 : i1 to i32
    %sign3A_15 = arith.subi %sign3A_11, %sign3A_14 : i32
    %ne3A = arith.cmpi ne, %sign3A_8, %sign3A_15 : i32
    %rem3A = arith.remsi %mul3A_2, %jit3A : i32
    %ne3A_16 = arith.constant 0 : i32
    %ne3A_17 = arith.cmpi ne, %rem3A, %ne3A_16 : i32
    %and3A = arith.andi %ne3A, %ne3A_17 : i1
    %sub3A = arith.constant 1 : i32
    %sub3A_18 = arith.subi %div3A, %sub3A : i32
    %select_n3A = arith.select %and3A, %sub3A_18, %div3A : i32
    %mul3A_19 = arith.constant 2048 : i32
    %mul3A_20 = arith.muli %select_n3A, %mul3A_19 : i32
    %sub3A_21 = arith.subi %mul3A_2, %mul3A_20 : i32
    %jit3A_22 = arith.constant 256 : i32
    %div3A_23 = arith.divsi %sub3A_21, %jit3A_22 : i32
    %sign3A_24 = arith.constant 0 : i32
    %sign3A_25 = arith.cmpi sgt, %sub3A_21, %sign3A_24 : i32
    %sign3A_26 = arith.extui %sign3A_25 : i1 to i32
    %sign3A_27 = arith.constant 0 : i32
    %sign3A_28 = arith.cmpi slt, %sub3A_21, %sign3A_27 : i32
    %sign3A_29 = arith.extui %sign3A_28 : i1 to i32
    %sign3A_30 = arith.subi %sign3A_26, %sign3A_29 : i32
    %sign3A_31 = arith.constant 0 : i32
    %sign3A_32 = arith.cmpi sgt, %jit3A_22, %sign3A_31 : i32
    %sign3A_33 = arith.extui %sign3A_32 : i1 to i32
    %sign3A_34 = arith.constant 0 : i32
    %sign3A_35 = arith.cmpi slt, %jit3A_22, %sign3A_34 : i32
    %sign3A_36 = arith.extui %sign3A_35 : i1 to i32
    %sign3A_37 = arith.subi %sign3A_33, %sign3A_36 : i32
    %ne3A_38 = arith.cmpi ne, %sign3A_30, %sign3A_37 : i32
    %rem3A_39 = arith.remsi %sub3A_21, %jit3A_22 : i32
    %ne3A_40 = arith.constant 0 : i32
    %ne3A_41 = arith.cmpi ne, %rem3A_39, %ne3A_40 : i32
    %and3A_42 = arith.andi %ne3A_38, %ne3A_41 : i1
    %sub3A_43 = arith.constant 1 : i32
    %sub3A_44 = arith.subi %div3A_23, %sub3A_43 : i32
    %select_n3A_45 = arith.select %and3A_42, %sub3A_44, %div3A_23 : i32
    %mul3A_46 = arith.constant 3 : i32
    %mul3A_47 = arith.muli %select_n3A, %mul3A_46 : i32
    %add3A_48 = arith.constant 0 : i32
    %add3A_49 = arith.addi %mul3A_47, %add3A_48 : i32
    %mul3A_50 = arith.constant 2048 : i32
    %mul3A_51 = arith.muli %add3A_49, %mul3A_50 : i32
    %add3A_52 = arith.addi %mul3A_51, %sub3A_21 : i32
    "tpu.region"() ({
      %run_scoped3A = tpu.sem_alloc : memref<!tpu.dma_semaphore, #tpu.memory_space<semaphore_mem>>
      %dma_start3A = tpu.memref_slice %arg2[%add3A_52] : memref<73728xi32, #tpu.memory_space<hbm>> -> memref<768xi32, #tpu.memory_space<hbm>>
      %dma_start3A_100 = tpu.memref_slice %arg2[%add3A_52] : memref<73728xi32, #tpu.memory_space<hbm>> -> memref<768xi32, #tpu.memory_space<hbm>>
      tpu.enqueue_dma source(%dma_start3A_100 : memref<768xi32, #tpu.memory_space<hbm>>) target(%arg10 : memref<768xi32, #tpu.memory_space<vmem>>) target_semaphore(%run_scoped3A : memref<!tpu.dma_semaphore, #tpu.memory_space<semaphore_mem>>)
      %dma_wait3A = tpu.memref_slice %arg2[%add3A_52] : memref<73728xi32, #tpu.memory_space<hbm>> -> memref<768xi32, #tpu.memory_space<hbm>>
      %dma_wait3A_101 = tpu.memref_slice %arg2[%add3A_52] : memref<73728xi32, #tpu.memory_space<hbm>> -> memref<768xi32, #tpu.memory_space<hbm>>
      tpu.wait_dma2 semaphore(%run_scoped3A : memref<!tpu.dma_semaphore, #tpu.memory_space<semaphore_mem>>) src(%dma_wait3A_101 : memref<768xi32, #tpu.memory_space<hbm>>) dst(%arg10 : memref<768xi32, #tpu.memory_space<vmem>>)
      tpu.yield
    }) : () -> ()
    %mul3A_53 = arith.constant 3 : i32
    %mul3A_54 = arith.muli %select_n3A, %mul3A_53 : i32
    %add3A_55 = arith.constant 1 : i32
    %add3A_56 = arith.addi %mul3A_54, %add3A_55 : i32
    %mul3A_57 = arith.constant 2048 : i32
    %mul3A_58 = arith.muli %add3A_56, %mul3A_57 : i32
    %add3A_59 = arith.addi %mul3A_58, %sub3A_21 : i32
    "tpu.region"() ({
      %run_scoped3A = tpu.sem_alloc : memref<!tpu.dma_semaphore, #tpu.memory_space<semaphore_mem>>
      %dma_start3A = tpu.memref_slice %arg2[%add3A_59] : memref<73728xi32, #tpu.memory_space<hbm>> -> memref<768xi32, #tpu.memory_space<hbm>>
      %dma_start3A_100 = tpu.memref_slice %arg2[%add3A_59] : memref<73728xi32, #tpu.memory_space<hbm>> -> memref<768xi32, #tpu.memory_space<hbm>>
      tpu.enqueue_dma source(%dma_start3A_100 : memref<768xi32, #tpu.memory_space<hbm>>) target(%arg11 : memref<768xi32, #tpu.memory_space<vmem>>) target_semaphore(%run_scoped3A : memref<!tpu.dma_semaphore, #tpu.memory_space<semaphore_mem>>)
      %dma_wait3A = tpu.memref_slice %arg2[%add3A_59] : memref<73728xi32, #tpu.memory_space<hbm>> -> memref<768xi32, #tpu.memory_space<hbm>>
      %dma_wait3A_101 = tpu.memref_slice %arg2[%add3A_59] : memref<73728xi32, #tpu.memory_space<hbm>> -> memref<768xi32, #tpu.memory_space<hbm>>
      tpu.wait_dma2 semaphore(%run_scoped3A : memref<!tpu.dma_semaphore, #tpu.memory_space<semaphore_mem>>) src(%dma_wait3A_101 : memref<768xi32, #tpu.memory_space<hbm>>) dst(%arg11 : memref<768xi32, #tpu.memory_space<vmem>>)
      tpu.yield
    }) : () -> ()
    %mul3A_60 = arith.constant 3 : i32
    %mul3A_61 = arith.muli %select_n3A, %mul3A_60 : i32
    %add3A_62 = arith.constant 2 : i32
    %add3A_63 = arith.addi %mul3A_61, %add3A_62 : i32
    %mul3A_64 = arith.constant 2048 : i32
    %mul3A_65 = arith.muli %add3A_63, %mul3A_64 : i32
    %add3A_66 = arith.addi %mul3A_65, %sub3A_21 : i32
    "tpu.region"() ({
      %run_scoped3A = tpu.sem_alloc : memref<!tpu.dma_semaphore, #tpu.memory_space<semaphore_mem>>
      %dma_start3A = tpu.memref_slice %arg2[%add3A_66] : memref<73728xi32, #tpu.memory_space<hbm>> -> memref<768xi32, #tpu.memory_space<hbm>>
      %dma_start3A_100 = tpu.memref_slice %arg2[%add3A_66] : memref<73728xi32, #tpu.memory_space<hbm>> -> memref<768xi32, #tpu.memory_space<hbm>>
      tpu.enqueue_dma source(%dma_start3A_100 : memref<768xi32, #tpu.memory_space<hbm>>) target(%arg12 : memref<768xi32, #tpu.memory_space<vmem>>) target_semaphore(%run_scoped3A : memref<!tpu.dma_semaphore, #tpu.memory_space<semaphore_mem>>)
      %dma_wait3A = tpu.memref_slice %arg2[%add3A_66] : memref<73728xi32, #tpu.memory_space<hbm>> -> memref<768xi32, #tpu.memory_space<hbm>>
      %dma_wait3A_101 = tpu.memref_slice %arg2[%add3A_66] : memref<73728xi32, #tpu.memory_space<hbm>> -> memref<768xi32, #tpu.memory_space<hbm>>
      tpu.wait_dma2 semaphore(%run_scoped3A : memref<!tpu.dma_semaphore, #tpu.memory_space<semaphore_mem>>) src(%dma_wait3A_101 : memref<768xi32, #tpu.memory_space<hbm>>) dst(%arg12 : memref<768xi32, #tpu.memory_space<vmem>>)
      tpu.yield
    }) : () -> ()
    "tpu.region"() ({
      %run_scoped3A = tpu.sem_alloc : memref<!tpu.dma_semaphore, #tpu.memory_space<semaphore_mem>>
      %dma_start3A = arith.constant 0 : i32
      %dma_start3A_100 = tpu.memref_slice %arg3[%dma_start3A] : memref<6144xi32, #tpu.memory_space<hbm>> -> memref<2048xi32, #tpu.memory_space<hbm>>
      %dma_start3A_101 = arith.constant 0 : i32
      %dma_start3A_102 = tpu.memref_slice %arg3[%dma_start3A_101] : memref<6144xi32, #tpu.memory_space<hbm>> -> memref<2048xi32, #tpu.memory_space<hbm>>
      tpu.enqueue_dma source(%dma_start3A_102 : memref<2048xi32, #tpu.memory_space<hbm>>) target(%arg7 : memref<2048xi32, #tpu.memory_space<vmem>>) target_semaphore(%run_scoped3A : memref<!tpu.dma_semaphore, #tpu.memory_space<semaphore_mem>>)
      %dma_wait3A = arith.constant 0 : i32
      %dma_wait3A_103 = tpu.memref_slice %arg3[%dma_wait3A] : memref<6144xi32, #tpu.memory_space<hbm>> -> memref<2048xi32, #tpu.memory_space<hbm>>
      %dma_wait3A_104 = arith.constant 0 : i32
      %dma_wait3A_105 = tpu.memref_slice %arg3[%dma_wait3A_104] : memref<6144xi32, #tpu.memory_space<hbm>> -> memref<2048xi32, #tpu.memory_space<hbm>>
      tpu.wait_dma2 semaphore(%run_scoped3A : memref<!tpu.dma_semaphore, #tpu.memory_space<semaphore_mem>>) src(%dma_wait3A_105 : memref<2048xi32, #tpu.memory_space<hbm>>) dst(%arg7 : memref<2048xi32, #tpu.memory_space<vmem>>)
      tpu.yield
    }) : () -> ()
    "tpu.region"() ({
      %run_scoped3A = tpu.sem_alloc : memref<!tpu.dma_semaphore, #tpu.memory_space<semaphore_mem>>
      %dma_start3A = arith.constant 2048 : i32
      %dma_start3A_100 = tpu.memref_slice %arg3[%dma_start3A] : memref<6144xi32, #tpu.memory_space<hbm>> -> memref<2048xi32, #tpu.memory_space<hbm>>
      %dma_start3A_101 = arith.constant 2048 : i32
      %dma_start3A_102 = tpu.memref_slice %arg3[%dma_start3A_101] : memref<6144xi32, #tpu.memory_space<hbm>> -> memref<2048xi32, #tpu.memory_space<hbm>>
      tpu.enqueue_dma source(%dma_start3A_102 : memref<2048xi32, #tpu.memory_space<hbm>>) target(%arg8 : memref<2048xi32, #tpu.memory_space<vmem>>) target_semaphore(%run_scoped3A : memref<!tpu.dma_semaphore, #tpu.memory_space<semaphore_mem>>)
      %dma_wait3A = arith.constant 2048 : i32
      %dma_wait3A_103 = tpu.memref_slice %arg3[%dma_wait3A] : memref<6144xi32, #tpu.memory_space<hbm>> -> memref<2048xi32, #tpu.memory_space<hbm>>
      %dma_wait3A_104 = arith.constant 2048 : i32
      %dma_wait3A_105 = tpu.memref_slice %arg3[%dma_wait3A_104] : memref<6144xi32, #tpu.memory_space<hbm>> -> memref<2048xi32, #tpu.memory_space<hbm>>
      tpu.wait_dma2 semaphore(%run_scoped3A : memref<!tpu.dma_semaphore, #tpu.memory_space<semaphore_mem>>) src(%dma_wait3A_105 : memref<2048xi32, #tpu.memory_space<hbm>>) dst(%arg8 : memref<2048xi32, #tpu.memory_space<vmem>>)
      tpu.yield
    }) : () -> ()
    "tpu.region"() ({
      %run_scoped3A = tpu.sem_alloc : memref<!tpu.dma_semaphore, #tpu.memory_space<semaphore_mem>>
      %dma_start3A = arith.constant 4096 : i32
      %dma_start3A_100 = tpu.memref_slice %arg3[%dma_start3A] : memref<6144xi32, #tpu.memory_space<hbm>> -> memref<2048xi32, #tpu.memory_space<hbm>>
      %dma_start3A_101 = arith.constant 4096 : i32
      %dma_start3A_102 = tpu.memref_slice %arg3[%dma_start3A_101] : memref<6144xi32, #tpu.memory_space<hbm>> -> memref<2048xi32, #tpu.memory_space<hbm>>
      tpu.enqueue_dma source(%dma_start3A_102 : memref<2048xi32, #tpu.memory_space<hbm>>) target(%arg9 : memref<2048xi32, #tpu.memory_space<vmem>>) target_semaphore(%run_scoped3A : memref<!tpu.dma_semaphore, #tpu.memory_space<semaphore_mem>>)
      %dma_wait3A = arith.constant 4096 : i32
      %dma_wait3A_103 = tpu.memref_slice %arg3[%dma_wait3A] : memref<6144xi32, #tpu.memory_space<hbm>> -> memref<2048xi32, #tpu.memory_space<hbm>>
      %dma_wait3A_104 = arith.constant 4096 : i32
      %dma_wait3A_105 = tpu.memref_slice %arg3[%dma_wait3A_104] : memref<6144xi32, #tpu.memory_space<hbm>> -> memref<2048xi32, #tpu.memory_space<hbm>>
      tpu.wait_dma2 semaphore(%run_scoped3A : memref<!tpu.dma_semaphore, #tpu.memory_space<semaphore_mem>>) src(%dma_wait3A_105 : memref<2048xi32, #tpu.memory_space<hbm>>) dst(%arg9 : memref<2048xi32, #tpu.memory_space<vmem>>)
      tpu.yield
    }) : () -> ()
    "tpu.region"() ({
      %run_scoped3A = tpu.sem_alloc : memref<!tpu.dma_semaphore, #tpu.memory_space<semaphore_mem>>
      tpu.enqueue_dma source(%arg4 : memref<65536xi32, #tpu.memory_space<hbm>>) target(%arg6 : memref<65536xi32, #tpu.memory_space<vmem>>) target_semaphore(%run_scoped3A : memref<!tpu.dma_semaphore, #tpu.memory_space<semaphore_mem>>)
      tpu.wait_dma2 semaphore(%run_scoped3A : memref<!tpu.dma_semaphore, #tpu.memory_space<semaphore_mem>>) src(%arg4 : memref<65536xi32, #tpu.memory_space<hbm>>) dst(%arg6 : memref<65536xi32, #tpu.memory_space<vmem>>)
      tpu.yield
    }) : () -> ()
    %iota3A = tpu.iota {dimensions = array<i32: 0>} : vector<16xi32>
    %broadcast_in_dim3A = arith.constant 1 : i32
    %broadcast_in_dim3A_67 = vector.broadcast %broadcast_in_dim3A : i32 to vector<16xi32>
    %scan3A = arith.constant 0 : i32
    %scan3A_68 = arith.constant 0 : i32
    %scan3A_69 = arith.constant 128 : i32
    %scan3A_70 = arith.addi %scan3A_68, %scan3A_69 : i32
    %scan3A_71 = arith.constant 1 : i32
    scf.for %scan3A_100 = %scan3A_68 to %scan3A_70 step %scan3A_71  : i32 {
      %mul3A_101 = arith.constant 16 : i32
      %mul3A_102 = arith.muli %scan3A_100, %mul3A_101 : i32
      %add3A_103 = vector.broadcast %mul3A_102 : i32 to vector<16xi32>
      %add3A_104 = arith.addi %add3A_103, %iota3A : vector<16xi32>
      %gather3A = tpu.vector_load_idx %arg7[%add3A_104] : memref<2048xi32, #tpu.memory_space<vmem>>[vector<16xi32>], vector<16xi32>,
      %gather3A_105 = tpu.vector_load_idx %arg8[%add3A_104] : memref<2048xi32, #tpu.memory_space<vmem>>[vector<16xi32>], vector<16xi32>,
      %gather3A_106 = tpu.vector_load_idx %arg9[%add3A_104] : memref<2048xi32, #tpu.memory_space<vmem>>[vector<16xi32>], vector<16xi32>,
      %shift_left3A = arith.constant 9 : i32
      %shift_left3A_107 = vector.broadcast %shift_left3A : i32 to vector<16xi32>
      %shift_left3A_108 = arith.shli %gather3A_105, %shift_left3A_107 : vector<16xi32>
      %xor3A = arith.xori %gather3A, %shift_left3A_108 : vector<16xi32>
      %shift_right_logical3A = arith.constant 5 : i32
      %shift_right_logical3A_109 = vector.broadcast %shift_right_logical3A : i32 to vector<16xi32>
      %shift_right_logical3A_110 = arith.shrui %gather3A_105, %shift_right_logical3A_109 : vector<16xi32>
      %xor3A_111 = arith.xori %xor3A, %shift_right_logical3A_110 : vector<16xi32>
      %shift_left3A_112 = arith.constant 18 : i32
      %shift_left3A_113 = vector.broadcast %shift_left3A_112 : i32 to vector<16xi32>
      %shift_left3A_114 = arith.shli %gather3A_106, %shift_left3A_113 : vector<16xi32>
      %xor3A_115 = arith.xori %xor3A_111, %shift_left3A_114 : vector<16xi32>
      %shift_right_logical3A_116 = arith.constant 4 : i32
      %shift_right_logical3A_117 = vector.broadcast %shift_right_logical3A_116 : i32 to vector<16xi32>
      %shift_right_logical3A_118 = arith.shrui %gather3A_106, %shift_right_logical3A_117 : vector<16xi32>
      %xor3A_119 = arith.xori %xor3A_115, %shift_right_logical3A_118 : vector<16xi32>
      %shift_left3A_120 = arith.constant 9 : i32
      %shift_left3A_121 = vector.broadcast %shift_left3A_120 : i32 to vector<16xi32>
      %shift_left3A_122 = arith.shli %gather3A, %shift_left3A_121 : vector<16xi32>
      %xor3A_123 = arith.xori %gather3A_106, %shift_left3A_122 : vector<16xi32>
      %shift_right_logical3A_124 = arith.constant 5 : i32
      %shift_right_logical3A_125 = vector.broadcast %shift_right_logical3A_124 : i32 to vector<16xi32>
      %shift_right_logical3A_126 = arith.shrui %gather3A, %shift_right_logical3A_125 : vector<16xi32>
      %xor3A_127 = arith.xori %xor3A_123, %shift_right_logical3A_126 : vector<16xi32>
      %shift_left3A_128 = arith.constant 18 : i32
      %shift_left3A_129 = vector.broadcast %shift_left3A_128 : i32 to vector<16xi32>
      %shift_left3A_130 = arith.shli %gather3A_105, %shift_left3A_129 : vector<16xi32>
      %xor3A_131 = arith.xori %xor3A_127, %shift_left3A_130 : vector<16xi32>
      %shift_right_logical3A_132 = arith.constant 4 : i32
      %shift_right_logical3A_133 = vector.broadcast %shift_right_logical3A_132 : i32 to vector<16xi32>
      %shift_right_logical3A_134 = arith.shrui %gather3A_105, %shift_right_logical3A_133 : vector<16xi32>
      %xor3A_135 = arith.xori %xor3A_131, %shift_right_logical3A_134 : vector<16xi32>
      %and3A_136 = arith.constant 65535 : i32
      %and3A_137 = vector.broadcast %and3A_136 : i32 to vector<16xi32>
      %and3A_138 = arith.andi %xor3A_119, %and3A_137 : vector<16xi32>
      %and3A_139 = arith.constant 65535 : i32
      %and3A_140 = vector.broadcast %and3A_139 : i32 to vector<16xi32>
      %and3A_141 = arith.andi %xor3A_135, %and3A_140 : vector<16xi32>
      %or3A = arith.constant 1 : i32
      %or3A_142 = vector.broadcast %or3A : i32 to vector<16xi32>
      %or3A_143 = arith.ori %and3A_141, %or3A_142 : vector<16xi32>
      tpu.vector_store_idx %arg6[%and3A_138], %broadcast_in_dim3A_67 : memref<65536xi32, #tpu.memory_space<vmem>>[vector<16xi32>], vector<16xi32>,
      %add3A_144 = arith.addi %and3A_138, %or3A_143 : vector<16xi32>
      %and3A_145 = arith.constant 65535 : i32
      %and3A_146 = vector.broadcast %and3A_145 : i32 to vector<16xi32>
      %and3A_147 = arith.andi %add3A_144, %and3A_146 : vector<16xi32>
      tpu.vector_store_idx %arg6[%and3A_147], %broadcast_in_dim3A_67 : memref<65536xi32, #tpu.memory_space<vmem>>[vector<16xi32>], vector<16xi32>,
      %add3A_148 = arith.addi %and3A_147, %or3A_143 : vector<16xi32>
      %and3A_149 = arith.constant 65535 : i32
      %and3A_150 = vector.broadcast %and3A_149 : i32 to vector<16xi32>
      %and3A_151 = arith.andi %add3A_148, %and3A_150 : vector<16xi32>
      tpu.vector_store_idx %arg6[%and3A_151], %broadcast_in_dim3A_67 : memref<65536xi32, #tpu.memory_space<vmem>>[vector<16xi32>], vector<16xi32>,
      %add3A_152 = arith.addi %and3A_151, %or3A_143 : vector<16xi32>
      %and3A_153 = arith.constant 65535 : i32
      %and3A_154 = vector.broadcast %and3A_153 : i32 to vector<16xi32>
      %and3A_155 = arith.andi %add3A_152, %and3A_154 : vector<16xi32>
      tpu.vector_store_idx %arg6[%and3A_155], %broadcast_in_dim3A_67 : memref<65536xi32, #tpu.memory_space<vmem>>[vector<16xi32>], vector<16xi32>,
      %add3A_156 = arith.addi %and3A_155, %or3A_143 : vector<16xi32>
      %and3A_157 = arith.constant 65535 : i32
      %and3A_158 = vector.broadcast %and3A_157 : i32 to vector<16xi32>
      %and3A_159 = arith.andi %add3A_156, %and3A_158 : vector<16xi32>
    }
    %scan3A_72 = arith.constant 128 : i32
    %scan3A_73 = arith.constant 0 : i32
    %scan3A_74 = arith.constant 0 : i32
    %scan3A_75 = arith.constant 48 : i32
    %scan3A_76 = arith.addi %scan3A_74, %scan3A_75 : i32
    %scan3A_77 = arith.constant 1 : i32
    scf.for %scan3A_100 = %scan3A_74 to %scan3A_76 step %scan3A_77  : i32 {
      %mul3A_101 = arith.constant 16 : i32
      %mul3A_102 = arith.muli %scan3A_100, %mul3A_101 : i32
      %add3A_103 = vector.broadcast %mul3A_102 : i32 to vector<16xi32>
      %add3A_104 = arith.addi %add3A_103, %iota3A : vector<16xi32>
      %gather3A = tpu.vector_load_idx %arg10[%add3A_104] : memref<768xi32, #tpu.memory_space<vmem>>[vector<16xi32>], vector<16xi32>,
      %gather3A_105 = tpu.vector_load_idx %arg11[%add3A_104] : memref<768xi32, #tpu.memory_space<vmem>>[vector<16xi32>], vector<16xi32>,
      %gather3A_106 = tpu.vector_load_idx %arg12[%add3A_104] : memref<768xi32, #tpu.memory_space<vmem>>[vector<16xi32>], vector<16xi32>,
      %shift_left3A = arith.constant 9 : i32
      %shift_left3A_107 = vector.broadcast %shift_left3A : i32 to vector<16xi32>
      %shift_left3A_108 = arith.shli %gather3A_105, %shift_left3A_107 : vector<16xi32>
      %xor3A = arith.xori %gather3A, %shift_left3A_108 : vector<16xi32>
      %shift_right_logical3A = arith.constant 5 : i32
      %shift_right_logical3A_109 = vector.broadcast %shift_right_logical3A : i32 to vector<16xi32>
      %shift_right_logical3A_110 = arith.shrui %gather3A_105, %shift_right_logical3A_109 : vector<16xi32>
      %xor3A_111 = arith.xori %xor3A, %shift_right_logical3A_110 : vector<16xi32>
      %shift_left3A_112 = arith.constant 18 : i32
      %shift_left3A_113 = vector.broadcast %shift_left3A_112 : i32 to vector<16xi32>
      %shift_left3A_114 = arith.shli %gather3A_106, %shift_left3A_113 : vector<16xi32>
      %xor3A_115 = arith.xori %xor3A_111, %shift_left3A_114 : vector<16xi32>
      %shift_right_logical3A_116 = arith.constant 4 : i32
      %shift_right_logical3A_117 = vector.broadcast %shift_right_logical3A_116 : i32 to vector<16xi32>
      %shift_right_logical3A_118 = arith.shrui %gather3A_106, %shift_right_logical3A_117 : vector<16xi32>
      %xor3A_119 = arith.xori %xor3A_115, %shift_right_logical3A_118 : vector<16xi32>
      %shift_left3A_120 = arith.constant 9 : i32
      %shift_left3A_121 = vector.broadcast %shift_left3A_120 : i32 to vector<16xi32>
      %shift_left3A_122 = arith.shli %gather3A, %shift_left3A_121 : vector<16xi32>
      %xor3A_123 = arith.xori %gather3A_106, %shift_left3A_122 : vector<16xi32>
      %shift_right_logical3A_124 = arith.constant 5 : i32
      %shift_right_logical3A_125 = vector.broadcast %shift_right_logical3A_124 : i32 to vector<16xi32>
      %shift_right_logical3A_126 = arith.shrui %gather3A, %shift_right_logical3A_125 : vector<16xi32>
      %xor3A_127 = arith.xori %xor3A_123, %shift_right_logical3A_126 : vector<16xi32>
      %shift_left3A_128 = arith.constant 18 : i32
      %shift_left3A_129 = vector.broadcast %shift_left3A_128 : i32 to vector<16xi32>
      %shift_left3A_130 = arith.shli %gather3A_105, %shift_left3A_129 : vector<16xi32>
      %xor3A_131 = arith.xori %xor3A_127, %shift_left3A_130 : vector<16xi32>
      %shift_right_logical3A_132 = arith.constant 4 : i32
      %shift_right_logical3A_133 = vector.broadcast %shift_right_logical3A_132 : i32 to vector<16xi32>
      %shift_right_logical3A_134 = arith.shrui %gather3A_105, %shift_right_logical3A_133 : vector<16xi32>
      %xor3A_135 = arith.xori %xor3A_131, %shift_right_logical3A_134 : vector<16xi32>
      %and3A_136 = arith.constant 65535 : i32
      %and3A_137 = vector.broadcast %and3A_136 : i32 to vector<16xi32>
      %and3A_138 = arith.andi %xor3A_119, %and3A_137 : vector<16xi32>
      %and3A_139 = arith.constant 65535 : i32
      %and3A_140 = vector.broadcast %and3A_139 : i32 to vector<16xi32>
      %and3A_141 = arith.andi %xor3A_135, %and3A_140 : vector<16xi32>
      %or3A = arith.constant 1 : i32
      %or3A_142 = vector.broadcast %or3A : i32 to vector<16xi32>
      %or3A_143 = arith.ori %and3A_141, %or3A_142 : vector<16xi32>
      %gather3A_144 = tpu.vector_load_idx %arg6[%and3A_138] : memref<65536xi32, #tpu.memory_space<vmem>>[vector<16xi32>], vector<16xi32>,
      %gt3A = arith.constant 0 : i32
      %gt3A_145 = vector.broadcast %gt3A : i32 to vector<16xi32>
      %gt3A_146 = arith.cmpi sgt, %gather3A_144, %gt3A_145 : vector<16xi32>
      %add3A_147 = arith.addi %and3A_138, %or3A_143 : vector<16xi32>
      %and3A_148 = arith.constant 65535 : i32
      %and3A_149 = vector.broadcast %and3A_148 : i32 to vector<16xi32>
      %and3A_150 = arith.andi %add3A_147, %and3A_149 : vector<16xi32>
      %gather3A_151 = tpu.vector_load_idx %arg6[%and3A_150] : memref<65536xi32, #tpu.memory_space<vmem>>[vector<16xi32>], vector<16xi32>,
      %gt3A_152 = arith.constant 0 : i32
      %gt3A_153 = vector.broadcast %gt3A_152 : i32 to vector<16xi32>
      %gt3A_154 = arith.cmpi sgt, %gather3A_151, %gt3A_153 : vector<16xi32>
      %and3A_155 = arith.andi %gt3A_146, %gt3A_154 : vector<16xi1>
      %add3A_156 = arith.addi %and3A_150, %or3A_143 : vector<16xi32>
      %and3A_157 = arith.constant 65535 : i32
      %and3A_158 = vector.broadcast %and3A_157 : i32 to vector<16xi32>
      %and3A_159 = arith.andi %add3A_156, %and3A_158 : vector<16xi32>
      %gather3A_160 = tpu.vector_load_idx %arg6[%and3A_159] : memref<65536xi32, #tpu.memory_space<vmem>>[vector<16xi32>], vector<16xi32>,
      %gt3A_161 = arith.constant 0 : i32
      %gt3A_162 = vector.broadcast %gt3A_161 : i32 to vector<16xi32>
      %gt3A_163 = arith.cmpi sgt, %gather3A_160, %gt3A_162 : vector<16xi32>
      %and3A_164 = arith.andi %and3A_155, %gt3A_163 : vector<16xi1>
      %add3A_165 = arith.addi %and3A_159, %or3A_143 : vector<16xi32>
      %and3A_166 = arith.constant 65535 : i32
      %and3A_167 = vector.broadcast %and3A_166 : i32 to vector<16xi32>
      %and3A_168 = arith.andi %add3A_165, %and3A_167 : vector<16xi32>
      %gather3A_169 = tpu.vector_load_idx %arg6[%and3A_168] : memref<65536xi32, #tpu.memory_space<vmem>>[vector<16xi32>], vector<16xi32>,
      %gt3A_170 = arith.constant 0 : i32
      %gt3A_171 = vector.broadcast %gt3A_170 : i32 to vector<16xi32>
      %gt3A_172 = arith.cmpi sgt, %gather3A_169, %gt3A_171 : vector<16xi32>
      %and3A_173 = arith.andi %and3A_164, %gt3A_172 : vector<16xi1>
      %add3A_174 = arith.addi %and3A_168, %or3A_143 : vector<16xi32>
      %and3A_175 = arith.constant 65535 : i32
      %and3A_176 = vector.broadcast %and3A_175 : i32 to vector<16xi32>
      %and3A_177 = arith.andi %add3A_174, %and3A_176 : vector<16xi32>
      %jit3A_178 = arith.constant 1.000000e+00 : f32
      %jit3A_179 = arith.constant 0.000000e+00 : f32
      %broadcast_in_dim3A_180 = vector.broadcast %jit3A_178 : f32 to vector<16xf32>
      %broadcast_in_dim3A_181 = vector.broadcast %jit3A_179 : f32 to vector<16xf32>
      %select_n3A_182 = arith.select %and3A_173, %broadcast_in_dim3A_180, %broadcast_in_dim3A_181 : vector<16xi1>, vector<16xf32>
      tpu.vector_store_idx %arg13[%add3A_104], %select_n3A_182 : memref<768xf32, #tpu.memory_space<vmem>>[vector<16xi32>], vector<16xf32>,
    }
    %scan3A_78 = arith.constant 48 : i32
    %add3A_79 = arith.constant 0 : i32
    %add3A_80 = arith.addi %select_n3A_45, %add3A_79 : i32
    %mul3A_81 = arith.constant 3072 : i32
    %mul3A_82 = arith.muli %add3A_80, %mul3A_81 : i32
    %mul3A_83 = arith.constant 256 : i32
    %mul3A_84 = arith.muli %select_n3A, %mul3A_83 : i32
    %add3A_85 = arith.addi %mul3A_82, %mul3A_84 : i32
    "tpu.region"() ({
      %run_scoped3A = tpu.sem_alloc : memref<!tpu.dma_semaphore, #tpu.memory_space<semaphore_mem>>
      %dma_start3A = arith.constant 0 : i32
      %dma_start3A_100 = tpu.memref_slice %arg13[%dma_start3A] : memref<768xf32, #tpu.memory_space<vmem>> -> memref<256xf32, #tpu.memory_space<vmem>>
      %dma_start3A_101 = tpu.memref_slice %arg5[%add3A_85] : memref<24576xf32, #tpu.memory_space<hbm>> -> memref<256xf32, #tpu.memory_space<hbm>>
      %dma_start3A_102 = tpu.memref_slice %arg5[%add3A_85] : memref<24576xf32, #tpu.memory_space<hbm>> -> memref<256xf32, #tpu.memory_space<hbm>>
      %dma_start3A_103 = arith.constant 0 : i32
      %dma_start3A_104 = tpu.memref_slice %arg13[%dma_start3A_103] : memref<768xf32, #tpu.memory_space<vmem>> -> memref<256xf32, #tpu.memory_space<vmem>>
      tpu.enqueue_dma source(%dma_start3A_104 : memref<256xf32, #tpu.memory_space<vmem>>) target(%dma_start3A_102 : memref<256xf32, #tpu.memory_space<hbm>>) target_semaphore(%run_scoped3A : memref<!tpu.dma_semaphore, #tpu.memory_space<semaphore_mem>>)
      %dma_wait3A = arith.constant 0 : i32
      %dma_wait3A_105 = tpu.memref_slice %arg13[%dma_wait3A] : memref<768xf32, #tpu.memory_space<vmem>> -> memref<256xf32, #tpu.memory_space<vmem>>
      %dma_wait3A_106 = tpu.memref_slice %arg5[%add3A_85] : memref<24576xf32, #tpu.memory_space<hbm>> -> memref<256xf32, #tpu.memory_space<hbm>>
      %dma_wait3A_107 = tpu.memref_slice %arg5[%add3A_85] : memref<24576xf32, #tpu.memory_space<hbm>> -> memref<256xf32, #tpu.memory_space<hbm>>
      %dma_wait3A_108 = arith.constant 0 : i32
      %dma_wait3A_109 = tpu.memref_slice %arg13[%dma_wait3A_108] : memref<768xf32, #tpu.memory_space<vmem>> -> memref<256xf32, #tpu.memory_space<vmem>>
      tpu.wait_dma2 semaphore(%run_scoped3A : memref<!tpu.dma_semaphore, #tpu.memory_space<semaphore_mem>>) src(%dma_wait3A_109 : memref<256xf32, #tpu.memory_space<vmem>>) dst(%dma_wait3A_107 : memref<256xf32, #tpu.memory_space<hbm>>)
      tpu.yield
    }) : () -> ()
    %add3A_86 = arith.constant 1 : i32
    %add3A_87 = arith.addi %select_n3A_45, %add3A_86 : i32
    %mul3A_88 = arith.constant 3072 : i32
    %mul3A_89 = arith.muli %add3A_87, %mul3A_88 : i32
    %mul3A_90 = arith.constant 256 : i32
    %mul3A_91 = arith.muli %select_n3A, %mul3A_90 : i32
    %add3A_92 = arith.addi %mul3A_89, %mul3A_91 : i32
    "tpu.region"() ({
      %run_scoped3A = tpu.sem_alloc : memref<!tpu.dma_semaphore, #tpu.memory_space<semaphore_mem>>
      %dma_start3A = arith.constant 256 : i32
      %dma_start3A_100 = tpu.memref_slice %arg13[%dma_start3A] : memref<768xf32, #tpu.memory_space<vmem>> -> memref<256xf32, #tpu.memory_space<vmem>>
      %dma_start3A_101 = tpu.memref_slice %arg5[%add3A_92] : memref<24576xf32, #tpu.memory_space<hbm>> -> memref<256xf32, #tpu.memory_space<hbm>>
      %dma_start3A_102 = tpu.memref_slice %arg5[%add3A_92] : memref<24576xf32, #tpu.memory_space<hbm>> -> memref<256xf32, #tpu.memory_space<hbm>>
      %dma_start3A_103 = arith.constant 256 : i32
      %dma_start3A_104 = tpu.memref_slice %arg13[%dma_start3A_103] : memref<768xf32, #tpu.memory_space<vmem>> -> memref<256xf32, #tpu.memory_space<vmem>>
      tpu.enqueue_dma source(%dma_start3A_104 : memref<256xf32, #tpu.memory_space<vmem>>) target(%dma_start3A_102 : memref<256xf32, #tpu.memory_space<hbm>>) target_semaphore(%run_scoped3A : memref<!tpu.dma_semaphore, #tpu.memory_space<semaphore_mem>>)
      %dma_wait3A = arith.constant 256 : i32
      %dma_wait3A_105 = tpu.memref_slice %arg13[%dma_wait3A] : memref<768xf32, #tpu.memory_space<vmem>> -> memref<256xf32, #tpu.memory_space<vmem>>
      %dma_wait3A_106 = tpu.memref_slice %arg5[%add3A_92] : memref<24576xf32, #tpu.memory_space<hbm>> -> memref<256xf32, #tpu.memory_space<hbm>>
      %dma_wait3A_107 = tpu.memref_slice %arg5[%add3A_92] : memref<24576xf32, #tpu.memory_space<hbm>> -> memref<256xf32, #tpu.memory_space<hbm>>
      %dma_wait3A_108 = arith.constant 256 : i32
      %dma_wait3A_109 = tpu.memref_slice %arg13[%dma_wait3A_108] : memref<768xf32, #tpu.memory_space<vmem>> -> memref<256xf32, #tpu.memory_space<vmem>>
      tpu.wait_dma2 semaphore(%run_scoped3A : memref<!tpu.dma_semaphore, #tpu.memory_space<semaphore_mem>>) src(%dma_wait3A_109 : memref<256xf32, #tpu.memory_space<vmem>>) dst(%dma_wait3A_107 : memref<256xf32, #tpu.memory_space<hbm>>)
      tpu.yield
    }) : () -> ()
    %add3A_93 = arith.constant 2 : i32
    %add3A_94 = arith.addi %select_n3A_45, %add3A_93 : i32
    %mul3A_95 = arith.constant 3072 : i32
    %mul3A_96 = arith.muli %add3A_94, %mul3A_95 : i32
    %mul3A_97 = arith.constant 256 : i32
    %mul3A_98 = arith.muli %select_n3A, %mul3A_97 : i32
    %add3A_99 = arith.addi %mul3A_96, %mul3A_98 : i32
    "tpu.region"() ({
      %run_scoped3A = tpu.sem_alloc : memref<!tpu.dma_semaphore, #tpu.memory_space<semaphore_mem>>
      %dma_start3A = arith.constant 512 : i32
      %dma_start3A_100 = tpu.memref_slice %arg13[%dma_start3A] : memref<768xf32, #tpu.memory_space<vmem>> -> memref<256xf32, #tpu.memory_space<vmem>>
      %dma_start3A_101 = tpu.memref_slice %arg5[%add3A_99] : memref<24576xf32, #tpu.memory_space<hbm>> -> memref<256xf32, #tpu.memory_space<hbm>>
      %dma_start3A_102 = tpu.memref_slice %arg5[%add3A_99] : memref<24576xf32, #tpu.memory_space<hbm>> -> memref<256xf32, #tpu.memory_space<hbm>>
      %dma_start3A_103 = arith.constant 512 : i32
      %dma_start3A_104 = tpu.memref_slice %arg13[%dma_start3A_103] : memref<768xf32, #tpu.memory_space<vmem>> -> memref<256xf32, #tpu.memory_space<vmem>>
      tpu.enqueue_dma source(%dma_start3A_104 : memref<256xf32, #tpu.memory_space<vmem>>) target(%dma_start3A_102 : memref<256xf32, #tpu.memory_space<hbm>>) target_semaphore(%run_scoped3A : memref<!tpu.dma_semaphore, #tpu.memory_space<semaphore_mem>>)
      %dma_wait3A = arith.constant 512 : i32
      %dma_wait3A_105 = tpu.memref_slice %arg13[%dma_wait3A] : memref<768xf32, #tpu.memory_space<vmem>> -> memref<256xf32, #tpu.memory_space<vmem>>
      %dma_wait3A_106 = tpu.memref_slice %arg5[%add3A_99] : memref<24576xf32, #tpu.memory_space<hbm>> -> memref<256xf32, #tpu.memory_space<hbm>>
      %dma_wait3A_107 = tpu.memref_slice %arg5[%add3A_99] : memref<24576xf32, #tpu.memory_space<hbm>> -> memref<256xf32, #tpu.memory_space<hbm>>
      %dma_wait3A_108 = arith.constant 512 : i32
      %dma_wait3A_109 = tpu.memref_slice %arg13[%dma_wait3A_108] : memref<768xf32, #tpu.memory_space<vmem>> -> memref<256xf32, #tpu.memory_space<vmem>>
      tpu.wait_dma2 semaphore(%run_scoped3A : memref<!tpu.dma_semaphore, #tpu.memory_space<semaphore_mem>>) src(%dma_wait3A_109 : memref<256xf32, #tpu.memory_space<vmem>>) dst(%dma_wait3A_107 : memref<256xf32, #tpu.memory_space<hbm>>)
      tpu.yield
    }) : () -> ()
    return
  }
}

module attributes {stable_mosaic.version = 14 : i64} {
  func.func @_prep_kernel(%arg0: memref<2048x1024xf32, #tpu.memory_space<vmem>>, %arg1: memref<2048x1024xf32, #tpu.memory_space<vmem>>, %arg2: memref<2048x1024xf32, #tpu.memory_space<vmem>>, %arg3: memref<1024x64xf32, #tpu.memory_space<vmem>>, %arg4: memref<1024x64xf32, #tpu.memory_space<vmem>>, %arg5: memref<1024x64xf32, #tpu.memory_space<vmem>>, %arg6: memref<12x64x32xf32, #tpu.memory_space<vmem>>, %arg7: memref<12x32x64xf32, #tpu.memory_space<vmem>>, %arg8: memref<12x64x32xf32, #tpu.memory_space<vmem>>, %arg9: memref<12x32x64xf32, #tpu.memory_space<vmem>>, %arg10: memref<64x3xbf16, #tpu.memory_space<vmem>>, %arg11: memref<12x2048x64xf32, #tpu.memory_space<vmem>>, %arg12: memref<12x2048x64xbf16, #tpu.memory_space<vmem>>, %arg13: memref<2048x64xf32, #tpu.memory_space<vmem>>, %arg14: memref<2048x64xbf16, #tpu.memory_space<vmem>>, %arg15: memref<2048x64xf32, #tpu.memory_space<vmem>>, %arg16: memref<12x3x2048xi32, #tpu.memory_space<vmem>>, %arg17: memref<3x2048xi32, #tpu.memory_space<vmem>>) attributes {dimension_semantics = [], scalar_prefetch = 0 : i64, scratch_operands = 0 : i64, tpu.core_type = #tpu.core_type<tc>} {
    %get3A = arith.constant 0 : index
    %get3A_0 = arith.constant 0 : index
    %get3A_1 = vector.load %arg0[%get3A, %get3A_0] : memref<2048x1024xf32, #tpu.memory_space<vmem>>, vector<2048x1024xf32>
    %get3A_2 = arith.constant 0 : index
    %get3A_3 = arith.constant 0 : index
    %get3A_4 = vector.load %arg3[%get3A_2, %get3A_3] : memref<1024x64xf32, #tpu.memory_space<vmem>>, vector<1024x64xf32>
    %dot_general3A = arith.constant dense<0.000000e+00> : vector<2048x64xf32>
    %dot_general3A_5 = tpu.matmul %get3A_1, %get3A_4, %dot_general3A {dimension_numbers = #tpu.dot_dimension_numbers<[1], [0], [0], [1], [0, 0, 1, 1], [], []>, transpose_lhs_hint = false} : vector<2048x1024xf32>, vector<1024x64xf32>, vector<2048x64xf32> -> vector<2048x64xf32>
    %get3A_6 = arith.constant 0 : index
    %get3A_7 = arith.constant 0 : index
    %get3A_8 = vector.load %arg1[%get3A_6, %get3A_7] : memref<2048x1024xf32, #tpu.memory_space<vmem>>, vector<2048x1024xf32>
    %get3A_9 = arith.constant 0 : index
    %get3A_10 = arith.constant 0 : index
    %get3A_11 = vector.load %arg4[%get3A_9, %get3A_10] : memref<1024x64xf32, #tpu.memory_space<vmem>>, vector<1024x64xf32>
    %dot_general3A_12 = arith.constant dense<0.000000e+00> : vector<2048x64xf32>
    %dot_general3A_13 = tpu.matmul %get3A_8, %get3A_11, %dot_general3A_12 {dimension_numbers = #tpu.dot_dimension_numbers<[1], [0], [0], [1], [0, 0, 1, 1], [], []>, transpose_lhs_hint = false} : vector<2048x1024xf32>, vector<1024x64xf32>, vector<2048x64xf32> -> vector<2048x64xf32>
    %swap3A = arith.constant 0 : index
    %swap3A_14 = arith.constant 0 : index
    %swap3A_15 = vector.load %arg13[%swap3A, %swap3A_14] : memref<2048x64xf32, #tpu.memory_space<vmem>>, vector<2048x64xf32>
    tpu.vector_store %arg13[%swap3A, %swap3A_14], %dot_general3A_13 {strides = array<i32>} : memref<2048x64xf32, #tpu.memory_space<vmem>>, vector<2048x64xf32>,
    %gt3A = arith.constant 0.000000e+00 : f32
    %gt3A_16 = vector.broadcast %gt3A : f32 to vector<2048x64xf32>
    %gt3A_17 = arith.cmpf ogt, %dot_general3A_13, %gt3A_16 : vector<2048x64xf32>
    %jit3A = arith.constant 1.000000e+00 : f32
    %jit3A_18 = arith.constant -1.000000e+00 : f32
    %broadcast_in_dim3A = vector.broadcast %jit3A : f32 to vector<2048x64xf32>
    %broadcast_in_dim3A_19 = vector.broadcast %jit3A_18 : f32 to vector<2048x64xf32>
    %select_n3A = arith.select %gt3A_17, %broadcast_in_dim3A, %broadcast_in_dim3A_19 : vector<2048x64xi1>, vector<2048x64xf32>
    %convert_element_type3A = arith.truncf %select_n3A : vector<2048x64xf32> to vector<2048x64xbf16>
    %swap3A_20 = arith.constant 0 : index
    %swap3A_21 = arith.constant 0 : index
    %swap3A_22 = vector.load %arg14[%swap3A_20, %swap3A_21] : memref<2048x64xbf16, #tpu.memory_space<vmem>>, vector<2048x64xbf16>
    tpu.vector_store %arg14[%swap3A_20, %swap3A_21], %convert_element_type3A {strides = array<i32>} : memref<2048x64xbf16, #tpu.memory_space<vmem>>, vector<2048x64xbf16>,
    %get3A_23 = arith.constant 0 : index
    %get3A_24 = arith.constant 0 : index
    %get3A_25 = vector.load %arg2[%get3A_23, %get3A_24] : memref<2048x1024xf32, #tpu.memory_space<vmem>>, vector<2048x1024xf32>
    %get3A_26 = arith.constant 0 : index
    %get3A_27 = arith.constant 0 : index
    %get3A_28 = vector.load %arg5[%get3A_26, %get3A_27] : memref<1024x64xf32, #tpu.memory_space<vmem>>, vector<1024x64xf32>
    %dot_general3A_29 = arith.constant dense<0.000000e+00> : vector<2048x64xf32>
    %dot_general3A_30 = tpu.matmul %get3A_25, %get3A_28, %dot_general3A_29 {dimension_numbers = #tpu.dot_dimension_numbers<[1], [0], [0], [1], [0, 0, 1, 1], [], []>, transpose_lhs_hint = false} : vector<2048x1024xf32>, vector<1024x64xf32>, vector<2048x64xf32> -> vector<2048x64xf32>
    %swap3A_31 = arith.constant 0 : index
    %swap3A_32 = arith.constant 0 : index
    %swap3A_33 = vector.load %arg15[%swap3A_31, %swap3A_32] : memref<2048x64xf32, #tpu.memory_space<vmem>>, vector<2048x64xf32>
    tpu.vector_store %arg15[%swap3A_31, %swap3A_32], %dot_general3A_30 {strides = array<i32>} : memref<2048x64xf32, #tpu.memory_space<vmem>>, vector<2048x64xf32>,
    %get3A_34 = arith.constant 0 : index
    %get3A_35 = arith.constant 0 : index
    %get3A_36 = vector.load %arg10[%get3A_34, %get3A_35] : memref<64x3xbf16, #tpu.memory_space<vmem>>, vector<64x3xbf16>
    %gt3A_37 = arith.constant 0.000000e+00 : f32
    %gt3A_38 = vector.broadcast %gt3A_37 : f32 to vector<2048x64xf32>
    %gt3A_39 = arith.cmpf ogt, %dot_general3A_13, %gt3A_38 : vector<2048x64xf32>
    %jit3A_40 = arith.constant 1.000000e+00 : f32
    %jit3A_41 = arith.constant 0.000000e+00 : f32
    %broadcast_in_dim3A_42 = vector.broadcast %jit3A_40 : f32 to vector<2048x64xf32>
    %broadcast_in_dim3A_43 = vector.broadcast %jit3A_41 : f32 to vector<2048x64xf32>
    %select_n3A_44 = arith.select %gt3A_39, %broadcast_in_dim3A_42, %broadcast_in_dim3A_43 : vector<2048x64xi1>, vector<2048x64xf32>
    %convert_element_type3A_45 = arith.truncf %select_n3A_44 : vector<2048x64xf32> to vector<2048x64xbf16>
    %dot_general3A_46 = arith.constant dense<0.000000e+00> : vector<3x2048xf32>
    %dot_general3A_47 = tpu.matmul %get3A_36, %convert_element_type3A_45, %dot_general3A_46 {dimension_numbers = #tpu.dot_dimension_numbers<[0], [1], [1], [0], [0, 1, 1, 0], [], []>, transpose_lhs_hint = false} : vector<64x3xbf16>, vector<2048x64xbf16>, vector<3x2048xf32> -> vector<3x2048xf32>
    %convert_element_type3A_48 = arith.fptosi %dot_general3A_47 : vector<3x2048xf32> to vector<3x2048xi32>
    %swap3A_49 = arith.constant 0 : index
    %swap3A_50 = arith.constant 0 : index
    %swap3A_51 = vector.load %arg17[%swap3A_49, %swap3A_50] : memref<3x2048xi32, #tpu.memory_space<vmem>>, vector<3x2048xi32>
    tpu.vector_store %arg17[%swap3A_49, %swap3A_50], %convert_element_type3A_48 {strides = array<i32>} : memref<3x2048xi32, #tpu.memory_space<vmem>>, vector<3x2048xi32>,
    %get3A_52 = arith.constant 0 : index
    %get3A_53 = arith.constant 0 : index
    %get3A_54 = arith.constant 0 : index
    %get3A_55 = vector.load %arg6[%get3A_52, %get3A_53, %get3A_54] : memref<12x64x32xf32, #tpu.memory_space<vmem>>, vector<1x64x32xf32>
    %get3A_56 = vector.shape_cast %get3A_55 : vector<1x64x32xf32> to vector<64x32xf32>
    %get3A_57 = arith.constant 0 : index
    %get3A_58 = arith.constant 0 : index
    %get3A_59 = arith.constant 0 : index
    %get3A_60 = vector.load %arg7[%get3A_57, %get3A_58, %get3A_59] : memref<12x32x64xf32, #tpu.memory_space<vmem>>, vector<1x32x64xf32>
    %get3A_61 = vector.shape_cast %get3A_60 : vector<1x32x64xf32> to vector<32x64xf32>
    %dot_general3A_62 = arith.constant dense<0.000000e+00> : vector<64x64xf32>
    %dot_general3A_63 = tpu.matmul %get3A_56, %get3A_61, %dot_general3A_62 {dimension_numbers = #tpu.dot_dimension_numbers<[1], [0], [0], [1], [0, 0, 1, 1], [], []>, transpose_lhs_hint = false} : vector<64x32xf32>, vector<32x64xf32>, vector<64x64xf32> -> vector<64x64xf32>
    %get3A_64 = arith.constant 0 : index
    %get3A_65 = arith.constant 0 : index
    %get3A_66 = arith.constant 0 : index
    %get3A_67 = vector.load %arg8[%get3A_64, %get3A_65, %get3A_66] : memref<12x64x32xf32, #tpu.memory_space<vmem>>, vector<1x64x32xf32>
    %get3A_68 = vector.shape_cast %get3A_67 : vector<1x64x32xf32> to vector<64x32xf32>
    %get3A_69 = arith.constant 0 : index
    %get3A_70 = arith.constant 0 : index
    %get3A_71 = arith.constant 0 : index
    %get3A_72 = vector.load %arg9[%get3A_69, %get3A_70, %get3A_71] : memref<12x32x64xf32, #tpu.memory_space<vmem>>, vector<1x32x64xf32>
    %get3A_73 = vector.shape_cast %get3A_72 : vector<1x32x64xf32> to vector<32x64xf32>
    %dot_general3A_74 = arith.constant dense<0.000000e+00> : vector<64x64xf32>
    %dot_general3A_75 = tpu.matmul %get3A_68, %get3A_73, %dot_general3A_74 {dimension_numbers = #tpu.dot_dimension_numbers<[1], [0], [0], [1], [0, 0, 1, 1], [], []>, transpose_lhs_hint = false} : vector<64x32xf32>, vector<32x64xf32>, vector<64x64xf32> -> vector<64x64xf32>
    %dot_general3A_76 = arith.constant dense<0.000000e+00> : vector<64x64xf32>
    %dot_general3A_77 = tpu.matmul %dot_general3A_63, %dot_general3A_75, %dot_general3A_76 {dimension_numbers = #tpu.dot_dimension_numbers<[0], [0], [1], [1], [0, 1, 1, 1], [], []>, transpose_lhs_hint = false} : vector<64x64xf32>, vector<64x64xf32>, vector<64x64xf32> -> vector<64x64xf32>
    %dot_general3A_78 = arith.constant dense<0.000000e+00> : vector<2048x64xf32>
    %dot_general3A_79 = tpu.matmul %dot_general3A_5, %dot_general3A_77, %dot_general3A_78 {dimension_numbers = #tpu.dot_dimension_numbers<[1], [0], [0], [1], [0, 0, 1, 1], [], []>, transpose_lhs_hint = false} : vector<2048x64xf32>, vector<64x64xf32>, vector<2048x64xf32> -> vector<2048x64xf32>
    %swap3A_80 = arith.constant 0 : index
    %swap3A_81 = arith.constant 0 : index
    %swap3A_82 = arith.constant 0 : index
    %swap3A_83 = vector.load %arg11[%swap3A_80, %swap3A_81, %swap3A_82] : memref<12x2048x64xf32, #tpu.memory_space<vmem>>, vector<1x2048x64xf32>
    %swap3A_84 = vector.shape_cast %swap3A_83 : vector<1x2048x64xf32> to vector<2048x64xf32>
    %swap3A_85 = vector.shape_cast %dot_general3A_79 : vector<2048x64xf32> to vector<1x2048x64xf32>
    tpu.vector_store %arg11[%swap3A_80, %swap3A_81, %swap3A_82], %swap3A_85 {strides = array<i32>} : memref<12x2048x64xf32, #tpu.memory_space<vmem>>, vector<1x2048x64xf32>,
    %gt3A_86 = arith.constant 0.000000e+00 : f32
    %gt3A_87 = vector.broadcast %gt3A_86 : f32 to vector<2048x64xf32>
    %gt3A_88 = arith.cmpf ogt, %dot_general3A_79, %gt3A_87 : vector<2048x64xf32>
    %jit3A_89 = arith.constant 1.000000e+00 : f32
    %jit3A_90 = arith.constant -1.000000e+00 : f32
    %broadcast_in_dim3A_91 = vector.broadcast %jit3A_89 : f32 to vector<2048x64xf32>
    %broadcast_in_dim3A_92 = vector.broadcast %jit3A_90 : f32 to vector<2048x64xf32>
    %select_n3A_93 = arith.select %gt3A_88, %broadcast_in_dim3A_91, %broadcast_in_dim3A_92 : vector<2048x64xi1>, vector<2048x64xf32>
    %convert_element_type3A_94 = arith.truncf %select_n3A_93 : vector<2048x64xf32> to vector<2048x64xbf16>
    %swap3A_95 = arith.constant 0 : index
    %swap3A_96 = arith.constant 0 : index
    %swap3A_97 = arith.constant 0 : index
    %swap3A_98 = vector.load %arg12[%swap3A_95, %swap3A_96, %swap3A_97] : memref<12x2048x64xbf16, #tpu.memory_space<vmem>>, vector<1x2048x64xbf16>
    %swap3A_99 = vector.shape_cast %swap3A_98 : vector<1x2048x64xbf16> to vector<2048x64xbf16>
    %swap3A_100 = vector.shape_cast %convert_element_type3A_94 : vector<2048x64xbf16> to vector<1x2048x64xbf16>
    tpu.vector_store %arg12[%swap3A_95, %swap3A_96, %swap3A_97], %swap3A_100 {strides = array<i32>} : memref<12x2048x64xbf16, #tpu.memory_space<vmem>>, vector<1x2048x64xbf16>,
    %gt3A_101 = arith.constant 0.000000e+00 : f32
    %gt3A_102 = vector.broadcast %gt3A_101 : f32 to vector<2048x64xf32>
    %gt3A_103 = arith.cmpf ogt, %dot_general3A_79, %gt3A_102 : vector<2048x64xf32>
    %jit3A_104 = arith.constant 1.000000e+00 : f32
    %jit3A_105 = arith.constant 0.000000e+00 : f32
    %broadcast_in_dim3A_106 = vector.broadcast %jit3A_104 : f32 to vector<2048x64xf32>
    %broadcast_in_dim3A_107 = vector.broadcast %jit3A_105 : f32 to vector<2048x64xf32>
    %select_n3A_108 = arith.select %gt3A_103, %broadcast_in_dim3A_106, %broadcast_in_dim3A_107 : vector<2048x64xi1>, vector<2048x64xf32>
    %convert_element_type3A_109 = arith.truncf %select_n3A_108 : vector<2048x64xf32> to vector<2048x64xbf16>
    %dot_general3A_110 = arith.constant dense<0.000000e+00> : vector<3x2048xf32>
    %dot_general3A_111 = tpu.matmul %get3A_36, %convert_element_type3A_109, %dot_general3A_110 {dimension_numbers = #tpu.dot_dimension_numbers<[0], [1], [1], [0], [0, 1, 1, 0], [], []>, transpose_lhs_hint = false} : vector<64x3xbf16>, vector<2048x64xbf16>, vector<3x2048xf32> -> vector<3x2048xf32>
    %convert_element_type3A_112 = arith.fptosi %dot_general3A_111 : vector<3x2048xf32> to vector<3x2048xi32>
    %swap3A_113 = arith.constant 0 : index
    %swap3A_114 = arith.constant 0 : index
    %swap3A_115 = arith.constant 0 : index
    %swap3A_116 = vector.load %arg16[%swap3A_113, %swap3A_114, %swap3A_115] : memref<12x3x2048xi32, #tpu.memory_space<vmem>>, vector<1x3x2048xi32>
    %swap3A_117 = vector.shape_cast %swap3A_116 : vector<1x3x2048xi32> to vector<3x2048xi32>
    %swap3A_118 = vector.shape_cast %convert_element_type3A_112 : vector<3x2048xi32> to vector<1x3x2048xi32>
    tpu.vector_store %arg16[%swap3A_113, %swap3A_114, %swap3A_115], %swap3A_118 {strides = array<i32>} : memref<12x3x2048xi32, #tpu.memory_space<vmem>>, vector<1x3x2048xi32>,
    %get3A_119 = arith.constant 1 : index
    %get3A_120 = arith.constant 0 : index
    %get3A_121 = arith.constant 0 : index
    %get3A_122 = vector.load %arg6[%get3A_119, %get3A_120, %get3A_121] : memref<12x64x32xf32, #tpu.memory_space<vmem>>, vector<1x64x32xf32>
    %get3A_123 = vector.shape_cast %get3A_122 : vector<1x64x32xf32> to vector<64x32xf32>
    %get3A_124 = arith.constant 1 : index
    %get3A_125 = arith.constant 0 : index
    %get3A_126 = arith.constant 0 : index
    %get3A_127 = vector.load %arg7[%get3A_124, %get3A_125, %get3A_126] : memref<12x32x64xf32, #tpu.memory_space<vmem>>, vector<1x32x64xf32>
    %get3A_128 = vector.shape_cast %get3A_127 : vector<1x32x64xf32> to vector<32x64xf32>
    %dot_general3A_129 = arith.constant dense<0.000000e+00> : vector<64x64xf32>
    %dot_general3A_130 = tpu.matmul %get3A_123, %get3A_128, %dot_general3A_129 {dimension_numbers = #tpu.dot_dimension_numbers<[1], [0], [0], [1], [0, 0, 1, 1], [], []>, transpose_lhs_hint = false} : vector<64x32xf32>, vector<32x64xf32>, vector<64x64xf32> -> vector<64x64xf32>
    %get3A_131 = arith.constant 1 : index
    %get3A_132 = arith.constant 0 : index
    %get3A_133 = arith.constant 0 : index
    %get3A_134 = vector.load %arg8[%get3A_131, %get3A_132, %get3A_133] : memref<12x64x32xf32, #tpu.memory_space<vmem>>, vector<1x64x32xf32>
    %get3A_135 = vector.shape_cast %get3A_134 : vector<1x64x32xf32> to vector<64x32xf32>
    %get3A_136 = arith.constant 1 : index
    %get3A_137 = arith.constant 0 : index
    %get3A_138 = arith.constant 0 : index
    %get3A_139 = vector.load %arg9[%get3A_136, %get3A_137, %get3A_138] : memref<12x32x64xf32, #tpu.memory_space<vmem>>, vector<1x32x64xf32>
    %get3A_140 = vector.shape_cast %get3A_139 : vector<1x32x64xf32> to vector<32x64xf32>
    %dot_general3A_141 = arith.constant dense<0.000000e+00> : vector<64x64xf32>
    %dot_general3A_142 = tpu.matmul %get3A_135, %get3A_140, %dot_general3A_141 {dimension_numbers = #tpu.dot_dimension_numbers<[1], [0], [0], [1], [0, 0, 1, 1], [], []>, transpose_lhs_hint = false} : vector<64x32xf32>, vector<32x64xf32>, vector<64x64xf32> -> vector<64x64xf32>
    %dot_general3A_143 = arith.constant dense<0.000000e+00> : vector<64x64xf32>
    %dot_general3A_144 = tpu.matmul %dot_general3A_130, %dot_general3A_142, %dot_general3A_143 {dimension_numbers = #tpu.dot_dimension_numbers<[0], [0], [1], [1], [0, 1, 1, 1], [], []>, transpose_lhs_hint = false} : vector<64x64xf32>, vector<64x64xf32>, vector<64x64xf32> -> vector<64x64xf32>
    %dot_general3A_145 = arith.constant dense<0.000000e+00> : vector<2048x64xf32>
    %dot_general3A_146 = tpu.matmul %dot_general3A_5, %dot_general3A_144, %dot_general3A_145 {dimension_numbers = #tpu.dot_dimension_numbers<[1], [0], [0], [1], [0, 0, 1, 1], [], []>, transpose_lhs_hint = false} : vector<2048x64xf32>, vector<64x64xf32>, vector<2048x64xf32> -> vector<2048x64xf32>
    %swap3A_147 = arith.constant 1 : index
    %swap3A_148 = arith.constant 0 : index
    %swap3A_149 = arith.constant 0 : index
    %swap3A_150 = vector.load %arg11[%swap3A_147, %swap3A_148, %swap3A_149] : memref<12x2048x64xf32, #tpu.memory_space<vmem>>, vector<1x2048x64xf32>
    %swap3A_151 = vector.shape_cast %swap3A_150 : vector<1x2048x64xf32> to vector<2048x64xf32>
    %swap3A_152 = vector.shape_cast %dot_general3A_146 : vector<2048x64xf32> to vector<1x2048x64xf32>
    tpu.vector_store %arg11[%swap3A_147, %swap3A_148, %swap3A_149], %swap3A_152 {strides = array<i32>} : memref<12x2048x64xf32, #tpu.memory_space<vmem>>, vector<1x2048x64xf32>,
    %gt3A_153 = arith.constant 0.000000e+00 : f32
    %gt3A_154 = vector.broadcast %gt3A_153 : f32 to vector<2048x64xf32>
    %gt3A_155 = arith.cmpf ogt, %dot_general3A_146, %gt3A_154 : vector<2048x64xf32>
    %jit3A_156 = arith.constant 1.000000e+00 : f32
    %jit3A_157 = arith.constant -1.000000e+00 : f32
    %broadcast_in_dim3A_158 = vector.broadcast %jit3A_156 : f32 to vector<2048x64xf32>
    %broadcast_in_dim3A_159 = vector.broadcast %jit3A_157 : f32 to vector<2048x64xf32>
    %select_n3A_160 = arith.select %gt3A_155, %broadcast_in_dim3A_158, %broadcast_in_dim3A_159 : vector<2048x64xi1>, vector<2048x64xf32>
    %convert_element_type3A_161 = arith.truncf %select_n3A_160 : vector<2048x64xf32> to vector<2048x64xbf16>
    %swap3A_162 = arith.constant 1 : index
    %swap3A_163 = arith.constant 0 : index
    %swap3A_164 = arith.constant 0 : index
    %swap3A_165 = vector.load %arg12[%swap3A_162, %swap3A_163, %swap3A_164] : memref<12x2048x64xbf16, #tpu.memory_space<vmem>>, vector<1x2048x64xbf16>
    %swap3A_166 = vector.shape_cast %swap3A_165 : vector<1x2048x64xbf16> to vector<2048x64xbf16>
    %swap3A_167 = vector.shape_cast %convert_element_type3A_161 : vector<2048x64xbf16> to vector<1x2048x64xbf16>
    tpu.vector_store %arg12[%swap3A_162, %swap3A_163, %swap3A_164], %swap3A_167 {strides = array<i32>} : memref<12x2048x64xbf16, #tpu.memory_space<vmem>>, vector<1x2048x64xbf16>,
    %gt3A_168 = arith.constant 0.000000e+00 : f32
    %gt3A_169 = vector.broadcast %gt3A_168 : f32 to vector<2048x64xf32>
    %gt3A_170 = arith.cmpf ogt, %dot_general3A_146, %gt3A_169 : vector<2048x64xf32>
    %jit3A_171 = arith.constant 1.000000e+00 : f32
    %jit3A_172 = arith.constant 0.000000e+00 : f32
    %broadcast_in_dim3A_173 = vector.broadcast %jit3A_171 : f32 to vector<2048x64xf32>
    %broadcast_in_dim3A_174 = vector.broadcast %jit3A_172 : f32 to vector<2048x64xf32>
    %select_n3A_175 = arith.select %gt3A_170, %broadcast_in_dim3A_173, %broadcast_in_dim3A_174 : vector<2048x64xi1>, vector<2048x64xf32>
    %convert_element_type3A_176 = arith.truncf %select_n3A_175 : vector<2048x64xf32> to vector<2048x64xbf16>
    %dot_general3A_177 = arith.constant dense<0.000000e+00> : vector<3x2048xf32>
    %dot_general3A_178 = tpu.matmul %get3A_36, %convert_element_type3A_176, %dot_general3A_177 {dimension_numbers = #tpu.dot_dimension_numbers<[0], [1], [1], [0], [0, 1, 1, 0], [], []>, transpose_lhs_hint = false} : vector<64x3xbf16>, vector<2048x64xbf16>, vector<3x2048xf32> -> vector<3x2048xf32>
    %convert_element_type3A_179 = arith.fptosi %dot_general3A_178 : vector<3x2048xf32> to vector<3x2048xi32>
    %swap3A_180 = arith.constant 1 : index
    %swap3A_181 = arith.constant 0 : index
    %swap3A_182 = arith.constant 0 : index
    %swap3A_183 = vector.load %arg16[%swap3A_180, %swap3A_181, %swap3A_182] : memref<12x3x2048xi32, #tpu.memory_space<vmem>>, vector<1x3x2048xi32>
    %swap3A_184 = vector.shape_cast %swap3A_183 : vector<1x3x2048xi32> to vector<3x2048xi32>
    %swap3A_185 = vector.shape_cast %convert_element_type3A_179 : vector<3x2048xi32> to vector<1x3x2048xi32>
    tpu.vector_store %arg16[%swap3A_180, %swap3A_181, %swap3A_182], %swap3A_185 {strides = array<i32>} : memref<12x3x2048xi32, #tpu.memory_space<vmem>>, vector<1x3x2048xi32>,
    %get3A_186 = arith.constant 2 : index
    %get3A_187 = arith.constant 0 : index
    %get3A_188 = arith.constant 0 : index
    %get3A_189 = vector.load %arg6[%get3A_186, %get3A_187, %get3A_188] : memref<12x64x32xf32, #tpu.memory_space<vmem>>, vector<1x64x32xf32>
    %get3A_190 = vector.shape_cast %get3A_189 : vector<1x64x32xf32> to vector<64x32xf32>
    %get3A_191 = arith.constant 2 : index
    %get3A_192 = arith.constant 0 : index
    %get3A_193 = arith.constant 0 : index
    %get3A_194 = vector.load %arg7[%get3A_191, %get3A_192, %get3A_193] : memref<12x32x64xf32, #tpu.memory_space<vmem>>, vector<1x32x64xf32>
    %get3A_195 = vector.shape_cast %get3A_194 : vector<1x32x64xf32> to vector<32x64xf32>
    %dot_general3A_196 = arith.constant dense<0.000000e+00> : vector<64x64xf32>
    %dot_general3A_197 = tpu.matmul %get3A_190, %get3A_195, %dot_general3A_196 {dimension_numbers = #tpu.dot_dimension_numbers<[1], [0], [0], [1], [0, 0, 1, 1], [], []>, transpose_lhs_hint = false} : vector<64x32xf32>, vector<32x64xf32>, vector<64x64xf32> -> vector<64x64xf32>
    %get3A_198 = arith.constant 2 : index
    %get3A_199 = arith.constant 0 : index
    %get3A_200 = arith.constant 0 : index
    %get3A_201 = vector.load %arg8[%get3A_198, %get3A_199, %get3A_200] : memref<12x64x32xf32, #tpu.memory_space<vmem>>, vector<1x64x32xf32>
    %get3A_202 = vector.shape_cast %get3A_201 : vector<1x64x32xf32> to vector<64x32xf32>
    %get3A_203 = arith.constant 2 : index
    %get3A_204 = arith.constant 0 : index
    %get3A_205 = arith.constant 0 : index
    %get3A_206 = vector.load %arg9[%get3A_203, %get3A_204, %get3A_205] : memref<12x32x64xf32, #tpu.memory_space<vmem>>, vector<1x32x64xf32>
    %get3A_207 = vector.shape_cast %get3A_206 : vector<1x32x64xf32> to vector<32x64xf32>
    %dot_general3A_208 = arith.constant dense<0.000000e+00> : vector<64x64xf32>
    %dot_general3A_209 = tpu.matmul %get3A_202, %get3A_207, %dot_general3A_208 {dimension_numbers = #tpu.dot_dimension_numbers<[1], [0], [0], [1], [0, 0, 1, 1], [], []>, transpose_lhs_hint = false} : vector<64x32xf32>, vector<32x64xf32>, vector<64x64xf32> -> vector<64x64xf32>
    %dot_general3A_210 = arith.constant dense<0.000000e+00> : vector<64x64xf32>
    %dot_general3A_211 = tpu.matmul %dot_general3A_197, %dot_general3A_209, %dot_general3A_210 {dimension_numbers = #tpu.dot_dimension_numbers<[0], [0], [1], [1], [0, 1, 1, 1], [], []>, transpose_lhs_hint = false} : vector<64x64xf32>, vector<64x64xf32>, vector<64x64xf32> -> vector<64x64xf32>
    %dot_general3A_212 = arith.constant dense<0.000000e+00> : vector<2048x64xf32>
    %dot_general3A_213 = tpu.matmul %dot_general3A_5, %dot_general3A_211, %dot_general3A_212 {dimension_numbers = #tpu.dot_dimension_numbers<[1], [0], [0], [1], [0, 0, 1, 1], [], []>, transpose_lhs_hint = false} : vector<2048x64xf32>, vector<64x64xf32>, vector<2048x64xf32> -> vector<2048x64xf32>
    %swap3A_214 = arith.constant 2 : index
    %swap3A_215 = arith.constant 0 : index
    %swap3A_216 = arith.constant 0 : index
    %swap3A_217 = vector.load %arg11[%swap3A_214, %swap3A_215, %swap3A_216] : memref<12x2048x64xf32, #tpu.memory_space<vmem>>, vector<1x2048x64xf32>
    %swap3A_218 = vector.shape_cast %swap3A_217 : vector<1x2048x64xf32> to vector<2048x64xf32>
    %swap3A_219 = vector.shape_cast %dot_general3A_213 : vector<2048x64xf32> to vector<1x2048x64xf32>
    tpu.vector_store %arg11[%swap3A_214, %swap3A_215, %swap3A_216], %swap3A_219 {strides = array<i32>} : memref<12x2048x64xf32, #tpu.memory_space<vmem>>, vector<1x2048x64xf32>,
    %gt3A_220 = arith.constant 0.000000e+00 : f32
    %gt3A_221 = vector.broadcast %gt3A_220 : f32 to vector<2048x64xf32>
    %gt3A_222 = arith.cmpf ogt, %dot_general3A_213, %gt3A_221 : vector<2048x64xf32>
    %jit3A_223 = arith.constant 1.000000e+00 : f32
    %jit3A_224 = arith.constant -1.000000e+00 : f32
    %broadcast_in_dim3A_225 = vector.broadcast %jit3A_223 : f32 to vector<2048x64xf32>
    %broadcast_in_dim3A_226 = vector.broadcast %jit3A_224 : f32 to vector<2048x64xf32>
    %select_n3A_227 = arith.select %gt3A_222, %broadcast_in_dim3A_225, %broadcast_in_dim3A_226 : vector<2048x64xi1>, vector<2048x64xf32>
    %convert_element_type3A_228 = arith.truncf %select_n3A_227 : vector<2048x64xf32> to vector<2048x64xbf16>
    %swap3A_229 = arith.constant 2 : index
    %swap3A_230 = arith.constant 0 : index
    %swap3A_231 = arith.constant 0 : index
    %swap3A_232 = vector.load %arg12[%swap3A_229, %swap3A_230, %swap3A_231] : memref<12x2048x64xbf16, #tpu.memory_space<vmem>>, vector<1x2048x64xbf16>
    %swap3A_233 = vector.shape_cast %swap3A_232 : vector<1x2048x64xbf16> to vector<2048x64xbf16>
    %swap3A_234 = vector.shape_cast %convert_element_type3A_228 : vector<2048x64xbf16> to vector<1x2048x64xbf16>
    tpu.vector_store %arg12[%swap3A_229, %swap3A_230, %swap3A_231], %swap3A_234 {strides = array<i32>} : memref<12x2048x64xbf16, #tpu.memory_space<vmem>>, vector<1x2048x64xbf16>,
    %gt3A_235 = arith.constant 0.000000e+00 : f32
    %gt3A_236 = vector.broadcast %gt3A_235 : f32 to vector<2048x64xf32>
    %gt3A_237 = arith.cmpf ogt, %dot_general3A_213, %gt3A_236 : vector<2048x64xf32>
    %jit3A_238 = arith.constant 1.000000e+00 : f32
    %jit3A_239 = arith.constant 0.000000e+00 : f32
    %broadcast_in_dim3A_240 = vector.broadcast %jit3A_238 : f32 to vector<2048x64xf32>
    %broadcast_in_dim3A_241 = vector.broadcast %jit3A_239 : f32 to vector<2048x64xf32>
    %select_n3A_242 = arith.select %gt3A_237, %broadcast_in_dim3A_240, %broadcast_in_dim3A_241 : vector<2048x64xi1>, vector<2048x64xf32>
    %convert_element_type3A_243 = arith.truncf %select_n3A_242 : vector<2048x64xf32> to vector<2048x64xbf16>
    %dot_general3A_244 = arith.constant dense<0.000000e+00> : vector<3x2048xf32>
    %dot_general3A_245 = tpu.matmul %get3A_36, %convert_element_type3A_243, %dot_general3A_244 {dimension_numbers = #tpu.dot_dimension_numbers<[0], [1], [1], [0], [0, 1, 1, 0], [], []>, transpose_lhs_hint = false} : vector<64x3xbf16>, vector<2048x64xbf16>, vector<3x2048xf32> -> vector<3x2048xf32>
    %convert_element_type3A_246 = arith.fptosi %dot_general3A_245 : vector<3x2048xf32> to vector<3x2048xi32>
    %swap3A_247 = arith.constant 2 : index
    %swap3A_248 = arith.constant 0 : index
    %swap3A_249 = arith.constant 0 : index
    %swap3A_250 = vector.load %arg16[%swap3A_247, %swap3A_248, %swap3A_249] : memref<12x3x2048xi32, #tpu.memory_space<vmem>>, vector<1x3x2048xi32>
    %swap3A_251 = vector.shape_cast %swap3A_250 : vector<1x3x2048xi32> to vector<3x2048xi32>
    %swap3A_252 = vector.shape_cast %convert_element_type3A_246 : vector<3x2048xi32> to vector<1x3x2048xi32>
    tpu.vector_store %arg16[%swap3A_247, %swap3A_248, %swap3A_249], %swap3A_252 {strides = array<i32>} : memref<12x3x2048xi32, #tpu.memory_space<vmem>>, vector<1x3x2048xi32>,
    %get3A_253 = arith.constant 3 : index
    %get3A_254 = arith.constant 0 : index
    %get3A_255 = arith.constant 0 : index
    %get3A_256 = vector.load %arg6[%get3A_253, %get3A_254, %get3A_255] : memref<12x64x32xf32, #tpu.memory_space<vmem>>, vector<1x64x32xf32>
    %get3A_257 = vector.shape_cast %get3A_256 : vector<1x64x32xf32> to vector<64x32xf32>
    %get3A_258 = arith.constant 3 : index
    %get3A_259 = arith.constant 0 : index
    %get3A_260 = arith.constant 0 : index
    %get3A_261 = vector.load %arg7[%get3A_258, %get3A_259, %get3A_260] : memref<12x32x64xf32, #tpu.memory_space<vmem>>, vector<1x32x64xf32>
    %get3A_262 = vector.shape_cast %get3A_261 : vector<1x32x64xf32> to vector<32x64xf32>
    %dot_general3A_263 = arith.constant dense<0.000000e+00> : vector<64x64xf32>
    %dot_general3A_264 = tpu.matmul %get3A_257, %get3A_262, %dot_general3A_263 {dimension_numbers = #tpu.dot_dimension_numbers<[1], [0], [0], [1], [0, 0, 1, 1], [], []>, transpose_lhs_hint = false} : vector<64x32xf32>, vector<32x64xf32>, vector<64x64xf32> -> vector<64x64xf32>
    %get3A_265 = arith.constant 3 : index
    %get3A_266 = arith.constant 0 : index
    %get3A_267 = arith.constant 0 : index
    %get3A_268 = vector.load %arg8[%get3A_265, %get3A_266, %get3A_267] : memref<12x64x32xf32, #tpu.memory_space<vmem>>, vector<1x64x32xf32>
    %get3A_269 = vector.shape_cast %get3A_268 : vector<1x64x32xf32> to vector<64x32xf32>
    %get3A_270 = arith.constant 3 : index
    %get3A_271 = arith.constant 0 : index
    %get3A_272 = arith.constant 0 : index
    %get3A_273 = vector.load %arg9[%get3A_270, %get3A_271, %get3A_272] : memref<12x32x64xf32, #tpu.memory_space<vmem>>, vector<1x32x64xf32>
    %get3A_274 = vector.shape_cast %get3A_273 : vector<1x32x64xf32> to vector<32x64xf32>
    %dot_general3A_275 = arith.constant dense<0.000000e+00> : vector<64x64xf32>
    %dot_general3A_276 = tpu.matmul %get3A_269, %get3A_274, %dot_general3A_275 {dimension_numbers = #tpu.dot_dimension_numbers<[1], [0], [0], [1], [0, 0, 1, 1], [], []>, transpose_lhs_hint = false} : vector<64x32xf32>, vector<32x64xf32>, vector<64x64xf32> -> vector<64x64xf32>
    %dot_general3A_277 = arith.constant dense<0.000000e+00> : vector<64x64xf32>
    %dot_general3A_278 = tpu.matmul %dot_general3A_264, %dot_general3A_276, %dot_general3A_277 {dimension_numbers = #tpu.dot_dimension_numbers<[0], [0], [1], [1], [0, 1, 1, 1], [], []>, transpose_lhs_hint = false} : vector<64x64xf32>, vector<64x64xf32>, vector<64x64xf32> -> vector<64x64xf32>
    %dot_general3A_279 = arith.constant dense<0.000000e+00> : vector<2048x64xf32>
    %dot_general3A_280 = tpu.matmul %dot_general3A_5, %dot_general3A_278, %dot_general3A_279 {dimension_numbers = #tpu.dot_dimension_numbers<[1], [0], [0], [1], [0, 0, 1, 1], [], []>, transpose_lhs_hint = false} : vector<2048x64xf32>, vector<64x64xf32>, vector<2048x64xf32> -> vector<2048x64xf32>
    %swap3A_281 = arith.constant 3 : index
    %swap3A_282 = arith.constant 0 : index
    %swap3A_283 = arith.constant 0 : index
    %swap3A_284 = vector.load %arg11[%swap3A_281, %swap3A_282, %swap3A_283] : memref<12x2048x64xf32, #tpu.memory_space<vmem>>, vector<1x2048x64xf32>
    %swap3A_285 = vector.shape_cast %swap3A_284 : vector<1x2048x64xf32> to vector<2048x64xf32>
    %swap3A_286 = vector.shape_cast %dot_general3A_280 : vector<2048x64xf32> to vector<1x2048x64xf32>
    tpu.vector_store %arg11[%swap3A_281, %swap3A_282, %swap3A_283], %swap3A_286 {strides = array<i32>} : memref<12x2048x64xf32, #tpu.memory_space<vmem>>, vector<1x2048x64xf32>,
    %gt3A_287 = arith.constant 0.000000e+00 : f32
    %gt3A_288 = vector.broadcast %gt3A_287 : f32 to vector<2048x64xf32>
    %gt3A_289 = arith.cmpf ogt, %dot_general3A_280, %gt3A_288 : vector<2048x64xf32>
    %jit3A_290 = arith.constant 1.000000e+00 : f32
    %jit3A_291 = arith.constant -1.000000e+00 : f32
    %broadcast_in_dim3A_292 = vector.broadcast %jit3A_290 : f32 to vector<2048x64xf32>
    %broadcast_in_dim3A_293 = vector.broadcast %jit3A_291 : f32 to vector<2048x64xf32>
    %select_n3A_294 = arith.select %gt3A_289, %broadcast_in_dim3A_292, %broadcast_in_dim3A_293 : vector<2048x64xi1>, vector<2048x64xf32>
    %convert_element_type3A_295 = arith.truncf %select_n3A_294 : vector<2048x64xf32> to vector<2048x64xbf16>
    %swap3A_296 = arith.constant 3 : index
    %swap3A_297 = arith.constant 0 : index
    %swap3A_298 = arith.constant 0 : index
    %swap3A_299 = vector.load %arg12[%swap3A_296, %swap3A_297, %swap3A_298] : memref<12x2048x64xbf16, #tpu.memory_space<vmem>>, vector<1x2048x64xbf16>
    %swap3A_300 = vector.shape_cast %swap3A_299 : vector<1x2048x64xbf16> to vector<2048x64xbf16>
    %swap3A_301 = vector.shape_cast %convert_element_type3A_295 : vector<2048x64xbf16> to vector<1x2048x64xbf16>
    tpu.vector_store %arg12[%swap3A_296, %swap3A_297, %swap3A_298], %swap3A_301 {strides = array<i32>} : memref<12x2048x64xbf16, #tpu.memory_space<vmem>>, vector<1x2048x64xbf16>,
    %gt3A_302 = arith.constant 0.000000e+00 : f32
    %gt3A_303 = vector.broadcast %gt3A_302 : f32 to vector<2048x64xf32>
    %gt3A_304 = arith.cmpf ogt, %dot_general3A_280, %gt3A_303 : vector<2048x64xf32>
    %jit3A_305 = arith.constant 1.000000e+00 : f32
    %jit3A_306 = arith.constant 0.000000e+00 : f32
    %broadcast_in_dim3A_307 = vector.broadcast %jit3A_305 : f32 to vector<2048x64xf32>
    %broadcast_in_dim3A_308 = vector.broadcast %jit3A_306 : f32 to vector<2048x64xf32>
    %select_n3A_309 = arith.select %gt3A_304, %broadcast_in_dim3A_307, %broadcast_in_dim3A_308 : vector<2048x64xi1>, vector<2048x64xf32>
    %convert_element_type3A_310 = arith.truncf %select_n3A_309 : vector<2048x64xf32> to vector<2048x64xbf16>
    %dot_general3A_311 = arith.constant dense<0.000000e+00> : vector<3x2048xf32>
    %dot_general3A_312 = tpu.matmul %get3A_36, %convert_element_type3A_310, %dot_general3A_311 {dimension_numbers = #tpu.dot_dimension_numbers<[0], [1], [1], [0], [0, 1, 1, 0], [], []>, transpose_lhs_hint = false} : vector<64x3xbf16>, vector<2048x64xbf16>, vector<3x2048xf32> -> vector<3x2048xf32>
    %convert_element_type3A_313 = arith.fptosi %dot_general3A_312 : vector<3x2048xf32> to vector<3x2048xi32>
    %swap3A_314 = arith.constant 3 : index
    %swap3A_315 = arith.constant 0 : index
    %swap3A_316 = arith.constant 0 : index
    %swap3A_317 = vector.load %arg16[%swap3A_314, %swap3A_315, %swap3A_316] : memref<12x3x2048xi32, #tpu.memory_space<vmem>>, vector<1x3x2048xi32>
    %swap3A_318 = vector.shape_cast %swap3A_317 : vector<1x3x2048xi32> to vector<3x2048xi32>
    %swap3A_319 = vector.shape_cast %convert_element_type3A_313 : vector<3x2048xi32> to vector<1x3x2048xi32>
    tpu.vector_store %arg16[%swap3A_314, %swap3A_315, %swap3A_316], %swap3A_319 {strides = array<i32>} : memref<12x3x2048xi32, #tpu.memory_space<vmem>>, vector<1x3x2048xi32>,
    %get3A_320 = arith.constant 4 : index
    %get3A_321 = arith.constant 0 : index
    %get3A_322 = arith.constant 0 : index
    %get3A_323 = vector.load %arg6[%get3A_320, %get3A_321, %get3A_322] : memref<12x64x32xf32, #tpu.memory_space<vmem>>, vector<1x64x32xf32>
    %get3A_324 = vector.shape_cast %get3A_323 : vector<1x64x32xf32> to vector<64x32xf32>
    %get3A_325 = arith.constant 4 : index
    %get3A_326 = arith.constant 0 : index
    %get3A_327 = arith.constant 0 : index
    %get3A_328 = vector.load %arg7[%get3A_325, %get3A_326, %get3A_327] : memref<12x32x64xf32, #tpu.memory_space<vmem>>, vector<1x32x64xf32>
    %get3A_329 = vector.shape_cast %get3A_328 : vector<1x32x64xf32> to vector<32x64xf32>
    %dot_general3A_330 = arith.constant dense<0.000000e+00> : vector<64x64xf32>
    %dot_general3A_331 = tpu.matmul %get3A_324, %get3A_329, %dot_general3A_330 {dimension_numbers = #tpu.dot_dimension_numbers<[1], [0], [0], [1], [0, 0, 1, 1], [], []>, transpose_lhs_hint = false} : vector<64x32xf32>, vector<32x64xf32>, vector<64x64xf32> -> vector<64x64xf32>
    %get3A_332 = arith.constant 4 : index
    %get3A_333 = arith.constant 0 : index
    %get3A_334 = arith.constant 0 : index
    %get3A_335 = vector.load %arg8[%get3A_332, %get3A_333, %get3A_334] : memref<12x64x32xf32, #tpu.memory_space<vmem>>, vector<1x64x32xf32>
    %get3A_336 = vector.shape_cast %get3A_335 : vector<1x64x32xf32> to vector<64x32xf32>
    %get3A_337 = arith.constant 4 : index
    %get3A_338 = arith.constant 0 : index
    %get3A_339 = arith.constant 0 : index
    %get3A_340 = vector.load %arg9[%get3A_337, %get3A_338, %get3A_339] : memref<12x32x64xf32, #tpu.memory_space<vmem>>, vector<1x32x64xf32>
    %get3A_341 = vector.shape_cast %get3A_340 : vector<1x32x64xf32> to vector<32x64xf32>
    %dot_general3A_342 = arith.constant dense<0.000000e+00> : vector<64x64xf32>
    %dot_general3A_343 = tpu.matmul %get3A_336, %get3A_341, %dot_general3A_342 {dimension_numbers = #tpu.dot_dimension_numbers<[1], [0], [0], [1], [0, 0, 1, 1], [], []>, transpose_lhs_hint = false} : vector<64x32xf32>, vector<32x64xf32>, vector<64x64xf32> -> vector<64x64xf32>
    %dot_general3A_344 = arith.constant dense<0.000000e+00> : vector<64x64xf32>
    %dot_general3A_345 = tpu.matmul %dot_general3A_331, %dot_general3A_343, %dot_general3A_344 {dimension_numbers = #tpu.dot_dimension_numbers<[0], [0], [1], [1], [0, 1, 1, 1], [], []>, transpose_lhs_hint = false} : vector<64x64xf32>, vector<64x64xf32>, vector<64x64xf32> -> vector<64x64xf32>
    %dot_general3A_346 = arith.constant dense<0.000000e+00> : vector<2048x64xf32>
    %dot_general3A_347 = tpu.matmul %dot_general3A_5, %dot_general3A_345, %dot_general3A_346 {dimension_numbers = #tpu.dot_dimension_numbers<[1], [0], [0], [1], [0, 0, 1, 1], [], []>, transpose_lhs_hint = false} : vector<2048x64xf32>, vector<64x64xf32>, vector<2048x64xf32> -> vector<2048x64xf32>
    %swap3A_348 = arith.constant 4 : index
    %swap3A_349 = arith.constant 0 : index
    %swap3A_350 = arith.constant 0 : index
    %swap3A_351 = vector.load %arg11[%swap3A_348, %swap3A_349, %swap3A_350] : memref<12x2048x64xf32, #tpu.memory_space<vmem>>, vector<1x2048x64xf32>
    %swap3A_352 = vector.shape_cast %swap3A_351 : vector<1x2048x64xf32> to vector<2048x64xf32>
    %swap3A_353 = vector.shape_cast %dot_general3A_347 : vector<2048x64xf32> to vector<1x2048x64xf32>
    tpu.vector_store %arg11[%swap3A_348, %swap3A_349, %swap3A_350], %swap3A_353 {strides = array<i32>} : memref<12x2048x64xf32, #tpu.memory_space<vmem>>, vector<1x2048x64xf32>,
    %gt3A_354 = arith.constant 0.000000e+00 : f32
    %gt3A_355 = vector.broadcast %gt3A_354 : f32 to vector<2048x64xf32>
    %gt3A_356 = arith.cmpf ogt, %dot_general3A_347, %gt3A_355 : vector<2048x64xf32>
    %jit3A_357 = arith.constant 1.000000e+00 : f32
    %jit3A_358 = arith.constant -1.000000e+00 : f32
    %broadcast_in_dim3A_359 = vector.broadcast %jit3A_357 : f32 to vector<2048x64xf32>
    %broadcast_in_dim3A_360 = vector.broadcast %jit3A_358 : f32 to vector<2048x64xf32>
    %select_n3A_361 = arith.select %gt3A_356, %broadcast_in_dim3A_359, %broadcast_in_dim3A_360 : vector<2048x64xi1>, vector<2048x64xf32>
    %convert_element_type3A_362 = arith.truncf %select_n3A_361 : vector<2048x64xf32> to vector<2048x64xbf16>
    %swap3A_363 = arith.constant 4 : index
    %swap3A_364 = arith.constant 0 : index
    %swap3A_365 = arith.constant 0 : index
    %swap3A_366 = vector.load %arg12[%swap3A_363, %swap3A_364, %swap3A_365] : memref<12x2048x64xbf16, #tpu.memory_space<vmem>>, vector<1x2048x64xbf16>
    %swap3A_367 = vector.shape_cast %swap3A_366 : vector<1x2048x64xbf16> to vector<2048x64xbf16>
    %swap3A_368 = vector.shape_cast %convert_element_type3A_362 : vector<2048x64xbf16> to vector<1x2048x64xbf16>
    tpu.vector_store %arg12[%swap3A_363, %swap3A_364, %swap3A_365], %swap3A_368 {strides = array<i32>} : memref<12x2048x64xbf16, #tpu.memory_space<vmem>>, vector<1x2048x64xbf16>,
    %gt3A_369 = arith.constant 0.000000e+00 : f32
    %gt3A_370 = vector.broadcast %gt3A_369 : f32 to vector<2048x64xf32>
    %gt3A_371 = arith.cmpf ogt, %dot_general3A_347, %gt3A_370 : vector<2048x64xf32>
    %jit3A_372 = arith.constant 1.000000e+00 : f32
    %jit3A_373 = arith.constant 0.000000e+00 : f32
    %broadcast_in_dim3A_374 = vector.broadcast %jit3A_372 : f32 to vector<2048x64xf32>
    %broadcast_in_dim3A_375 = vector.broadcast %jit3A_373 : f32 to vector<2048x64xf32>
    %select_n3A_376 = arith.select %gt3A_371, %broadcast_in_dim3A_374, %broadcast_in_dim3A_375 : vector<2048x64xi1>, vector<2048x64xf32>
    %convert_element_type3A_377 = arith.truncf %select_n3A_376 : vector<2048x64xf32> to vector<2048x64xbf16>
    %dot_general3A_378 = arith.constant dense<0.000000e+00> : vector<3x2048xf32>
    %dot_general3A_379 = tpu.matmul %get3A_36, %convert_element_type3A_377, %dot_general3A_378 {dimension_numbers = #tpu.dot_dimension_numbers<[0], [1], [1], [0], [0, 1, 1, 0], [], []>, transpose_lhs_hint = false} : vector<64x3xbf16>, vector<2048x64xbf16>, vector<3x2048xf32> -> vector<3x2048xf32>
    %convert_element_type3A_380 = arith.fptosi %dot_general3A_379 : vector<3x2048xf32> to vector<3x2048xi32>
    %swap3A_381 = arith.constant 4 : index
    %swap3A_382 = arith.constant 0 : index
    %swap3A_383 = arith.constant 0 : index
    %swap3A_384 = vector.load %arg16[%swap3A_381, %swap3A_382, %swap3A_383] : memref<12x3x2048xi32, #tpu.memory_space<vmem>>, vector<1x3x2048xi32>
    %swap3A_385 = vector.shape_cast %swap3A_384 : vector<1x3x2048xi32> to vector<3x2048xi32>
    %swap3A_386 = vector.shape_cast %convert_element_type3A_380 : vector<3x2048xi32> to vector<1x3x2048xi32>
    tpu.vector_store %arg16[%swap3A_381, %swap3A_382, %swap3A_383], %swap3A_386 {strides = array<i32>} : memref<12x3x2048xi32, #tpu.memory_space<vmem>>, vector<1x3x2048xi32>,
    %get3A_387 = arith.constant 5 : index
    %get3A_388 = arith.constant 0 : index
    %get3A_389 = arith.constant 0 : index
    %get3A_390 = vector.load %arg6[%get3A_387, %get3A_388, %get3A_389] : memref<12x64x32xf32, #tpu.memory_space<vmem>>, vector<1x64x32xf32>
    %get3A_391 = vector.shape_cast %get3A_390 : vector<1x64x32xf32> to vector<64x32xf32>
    %get3A_392 = arith.constant 5 : index
    %get3A_393 = arith.constant 0 : index
    %get3A_394 = arith.constant 0 : index
    %get3A_395 = vector.load %arg7[%get3A_392, %get3A_393, %get3A_394] : memref<12x32x64xf32, #tpu.memory_space<vmem>>, vector<1x32x64xf32>
    %get3A_396 = vector.shape_cast %get3A_395 : vector<1x32x64xf32> to vector<32x64xf32>
    %dot_general3A_397 = arith.constant dense<0.000000e+00> : vector<64x64xf32>
    %dot_general3A_398 = tpu.matmul %get3A_391, %get3A_396, %dot_general3A_397 {dimension_numbers = #tpu.dot_dimension_numbers<[1], [0], [0], [1], [0, 0, 1, 1], [], []>, transpose_lhs_hint = false} : vector<64x32xf32>, vector<32x64xf32>, vector<64x64xf32> -> vector<64x64xf32>
    %get3A_399 = arith.constant 5 : index
    %get3A_400 = arith.constant 0 : index
    %get3A_401 = arith.constant 0 : index
    %get3A_402 = vector.load %arg8[%get3A_399, %get3A_400, %get3A_401] : memref<12x64x32xf32, #tpu.memory_space<vmem>>, vector<1x64x32xf32>
    %get3A_403 = vector.shape_cast %get3A_402 : vector<1x64x32xf32> to vector<64x32xf32>
    %get3A_404 = arith.constant 5 : index
    %get3A_405 = arith.constant 0 : index
    %get3A_406 = arith.constant 0 : index
    %get3A_407 = vector.load %arg9[%get3A_404, %get3A_405, %get3A_406] : memref<12x32x64xf32, #tpu.memory_space<vmem>>, vector<1x32x64xf32>
    %get3A_408 = vector.shape_cast %get3A_407 : vector<1x32x64xf32> to vector<32x64xf32>
    %dot_general3A_409 = arith.constant dense<0.000000e+00> : vector<64x64xf32>
    %dot_general3A_410 = tpu.matmul %get3A_403, %get3A_408, %dot_general3A_409 {dimension_numbers = #tpu.dot_dimension_numbers<[1], [0], [0], [1], [0, 0, 1, 1], [], []>, transpose_lhs_hint = false} : vector<64x32xf32>, vector<32x64xf32>, vector<64x64xf32> -> vector<64x64xf32>
    %dot_general3A_411 = arith.constant dense<0.000000e+00> : vector<64x64xf32>
    %dot_general3A_412 = tpu.matmul %dot_general3A_398, %dot_general3A_410, %dot_general3A_411 {dimension_numbers = #tpu.dot_dimension_numbers<[0], [0], [1], [1], [0, 1, 1, 1], [], []>, transpose_lhs_hint = false} : vector<64x64xf32>, vector<64x64xf32>, vector<64x64xf32> -> vector<64x64xf32>
    %dot_general3A_413 = arith.constant dense<0.000000e+00> : vector<2048x64xf32>
    %dot_general3A_414 = tpu.matmul %dot_general3A_5, %dot_general3A_412, %dot_general3A_413 {dimension_numbers = #tpu.dot_dimension_numbers<[1], [0], [0], [1], [0, 0, 1, 1], [], []>, transpose_lhs_hint = false} : vector<2048x64xf32>, vector<64x64xf32>, vector<2048x64xf32> -> vector<2048x64xf32>
    %swap3A_415 = arith.constant 5 : index
    %swap3A_416 = arith.constant 0 : index
    %swap3A_417 = arith.constant 0 : index
    %swap3A_418 = vector.load %arg11[%swap3A_415, %swap3A_416, %swap3A_417] : memref<12x2048x64xf32, #tpu.memory_space<vmem>>, vector<1x2048x64xf32>
    %swap3A_419 = vector.shape_cast %swap3A_418 : vector<1x2048x64xf32> to vector<2048x64xf32>
    %swap3A_420 = vector.shape_cast %dot_general3A_414 : vector<2048x64xf32> to vector<1x2048x64xf32>
    tpu.vector_store %arg11[%swap3A_415, %swap3A_416, %swap3A_417], %swap3A_420 {strides = array<i32>} : memref<12x2048x64xf32, #tpu.memory_space<vmem>>, vector<1x2048x64xf32>,
    %gt3A_421 = arith.constant 0.000000e+00 : f32
    %gt3A_422 = vector.broadcast %gt3A_421 : f32 to vector<2048x64xf32>
    %gt3A_423 = arith.cmpf ogt, %dot_general3A_414, %gt3A_422 : vector<2048x64xf32>
    %jit3A_424 = arith.constant 1.000000e+00 : f32
    %jit3A_425 = arith.constant -1.000000e+00 : f32
    %broadcast_in_dim3A_426 = vector.broadcast %jit3A_424 : f32 to vector<2048x64xf32>
    %broadcast_in_dim3A_427 = vector.broadcast %jit3A_425 : f32 to vector<2048x64xf32>
    %select_n3A_428 = arith.select %gt3A_423, %broadcast_in_dim3A_426, %broadcast_in_dim3A_427 : vector<2048x64xi1>, vector<2048x64xf32>
    %convert_element_type3A_429 = arith.truncf %select_n3A_428 : vector<2048x64xf32> to vector<2048x64xbf16>
    %swap3A_430 = arith.constant 5 : index
    %swap3A_431 = arith.constant 0 : index
    %swap3A_432 = arith.constant 0 : index
    %swap3A_433 = vector.load %arg12[%swap3A_430, %swap3A_431, %swap3A_432] : memref<12x2048x64xbf16, #tpu.memory_space<vmem>>, vector<1x2048x64xbf16>
    %swap3A_434 = vector.shape_cast %swap3A_433 : vector<1x2048x64xbf16> to vector<2048x64xbf16>
    %swap3A_435 = vector.shape_cast %convert_element_type3A_429 : vector<2048x64xbf16> to vector<1x2048x64xbf16>
    tpu.vector_store %arg12[%swap3A_430, %swap3A_431, %swap3A_432], %swap3A_435 {strides = array<i32>} : memref<12x2048x64xbf16, #tpu.memory_space<vmem>>, vector<1x2048x64xbf16>,
    %gt3A_436 = arith.constant 0.000000e+00 : f32
    %gt3A_437 = vector.broadcast %gt3A_436 : f32 to vector<2048x64xf32>
    %gt3A_438 = arith.cmpf ogt, %dot_general3A_414, %gt3A_437 : vector<2048x64xf32>
    %jit3A_439 = arith.constant 1.000000e+00 : f32
    %jit3A_440 = arith.constant 0.000000e+00 : f32
    %broadcast_in_dim3A_441 = vector.broadcast %jit3A_439 : f32 to vector<2048x64xf32>
    %broadcast_in_dim3A_442 = vector.broadcast %jit3A_440 : f32 to vector<2048x64xf32>
    %select_n3A_443 = arith.select %gt3A_438, %broadcast_in_dim3A_441, %broadcast_in_dim3A_442 : vector<2048x64xi1>, vector<2048x64xf32>
    %convert_element_type3A_444 = arith.truncf %select_n3A_443 : vector<2048x64xf32> to vector<2048x64xbf16>
    %dot_general3A_445 = arith.constant dense<0.000000e+00> : vector<3x2048xf32>
    %dot_general3A_446 = tpu.matmul %get3A_36, %convert_element_type3A_444, %dot_general3A_445 {dimension_numbers = #tpu.dot_dimension_numbers<[0], [1], [1], [0], [0, 1, 1, 0], [], []>, transpose_lhs_hint = false} : vector<64x3xbf16>, vector<2048x64xbf16>, vector<3x2048xf32> -> vector<3x2048xf32>
    %convert_element_type3A_447 = arith.fptosi %dot_general3A_446 : vector<3x2048xf32> to vector<3x2048xi32>
    %swap3A_448 = arith.constant 5 : index
    %swap3A_449 = arith.constant 0 : index
    %swap3A_450 = arith.constant 0 : index
    %swap3A_451 = vector.load %arg16[%swap3A_448, %swap3A_449, %swap3A_450] : memref<12x3x2048xi32, #tpu.memory_space<vmem>>, vector<1x3x2048xi32>
    %swap3A_452 = vector.shape_cast %swap3A_451 : vector<1x3x2048xi32> to vector<3x2048xi32>
    %swap3A_453 = vector.shape_cast %convert_element_type3A_447 : vector<3x2048xi32> to vector<1x3x2048xi32>
    tpu.vector_store %arg16[%swap3A_448, %swap3A_449, %swap3A_450], %swap3A_453 {strides = array<i32>} : memref<12x3x2048xi32, #tpu.memory_space<vmem>>, vector<1x3x2048xi32>,
    %get3A_454 = arith.constant 6 : index
    %get3A_455 = arith.constant 0 : index
    %get3A_456 = arith.constant 0 : index
    %get3A_457 = vector.load %arg6[%get3A_454, %get3A_455, %get3A_456] : memref<12x64x32xf32, #tpu.memory_space<vmem>>, vector<1x64x32xf32>
    %get3A_458 = vector.shape_cast %get3A_457 : vector<1x64x32xf32> to vector<64x32xf32>
    %get3A_459 = arith.constant 6 : index
    %get3A_460 = arith.constant 0 : index
    %get3A_461 = arith.constant 0 : index
    %get3A_462 = vector.load %arg7[%get3A_459, %get3A_460, %get3A_461] : memref<12x32x64xf32, #tpu.memory_space<vmem>>, vector<1x32x64xf32>
    %get3A_463 = vector.shape_cast %get3A_462 : vector<1x32x64xf32> to vector<32x64xf32>
    %dot_general3A_464 = arith.constant dense<0.000000e+00> : vector<64x64xf32>
    %dot_general3A_465 = tpu.matmul %get3A_458, %get3A_463, %dot_general3A_464 {dimension_numbers = #tpu.dot_dimension_numbers<[1], [0], [0], [1], [0, 0, 1, 1], [], []>, transpose_lhs_hint = false} : vector<64x32xf32>, vector<32x64xf32>, vector<64x64xf32> -> vector<64x64xf32>
    %get3A_466 = arith.constant 6 : index
    %get3A_467 = arith.constant 0 : index
    %get3A_468 = arith.constant 0 : index
    %get3A_469 = vector.load %arg8[%get3A_466, %get3A_467, %get3A_468] : memref<12x64x32xf32, #tpu.memory_space<vmem>>, vector<1x64x32xf32>
    %get3A_470 = vector.shape_cast %get3A_469 : vector<1x64x32xf32> to vector<64x32xf32>
    %get3A_471 = arith.constant 6 : index
    %get3A_472 = arith.constant 0 : index
    %get3A_473 = arith.constant 0 : index
    %get3A_474 = vector.load %arg9[%get3A_471, %get3A_472, %get3A_473] : memref<12x32x64xf32, #tpu.memory_space<vmem>>, vector<1x32x64xf32>
    %get3A_475 = vector.shape_cast %get3A_474 : vector<1x32x64xf32> to vector<32x64xf32>
    %dot_general3A_476 = arith.constant dense<0.000000e+00> : vector<64x64xf32>
    %dot_general3A_477 = tpu.matmul %get3A_470, %get3A_475, %dot_general3A_476 {dimension_numbers = #tpu.dot_dimension_numbers<[1], [0], [0], [1], [0, 0, 1, 1], [], []>, transpose_lhs_hint = false} : vector<64x32xf32>, vector<32x64xf32>, vector<64x64xf32> -> vector<64x64xf32>
    %dot_general3A_478 = arith.constant dense<0.000000e+00> : vector<64x64xf32>
    %dot_general3A_479 = tpu.matmul %dot_general3A_465, %dot_general3A_477, %dot_general3A_478 {dimension_numbers = #tpu.dot_dimension_numbers<[0], [0], [1], [1], [0, 1, 1, 1], [], []>, transpose_lhs_hint = false} : vector<64x64xf32>, vector<64x64xf32>, vector<64x64xf32> -> vector<64x64xf32>
    %dot_general3A_480 = arith.constant dense<0.000000e+00> : vector<2048x64xf32>
    %dot_general3A_481 = tpu.matmul %dot_general3A_5, %dot_general3A_479, %dot_general3A_480 {dimension_numbers = #tpu.dot_dimension_numbers<[1], [0], [0], [1], [0, 0, 1, 1], [], []>, transpose_lhs_hint = false} : vector<2048x64xf32>, vector<64x64xf32>, vector<2048x64xf32> -> vector<2048x64xf32>
    %swap3A_482 = arith.constant 6 : index
    %swap3A_483 = arith.constant 0 : index
    %swap3A_484 = arith.constant 0 : index
    %swap3A_485 = vector.load %arg11[%swap3A_482, %swap3A_483, %swap3A_484] : memref<12x2048x64xf32, #tpu.memory_space<vmem>>, vector<1x2048x64xf32>
    %swap3A_486 = vector.shape_cast %swap3A_485 : vector<1x2048x64xf32> to vector<2048x64xf32>
    %swap3A_487 = vector.shape_cast %dot_general3A_481 : vector<2048x64xf32> to vector<1x2048x64xf32>
    tpu.vector_store %arg11[%swap3A_482, %swap3A_483, %swap3A_484], %swap3A_487 {strides = array<i32>} : memref<12x2048x64xf32, #tpu.memory_space<vmem>>, vector<1x2048x64xf32>,
    %gt3A_488 = arith.constant 0.000000e+00 : f32
    %gt3A_489 = vector.broadcast %gt3A_488 : f32 to vector<2048x64xf32>
    %gt3A_490 = arith.cmpf ogt, %dot_general3A_481, %gt3A_489 : vector<2048x64xf32>
    %jit3A_491 = arith.constant 1.000000e+00 : f32
    %jit3A_492 = arith.constant -1.000000e+00 : f32
    %broadcast_in_dim3A_493 = vector.broadcast %jit3A_491 : f32 to vector<2048x64xf32>
    %broadcast_in_dim3A_494 = vector.broadcast %jit3A_492 : f32 to vector<2048x64xf32>
    %select_n3A_495 = arith.select %gt3A_490, %broadcast_in_dim3A_493, %broadcast_in_dim3A_494 : vector<2048x64xi1>, vector<2048x64xf32>
    %convert_element_type3A_496 = arith.truncf %select_n3A_495 : vector<2048x64xf32> to vector<2048x64xbf16>
    %swap3A_497 = arith.constant 6 : index
    %swap3A_498 = arith.constant 0 : index
    %swap3A_499 = arith.constant 0 : index
    %swap3A_500 = vector.load %arg12[%swap3A_497, %swap3A_498, %swap3A_499] : memref<12x2048x64xbf16, #tpu.memory_space<vmem>>, vector<1x2048x64xbf16>
    %swap3A_501 = vector.shape_cast %swap3A_500 : vector<1x2048x64xbf16> to vector<2048x64xbf16>
    %swap3A_502 = vector.shape_cast %convert_element_type3A_496 : vector<2048x64xbf16> to vector<1x2048x64xbf16>
    tpu.vector_store %arg12[%swap3A_497, %swap3A_498, %swap3A_499], %swap3A_502 {strides = array<i32>} : memref<12x2048x64xbf16, #tpu.memory_space<vmem>>, vector<1x2048x64xbf16>,
    %gt3A_503 = arith.constant 0.000000e+00 : f32
    %gt3A_504 = vector.broadcast %gt3A_503 : f32 to vector<2048x64xf32>
    %gt3A_505 = arith.cmpf ogt, %dot_general3A_481, %gt3A_504 : vector<2048x64xf32>
    %jit3A_506 = arith.constant 1.000000e+00 : f32
    %jit3A_507 = arith.constant 0.000000e+00 : f32
    %broadcast_in_dim3A_508 = vector.broadcast %jit3A_506 : f32 to vector<2048x64xf32>
    %broadcast_in_dim3A_509 = vector.broadcast %jit3A_507 : f32 to vector<2048x64xf32>
    %select_n3A_510 = arith.select %gt3A_505, %broadcast_in_dim3A_508, %broadcast_in_dim3A_509 : vector<2048x64xi1>, vector<2048x64xf32>
    %convert_element_type3A_511 = arith.truncf %select_n3A_510 : vector<2048x64xf32> to vector<2048x64xbf16>
    %dot_general3A_512 = arith.constant dense<0.000000e+00> : vector<3x2048xf32>
    %dot_general3A_513 = tpu.matmul %get3A_36, %convert_element_type3A_511, %dot_general3A_512 {dimension_numbers = #tpu.dot_dimension_numbers<[0], [1], [1], [0], [0, 1, 1, 0], [], []>, transpose_lhs_hint = false} : vector<64x3xbf16>, vector<2048x64xbf16>, vector<3x2048xf32> -> vector<3x2048xf32>
    %convert_element_type3A_514 = arith.fptosi %dot_general3A_513 : vector<3x2048xf32> to vector<3x2048xi32>
    %swap3A_515 = arith.constant 6 : index
    %swap3A_516 = arith.constant 0 : index
    %swap3A_517 = arith.constant 0 : index
    %swap3A_518 = vector.load %arg16[%swap3A_515, %swap3A_516, %swap3A_517] : memref<12x3x2048xi32, #tpu.memory_space<vmem>>, vector<1x3x2048xi32>
    %swap3A_519 = vector.shape_cast %swap3A_518 : vector<1x3x2048xi32> to vector<3x2048xi32>
    %swap3A_520 = vector.shape_cast %convert_element_type3A_514 : vector<3x2048xi32> to vector<1x3x2048xi32>
    tpu.vector_store %arg16[%swap3A_515, %swap3A_516, %swap3A_517], %swap3A_520 {strides = array<i32>} : memref<12x3x2048xi32, #tpu.memory_space<vmem>>, vector<1x3x2048xi32>,
    %get3A_521 = arith.constant 7 : index
    %get3A_522 = arith.constant 0 : index
    %get3A_523 = arith.constant 0 : index
    %get3A_524 = vector.load %arg6[%get3A_521, %get3A_522, %get3A_523] : memref<12x64x32xf32, #tpu.memory_space<vmem>>, vector<1x64x32xf32>
    %get3A_525 = vector.shape_cast %get3A_524 : vector<1x64x32xf32> to vector<64x32xf32>
    %get3A_526 = arith.constant 7 : index
    %get3A_527 = arith.constant 0 : index
    %get3A_528 = arith.constant 0 : index
    %get3A_529 = vector.load %arg7[%get3A_526, %get3A_527, %get3A_528] : memref<12x32x64xf32, #tpu.memory_space<vmem>>, vector<1x32x64xf32>
    %get3A_530 = vector.shape_cast %get3A_529 : vector<1x32x64xf32> to vector<32x64xf32>
    %dot_general3A_531 = arith.constant dense<0.000000e+00> : vector<64x64xf32>
    %dot_general3A_532 = tpu.matmul %get3A_525, %get3A_530, %dot_general3A_531 {dimension_numbers = #tpu.dot_dimension_numbers<[1], [0], [0], [1], [0, 0, 1, 1], [], []>, transpose_lhs_hint = false} : vector<64x32xf32>, vector<32x64xf32>, vector<64x64xf32> -> vector<64x64xf32>
    %get3A_533 = arith.constant 7 : index
    %get3A_534 = arith.constant 0 : index
    %get3A_535 = arith.constant 0 : index
    %get3A_536 = vector.load %arg8[%get3A_533, %get3A_534, %get3A_535] : memref<12x64x32xf32, #tpu.memory_space<vmem>>, vector<1x64x32xf32>
    %get3A_537 = vector.shape_cast %get3A_536 : vector<1x64x32xf32> to vector<64x32xf32>
    %get3A_538 = arith.constant 7 : index
    %get3A_539 = arith.constant 0 : index
    %get3A_540 = arith.constant 0 : index
    %get3A_541 = vector.load %arg9[%get3A_538, %get3A_539, %get3A_540] : memref<12x32x64xf32, #tpu.memory_space<vmem>>, vector<1x32x64xf32>
    %get3A_542 = vector.shape_cast %get3A_541 : vector<1x32x64xf32> to vector<32x64xf32>
    %dot_general3A_543 = arith.constant dense<0.000000e+00> : vector<64x64xf32>
    %dot_general3A_544 = tpu.matmul %get3A_537, %get3A_542, %dot_general3A_543 {dimension_numbers = #tpu.dot_dimension_numbers<[1], [0], [0], [1], [0, 0, 1, 1], [], []>, transpose_lhs_hint = false} : vector<64x32xf32>, vector<32x64xf32>, vector<64x64xf32> -> vector<64x64xf32>
    %dot_general3A_545 = arith.constant dense<0.000000e+00> : vector<64x64xf32>
    %dot_general3A_546 = tpu.matmul %dot_general3A_532, %dot_general3A_544, %dot_general3A_545 {dimension_numbers = #tpu.dot_dimension_numbers<[0], [0], [1], [1], [0, 1, 1, 1], [], []>, transpose_lhs_hint = false} : vector<64x64xf32>, vector<64x64xf32>, vector<64x64xf32> -> vector<64x64xf32>
    %dot_general3A_547 = arith.constant dense<0.000000e+00> : vector<2048x64xf32>
    %dot_general3A_548 = tpu.matmul %dot_general3A_5, %dot_general3A_546, %dot_general3A_547 {dimension_numbers = #tpu.dot_dimension_numbers<[1], [0], [0], [1], [0, 0, 1, 1], [], []>, transpose_lhs_hint = false} : vector<2048x64xf32>, vector<64x64xf32>, vector<2048x64xf32> -> vector<2048x64xf32>
    %swap3A_549 = arith.constant 7 : index
    %swap3A_550 = arith.constant 0 : index
    %swap3A_551 = arith.constant 0 : index
    %swap3A_552 = vector.load %arg11[%swap3A_549, %swap3A_550, %swap3A_551] : memref<12x2048x64xf32, #tpu.memory_space<vmem>>, vector<1x2048x64xf32>
    %swap3A_553 = vector.shape_cast %swap3A_552 : vector<1x2048x64xf32> to vector<2048x64xf32>
    %swap3A_554 = vector.shape_cast %dot_general3A_548 : vector<2048x64xf32> to vector<1x2048x64xf32>
    tpu.vector_store %arg11[%swap3A_549, %swap3A_550, %swap3A_551], %swap3A_554 {strides = array<i32>} : memref<12x2048x64xf32, #tpu.memory_space<vmem>>, vector<1x2048x64xf32>,
    %gt3A_555 = arith.constant 0.000000e+00 : f32
    %gt3A_556 = vector.broadcast %gt3A_555 : f32 to vector<2048x64xf32>
    %gt3A_557 = arith.cmpf ogt, %dot_general3A_548, %gt3A_556 : vector<2048x64xf32>
    %jit3A_558 = arith.constant 1.000000e+00 : f32
    %jit3A_559 = arith.constant -1.000000e+00 : f32
    %broadcast_in_dim3A_560 = vector.broadcast %jit3A_558 : f32 to vector<2048x64xf32>
    %broadcast_in_dim3A_561 = vector.broadcast %jit3A_559 : f32 to vector<2048x64xf32>
    %select_n3A_562 = arith.select %gt3A_557, %broadcast_in_dim3A_560, %broadcast_in_dim3A_561 : vector<2048x64xi1>, vector<2048x64xf32>
    %convert_element_type3A_563 = arith.truncf %select_n3A_562 : vector<2048x64xf32> to vector<2048x64xbf16>
    %swap3A_564 = arith.constant 7 : index
    %swap3A_565 = arith.constant 0 : index
    %swap3A_566 = arith.constant 0 : index
    %swap3A_567 = vector.load %arg12[%swap3A_564, %swap3A_565, %swap3A_566] : memref<12x2048x64xbf16, #tpu.memory_space<vmem>>, vector<1x2048x64xbf16>
    %swap3A_568 = vector.shape_cast %swap3A_567 : vector<1x2048x64xbf16> to vector<2048x64xbf16>
    %swap3A_569 = vector.shape_cast %convert_element_type3A_563 : vector<2048x64xbf16> to vector<1x2048x64xbf16>
    tpu.vector_store %arg12[%swap3A_564, %swap3A_565, %swap3A_566], %swap3A_569 {strides = array<i32>} : memref<12x2048x64xbf16, #tpu.memory_space<vmem>>, vector<1x2048x64xbf16>,
    %gt3A_570 = arith.constant 0.000000e+00 : f32
    %gt3A_571 = vector.broadcast %gt3A_570 : f32 to vector<2048x64xf32>
    %gt3A_572 = arith.cmpf ogt, %dot_general3A_548, %gt3A_571 : vector<2048x64xf32>
    %jit3A_573 = arith.constant 1.000000e+00 : f32
    %jit3A_574 = arith.constant 0.000000e+00 : f32
    %broadcast_in_dim3A_575 = vector.broadcast %jit3A_573 : f32 to vector<2048x64xf32>
    %broadcast_in_dim3A_576 = vector.broadcast %jit3A_574 : f32 to vector<2048x64xf32>
    %select_n3A_577 = arith.select %gt3A_572, %broadcast_in_dim3A_575, %broadcast_in_dim3A_576 : vector<2048x64xi1>, vector<2048x64xf32>
    %convert_element_type3A_578 = arith.truncf %select_n3A_577 : vector<2048x64xf32> to vector<2048x64xbf16>
    %dot_general3A_579 = arith.constant dense<0.000000e+00> : vector<3x2048xf32>
    %dot_general3A_580 = tpu.matmul %get3A_36, %convert_element_type3A_578, %dot_general3A_579 {dimension_numbers = #tpu.dot_dimension_numbers<[0], [1], [1], [0], [0, 1, 1, 0], [], []>, transpose_lhs_hint = false} : vector<64x3xbf16>, vector<2048x64xbf16>, vector<3x2048xf32> -> vector<3x2048xf32>
    %convert_element_type3A_581 = arith.fptosi %dot_general3A_580 : vector<3x2048xf32> to vector<3x2048xi32>
    %swap3A_582 = arith.constant 7 : index
    %swap3A_583 = arith.constant 0 : index
    %swap3A_584 = arith.constant 0 : index
    %swap3A_585 = vector.load %arg16[%swap3A_582, %swap3A_583, %swap3A_584] : memref<12x3x2048xi32, #tpu.memory_space<vmem>>, vector<1x3x2048xi32>
    %swap3A_586 = vector.shape_cast %swap3A_585 : vector<1x3x2048xi32> to vector<3x2048xi32>
    %swap3A_587 = vector.shape_cast %convert_element_type3A_581 : vector<3x2048xi32> to vector<1x3x2048xi32>
    tpu.vector_store %arg16[%swap3A_582, %swap3A_583, %swap3A_584], %swap3A_587 {strides = array<i32>} : memref<12x3x2048xi32, #tpu.memory_space<vmem>>, vector<1x3x2048xi32>,
    %get3A_588 = arith.constant 8 : index
    %get3A_589 = arith.constant 0 : index
    %get3A_590 = arith.constant 0 : index
    %get3A_591 = vector.load %arg6[%get3A_588, %get3A_589, %get3A_590] : memref<12x64x32xf32, #tpu.memory_space<vmem>>, vector<1x64x32xf32>
    %get3A_592 = vector.shape_cast %get3A_591 : vector<1x64x32xf32> to vector<64x32xf32>
    %get3A_593 = arith.constant 8 : index
    %get3A_594 = arith.constant 0 : index
    %get3A_595 = arith.constant 0 : index
    %get3A_596 = vector.load %arg7[%get3A_593, %get3A_594, %get3A_595] : memref<12x32x64xf32, #tpu.memory_space<vmem>>, vector<1x32x64xf32>
    %get3A_597 = vector.shape_cast %get3A_596 : vector<1x32x64xf32> to vector<32x64xf32>
    %dot_general3A_598 = arith.constant dense<0.000000e+00> : vector<64x64xf32>
    %dot_general3A_599 = tpu.matmul %get3A_592, %get3A_597, %dot_general3A_598 {dimension_numbers = #tpu.dot_dimension_numbers<[1], [0], [0], [1], [0, 0, 1, 1], [], []>, transpose_lhs_hint = false} : vector<64x32xf32>, vector<32x64xf32>, vector<64x64xf32> -> vector<64x64xf32>
    %get3A_600 = arith.constant 8 : index
    %get3A_601 = arith.constant 0 : index
    %get3A_602 = arith.constant 0 : index
    %get3A_603 = vector.load %arg8[%get3A_600, %get3A_601, %get3A_602] : memref<12x64x32xf32, #tpu.memory_space<vmem>>, vector<1x64x32xf32>
    %get3A_604 = vector.shape_cast %get3A_603 : vector<1x64x32xf32> to vector<64x32xf32>
    %get3A_605 = arith.constant 8 : index
    %get3A_606 = arith.constant 0 : index
    %get3A_607 = arith.constant 0 : index
    %get3A_608 = vector.load %arg9[%get3A_605, %get3A_606, %get3A_607] : memref<12x32x64xf32, #tpu.memory_space<vmem>>, vector<1x32x64xf32>
    %get3A_609 = vector.shape_cast %get3A_608 : vector<1x32x64xf32> to vector<32x64xf32>
    %dot_general3A_610 = arith.constant dense<0.000000e+00> : vector<64x64xf32>
    %dot_general3A_611 = tpu.matmul %get3A_604, %get3A_609, %dot_general3A_610 {dimension_numbers = #tpu.dot_dimension_numbers<[1], [0], [0], [1], [0, 0, 1, 1], [], []>, transpose_lhs_hint = false} : vector<64x32xf32>, vector<32x64xf32>, vector<64x64xf32> -> vector<64x64xf32>
    %dot_general3A_612 = arith.constant dense<0.000000e+00> : vector<64x64xf32>
    %dot_general3A_613 = tpu.matmul %dot_general3A_599, %dot_general3A_611, %dot_general3A_612 {dimension_numbers = #tpu.dot_dimension_numbers<[0], [0], [1], [1], [0, 1, 1, 1], [], []>, transpose_lhs_hint = false} : vector<64x64xf32>, vector<64x64xf32>, vector<64x64xf32> -> vector<64x64xf32>
    %dot_general3A_614 = arith.constant dense<0.000000e+00> : vector<2048x64xf32>
    %dot_general3A_615 = tpu.matmul %dot_general3A_5, %dot_general3A_613, %dot_general3A_614 {dimension_numbers = #tpu.dot_dimension_numbers<[1], [0], [0], [1], [0, 0, 1, 1], [], []>, transpose_lhs_hint = false} : vector<2048x64xf32>, vector<64x64xf32>, vector<2048x64xf32> -> vector<2048x64xf32>
    %swap3A_616 = arith.constant 8 : index
    %swap3A_617 = arith.constant 0 : index
    %swap3A_618 = arith.constant 0 : index
    %swap3A_619 = vector.load %arg11[%swap3A_616, %swap3A_617, %swap3A_618] : memref<12x2048x64xf32, #tpu.memory_space<vmem>>, vector<1x2048x64xf32>
    %swap3A_620 = vector.shape_cast %swap3A_619 : vector<1x2048x64xf32> to vector<2048x64xf32>
    %swap3A_621 = vector.shape_cast %dot_general3A_615 : vector<2048x64xf32> to vector<1x2048x64xf32>
    tpu.vector_store %arg11[%swap3A_616, %swap3A_617, %swap3A_618], %swap3A_621 {strides = array<i32>} : memref<12x2048x64xf32, #tpu.memory_space<vmem>>, vector<1x2048x64xf32>,
    %gt3A_622 = arith.constant 0.000000e+00 : f32
    %gt3A_623 = vector.broadcast %gt3A_622 : f32 to vector<2048x64xf32>
    %gt3A_624 = arith.cmpf ogt, %dot_general3A_615, %gt3A_623 : vector<2048x64xf32>
    %jit3A_625 = arith.constant 1.000000e+00 : f32
    %jit3A_626 = arith.constant -1.000000e+00 : f32
    %broadcast_in_dim3A_627 = vector.broadcast %jit3A_625 : f32 to vector<2048x64xf32>
    %broadcast_in_dim3A_628 = vector.broadcast %jit3A_626 : f32 to vector<2048x64xf32>
    %select_n3A_629 = arith.select %gt3A_624, %broadcast_in_dim3A_627, %broadcast_in_dim3A_628 : vector<2048x64xi1>, vector<2048x64xf32>
    %convert_element_type3A_630 = arith.truncf %select_n3A_629 : vector<2048x64xf32> to vector<2048x64xbf16>
    %swap3A_631 = arith.constant 8 : index
    %swap3A_632 = arith.constant 0 : index
    %swap3A_633 = arith.constant 0 : index
    %swap3A_634 = vector.load %arg12[%swap3A_631, %swap3A_632, %swap3A_633] : memref<12x2048x64xbf16, #tpu.memory_space<vmem>>, vector<1x2048x64xbf16>
    %swap3A_635 = vector.shape_cast %swap3A_634 : vector<1x2048x64xbf16> to vector<2048x64xbf16>
    %swap3A_636 = vector.shape_cast %convert_element_type3A_630 : vector<2048x64xbf16> to vector<1x2048x64xbf16>
    tpu.vector_store %arg12[%swap3A_631, %swap3A_632, %swap3A_633], %swap3A_636 {strides = array<i32>} : memref<12x2048x64xbf16, #tpu.memory_space<vmem>>, vector<1x2048x64xbf16>,
    %gt3A_637 = arith.constant 0.000000e+00 : f32
    %gt3A_638 = vector.broadcast %gt3A_637 : f32 to vector<2048x64xf32>
    %gt3A_639 = arith.cmpf ogt, %dot_general3A_615, %gt3A_638 : vector<2048x64xf32>
    %jit3A_640 = arith.constant 1.000000e+00 : f32
    %jit3A_641 = arith.constant 0.000000e+00 : f32
    %broadcast_in_dim3A_642 = vector.broadcast %jit3A_640 : f32 to vector<2048x64xf32>
    %broadcast_in_dim3A_643 = vector.broadcast %jit3A_641 : f32 to vector<2048x64xf32>
    %select_n3A_644 = arith.select %gt3A_639, %broadcast_in_dim3A_642, %broadcast_in_dim3A_643 : vector<2048x64xi1>, vector<2048x64xf32>
    %convert_element_type3A_645 = arith.truncf %select_n3A_644 : vector<2048x64xf32> to vector<2048x64xbf16>
    %dot_general3A_646 = arith.constant dense<0.000000e+00> : vector<3x2048xf32>
    %dot_general3A_647 = tpu.matmul %get3A_36, %convert_element_type3A_645, %dot_general3A_646 {dimension_numbers = #tpu.dot_dimension_numbers<[0], [1], [1], [0], [0, 1, 1, 0], [], []>, transpose_lhs_hint = false} : vector<64x3xbf16>, vector<2048x64xbf16>, vector<3x2048xf32> -> vector<3x2048xf32>
    %convert_element_type3A_648 = arith.fptosi %dot_general3A_647 : vector<3x2048xf32> to vector<3x2048xi32>
    %swap3A_649 = arith.constant 8 : index
    %swap3A_650 = arith.constant 0 : index
    %swap3A_651 = arith.constant 0 : index
    %swap3A_652 = vector.load %arg16[%swap3A_649, %swap3A_650, %swap3A_651] : memref<12x3x2048xi32, #tpu.memory_space<vmem>>, vector<1x3x2048xi32>
    %swap3A_653 = vector.shape_cast %swap3A_652 : vector<1x3x2048xi32> to vector<3x2048xi32>
    %swap3A_654 = vector.shape_cast %convert_element_type3A_648 : vector<3x2048xi32> to vector<1x3x2048xi32>
    tpu.vector_store %arg16[%swap3A_649, %swap3A_650, %swap3A_651], %swap3A_654 {strides = array<i32>} : memref<12x3x2048xi32, #tpu.memory_space<vmem>>, vector<1x3x2048xi32>,
    %get3A_655 = arith.constant 9 : index
    %get3A_656 = arith.constant 0 : index
    %get3A_657 = arith.constant 0 : index
    %get3A_658 = vector.load %arg6[%get3A_655, %get3A_656, %get3A_657] : memref<12x64x32xf32, #tpu.memory_space<vmem>>, vector<1x64x32xf32>
    %get3A_659 = vector.shape_cast %get3A_658 : vector<1x64x32xf32> to vector<64x32xf32>
    %get3A_660 = arith.constant 9 : index
    %get3A_661 = arith.constant 0 : index
    %get3A_662 = arith.constant 0 : index
    %get3A_663 = vector.load %arg7[%get3A_660, %get3A_661, %get3A_662] : memref<12x32x64xf32, #tpu.memory_space<vmem>>, vector<1x32x64xf32>
    %get3A_664 = vector.shape_cast %get3A_663 : vector<1x32x64xf32> to vector<32x64xf32>
    %dot_general3A_665 = arith.constant dense<0.000000e+00> : vector<64x64xf32>
    %dot_general3A_666 = tpu.matmul %get3A_659, %get3A_664, %dot_general3A_665 {dimension_numbers = #tpu.dot_dimension_numbers<[1], [0], [0], [1], [0, 0, 1, 1], [], []>, transpose_lhs_hint = false} : vector<64x32xf32>, vector<32x64xf32>, vector<64x64xf32> -> vector<64x64xf32>
    %get3A_667 = arith.constant 9 : index
    %get3A_668 = arith.constant 0 : index
    %get3A_669 = arith.constant 0 : index
    %get3A_670 = vector.load %arg8[%get3A_667, %get3A_668, %get3A_669] : memref<12x64x32xf32, #tpu.memory_space<vmem>>, vector<1x64x32xf32>
    %get3A_671 = vector.shape_cast %get3A_670 : vector<1x64x32xf32> to vector<64x32xf32>
    %get3A_672 = arith.constant 9 : index
    %get3A_673 = arith.constant 0 : index
    %get3A_674 = arith.constant 0 : index
    %get3A_675 = vector.load %arg9[%get3A_672, %get3A_673, %get3A_674] : memref<12x32x64xf32, #tpu.memory_space<vmem>>, vector<1x32x64xf32>
    %get3A_676 = vector.shape_cast %get3A_675 : vector<1x32x64xf32> to vector<32x64xf32>
    %dot_general3A_677 = arith.constant dense<0.000000e+00> : vector<64x64xf32>
    %dot_general3A_678 = tpu.matmul %get3A_671, %get3A_676, %dot_general3A_677 {dimension_numbers = #tpu.dot_dimension_numbers<[1], [0], [0], [1], [0, 0, 1, 1], [], []>, transpose_lhs_hint = false} : vector<64x32xf32>, vector<32x64xf32>, vector<64x64xf32> -> vector<64x64xf32>
    %dot_general3A_679 = arith.constant dense<0.000000e+00> : vector<64x64xf32>
    %dot_general3A_680 = tpu.matmul %dot_general3A_666, %dot_general3A_678, %dot_general3A_679 {dimension_numbers = #tpu.dot_dimension_numbers<[0], [0], [1], [1], [0, 1, 1, 1], [], []>, transpose_lhs_hint = false} : vector<64x64xf32>, vector<64x64xf32>, vector<64x64xf32> -> vector<64x64xf32>
    %dot_general3A_681 = arith.constant dense<0.000000e+00> : vector<2048x64xf32>
    %dot_general3A_682 = tpu.matmul %dot_general3A_5, %dot_general3A_680, %dot_general3A_681 {dimension_numbers = #tpu.dot_dimension_numbers<[1], [0], [0], [1], [0, 0, 1, 1], [], []>, transpose_lhs_hint = false} : vector<2048x64xf32>, vector<64x64xf32>, vector<2048x64xf32> -> vector<2048x64xf32>
    %swap3A_683 = arith.constant 9 : index
    %swap3A_684 = arith.constant 0 : index
    %swap3A_685 = arith.constant 0 : index
    %swap3A_686 = vector.load %arg11[%swap3A_683, %swap3A_684, %swap3A_685] : memref<12x2048x64xf32, #tpu.memory_space<vmem>>, vector<1x2048x64xf32>
    %swap3A_687 = vector.shape_cast %swap3A_686 : vector<1x2048x64xf32> to vector<2048x64xf32>
    %swap3A_688 = vector.shape_cast %dot_general3A_682 : vector<2048x64xf32> to vector<1x2048x64xf32>
    tpu.vector_store %arg11[%swap3A_683, %swap3A_684, %swap3A_685], %swap3A_688 {strides = array<i32>} : memref<12x2048x64xf32, #tpu.memory_space<vmem>>, vector<1x2048x64xf32>,
    %gt3A_689 = arith.constant 0.000000e+00 : f32
    %gt3A_690 = vector.broadcast %gt3A_689 : f32 to vector<2048x64xf32>
    %gt3A_691 = arith.cmpf ogt, %dot_general3A_682, %gt3A_690 : vector<2048x64xf32>
    %jit3A_692 = arith.constant 1.000000e+00 : f32
    %jit3A_693 = arith.constant -1.000000e+00 : f32
    %broadcast_in_dim3A_694 = vector.broadcast %jit3A_692 : f32 to vector<2048x64xf32>
    %broadcast_in_dim3A_695 = vector.broadcast %jit3A_693 : f32 to vector<2048x64xf32>
    %select_n3A_696 = arith.select %gt3A_691, %broadcast_in_dim3A_694, %broadcast_in_dim3A_695 : vector<2048x64xi1>, vector<2048x64xf32>
    %convert_element_type3A_697 = arith.truncf %select_n3A_696 : vector<2048x64xf32> to vector<2048x64xbf16>
    %swap3A_698 = arith.constant 9 : index
    %swap3A_699 = arith.constant 0 : index
    %swap3A_700 = arith.constant 0 : index
    %swap3A_701 = vector.load %arg12[%swap3A_698, %swap3A_699, %swap3A_700] : memref<12x2048x64xbf16, #tpu.memory_space<vmem>>, vector<1x2048x64xbf16>
    %swap3A_702 = vector.shape_cast %swap3A_701 : vector<1x2048x64xbf16> to vector<2048x64xbf16>
    %swap3A_703 = vector.shape_cast %convert_element_type3A_697 : vector<2048x64xbf16> to vector<1x2048x64xbf16>
    tpu.vector_store %arg12[%swap3A_698, %swap3A_699, %swap3A_700], %swap3A_703 {strides = array<i32>} : memref<12x2048x64xbf16, #tpu.memory_space<vmem>>, vector<1x2048x64xbf16>,
    %gt3A_704 = arith.constant 0.000000e+00 : f32
    %gt3A_705 = vector.broadcast %gt3A_704 : f32 to vector<2048x64xf32>
    %gt3A_706 = arith.cmpf ogt, %dot_general3A_682, %gt3A_705 : vector<2048x64xf32>
    %jit3A_707 = arith.constant 1.000000e+00 : f32
    %jit3A_708 = arith.constant 0.000000e+00 : f32
    %broadcast_in_dim3A_709 = vector.broadcast %jit3A_707 : f32 to vector<2048x64xf32>
    %broadcast_in_dim3A_710 = vector.broadcast %jit3A_708 : f32 to vector<2048x64xf32>
    %select_n3A_711 = arith.select %gt3A_706, %broadcast_in_dim3A_709, %broadcast_in_dim3A_710 : vector<2048x64xi1>, vector<2048x64xf32>
    %convert_element_type3A_712 = arith.truncf %select_n3A_711 : vector<2048x64xf32> to vector<2048x64xbf16>
    %dot_general3A_713 = arith.constant dense<0.000000e+00> : vector<3x2048xf32>
    %dot_general3A_714 = tpu.matmul %get3A_36, %convert_element_type3A_712, %dot_general3A_713 {dimension_numbers = #tpu.dot_dimension_numbers<[0], [1], [1], [0], [0, 1, 1, 0], [], []>, transpose_lhs_hint = false} : vector<64x3xbf16>, vector<2048x64xbf16>, vector<3x2048xf32> -> vector<3x2048xf32>
    %convert_element_type3A_715 = arith.fptosi %dot_general3A_714 : vector<3x2048xf32> to vector<3x2048xi32>
    %swap3A_716 = arith.constant 9 : index
    %swap3A_717 = arith.constant 0 : index
    %swap3A_718 = arith.constant 0 : index
    %swap3A_719 = vector.load %arg16[%swap3A_716, %swap3A_717, %swap3A_718] : memref<12x3x2048xi32, #tpu.memory_space<vmem>>, vector<1x3x2048xi32>
    %swap3A_720 = vector.shape_cast %swap3A_719 : vector<1x3x2048xi32> to vector<3x2048xi32>
    %swap3A_721 = vector.shape_cast %convert_element_type3A_715 : vector<3x2048xi32> to vector<1x3x2048xi32>
    tpu.vector_store %arg16[%swap3A_716, %swap3A_717, %swap3A_718], %swap3A_721 {strides = array<i32>} : memref<12x3x2048xi32, #tpu.memory_space<vmem>>, vector<1x3x2048xi32>,
    %get3A_722 = arith.constant 10 : index
    %get3A_723 = arith.constant 0 : index
    %get3A_724 = arith.constant 0 : index
    %get3A_725 = vector.load %arg6[%get3A_722, %get3A_723, %get3A_724] : memref<12x64x32xf32, #tpu.memory_space<vmem>>, vector<1x64x32xf32>
    %get3A_726 = vector.shape_cast %get3A_725 : vector<1x64x32xf32> to vector<64x32xf32>
    %get3A_727 = arith.constant 10 : index
    %get3A_728 = arith.constant 0 : index
    %get3A_729 = arith.constant 0 : index
    %get3A_730 = vector.load %arg7[%get3A_727, %get3A_728, %get3A_729] : memref<12x32x64xf32, #tpu.memory_space<vmem>>, vector<1x32x64xf32>
    %get3A_731 = vector.shape_cast %get3A_730 : vector<1x32x64xf32> to vector<32x64xf32>
    %dot_general3A_732 = arith.constant dense<0.000000e+00> : vector<64x64xf32>
    %dot_general3A_733 = tpu.matmul %get3A_726, %get3A_731, %dot_general3A_732 {dimension_numbers = #tpu.dot_dimension_numbers<[1], [0], [0], [1], [0, 0, 1, 1], [], []>, transpose_lhs_hint = false} : vector<64x32xf32>, vector<32x64xf32>, vector<64x64xf32> -> vector<64x64xf32>
    %get3A_734 = arith.constant 10 : index
    %get3A_735 = arith.constant 0 : index
    %get3A_736 = arith.constant 0 : index
    %get3A_737 = vector.load %arg8[%get3A_734, %get3A_735, %get3A_736] : memref<12x64x32xf32, #tpu.memory_space<vmem>>, vector<1x64x32xf32>
    %get3A_738 = vector.shape_cast %get3A_737 : vector<1x64x32xf32> to vector<64x32xf32>
    %get3A_739 = arith.constant 10 : index
    %get3A_740 = arith.constant 0 : index
    %get3A_741 = arith.constant 0 : index
    %get3A_742 = vector.load %arg9[%get3A_739, %get3A_740, %get3A_741] : memref<12x32x64xf32, #tpu.memory_space<vmem>>, vector<1x32x64xf32>
    %get3A_743 = vector.shape_cast %get3A_742 : vector<1x32x64xf32> to vector<32x64xf32>
    %dot_general3A_744 = arith.constant dense<0.000000e+00> : vector<64x64xf32>
    %dot_general3A_745 = tpu.matmul %get3A_738, %get3A_743, %dot_general3A_744 {dimension_numbers = #tpu.dot_dimension_numbers<[1], [0], [0], [1], [0, 0, 1, 1], [], []>, transpose_lhs_hint = false} : vector<64x32xf32>, vector<32x64xf32>, vector<64x64xf32> -> vector<64x64xf32>
    %dot_general3A_746 = arith.constant dense<0.000000e+00> : vector<64x64xf32>
    %dot_general3A_747 = tpu.matmul %dot_general3A_733, %dot_general3A_745, %dot_general3A_746 {dimension_numbers = #tpu.dot_dimension_numbers<[0], [0], [1], [1], [0, 1, 1, 1], [], []>, transpose_lhs_hint = false} : vector<64x64xf32>, vector<64x64xf32>, vector<64x64xf32> -> vector<64x64xf32>
    %dot_general3A_748 = arith.constant dense<0.000000e+00> : vector<2048x64xf32>
    %dot_general3A_749 = tpu.matmul %dot_general3A_5, %dot_general3A_747, %dot_general3A_748 {dimension_numbers = #tpu.dot_dimension_numbers<[1], [0], [0], [1], [0, 0, 1, 1], [], []>, transpose_lhs_hint = false} : vector<2048x64xf32>, vector<64x64xf32>, vector<2048x64xf32> -> vector<2048x64xf32>
    %swap3A_750 = arith.constant 10 : index
    %swap3A_751 = arith.constant 0 : index
    %swap3A_752 = arith.constant 0 : index
    %swap3A_753 = vector.load %arg11[%swap3A_750, %swap3A_751, %swap3A_752] : memref<12x2048x64xf32, #tpu.memory_space<vmem>>, vector<1x2048x64xf32>
    %swap3A_754 = vector.shape_cast %swap3A_753 : vector<1x2048x64xf32> to vector<2048x64xf32>
    %swap3A_755 = vector.shape_cast %dot_general3A_749 : vector<2048x64xf32> to vector<1x2048x64xf32>
    tpu.vector_store %arg11[%swap3A_750, %swap3A_751, %swap3A_752], %swap3A_755 {strides = array<i32>} : memref<12x2048x64xf32, #tpu.memory_space<vmem>>, vector<1x2048x64xf32>,
    %gt3A_756 = arith.constant 0.000000e+00 : f32
    %gt3A_757 = vector.broadcast %gt3A_756 : f32 to vector<2048x64xf32>
    %gt3A_758 = arith.cmpf ogt, %dot_general3A_749, %gt3A_757 : vector<2048x64xf32>
    %jit3A_759 = arith.constant 1.000000e+00 : f32
    %jit3A_760 = arith.constant -1.000000e+00 : f32
    %broadcast_in_dim3A_761 = vector.broadcast %jit3A_759 : f32 to vector<2048x64xf32>
    %broadcast_in_dim3A_762 = vector.broadcast %jit3A_760 : f32 to vector<2048x64xf32>
    %select_n3A_763 = arith.select %gt3A_758, %broadcast_in_dim3A_761, %broadcast_in_dim3A_762 : vector<2048x64xi1>, vector<2048x64xf32>
    %convert_element_type3A_764 = arith.truncf %select_n3A_763 : vector<2048x64xf32> to vector<2048x64xbf16>
    %swap3A_765 = arith.constant 10 : index
    %swap3A_766 = arith.constant 0 : index
    %swap3A_767 = arith.constant 0 : index
    %swap3A_768 = vector.load %arg12[%swap3A_765, %swap3A_766, %swap3A_767] : memref<12x2048x64xbf16, #tpu.memory_space<vmem>>, vector<1x2048x64xbf16>
    %swap3A_769 = vector.shape_cast %swap3A_768 : vector<1x2048x64xbf16> to vector<2048x64xbf16>
    %swap3A_770 = vector.shape_cast %convert_element_type3A_764 : vector<2048x64xbf16> to vector<1x2048x64xbf16>
    tpu.vector_store %arg12[%swap3A_765, %swap3A_766, %swap3A_767], %swap3A_770 {strides = array<i32>} : memref<12x2048x64xbf16, #tpu.memory_space<vmem>>, vector<1x2048x64xbf16>,
    %gt3A_771 = arith.constant 0.000000e+00 : f32
    %gt3A_772 = vector.broadcast %gt3A_771 : f32 to vector<2048x64xf32>
    %gt3A_773 = arith.cmpf ogt, %dot_general3A_749, %gt3A_772 : vector<2048x64xf32>
    %jit3A_774 = arith.constant 1.000000e+00 : f32
    %jit3A_775 = arith.constant 0.000000e+00 : f32
    %broadcast_in_dim3A_776 = vector.broadcast %jit3A_774 : f32 to vector<2048x64xf32>
    %broadcast_in_dim3A_777 = vector.broadcast %jit3A_775 : f32 to vector<2048x64xf32>
    %select_n3A_778 = arith.select %gt3A_773, %broadcast_in_dim3A_776, %broadcast_in_dim3A_777 : vector<2048x64xi1>, vector<2048x64xf32>
    %convert_element_type3A_779 = arith.truncf %select_n3A_778 : vector<2048x64xf32> to vector<2048x64xbf16>
    %dot_general3A_780 = arith.constant dense<0.000000e+00> : vector<3x2048xf32>
    %dot_general3A_781 = tpu.matmul %get3A_36, %convert_element_type3A_779, %dot_general3A_780 {dimension_numbers = #tpu.dot_dimension_numbers<[0], [1], [1], [0], [0, 1, 1, 0], [], []>, transpose_lhs_hint = false} : vector<64x3xbf16>, vector<2048x64xbf16>, vector<3x2048xf32> -> vector<3x2048xf32>
    %convert_element_type3A_782 = arith.fptosi %dot_general3A_781 : vector<3x2048xf32> to vector<3x2048xi32>
    %swap3A_783 = arith.constant 10 : index
    %swap3A_784 = arith.constant 0 : index
    %swap3A_785 = arith.constant 0 : index
    %swap3A_786 = vector.load %arg16[%swap3A_783, %swap3A_784, %swap3A_785] : memref<12x3x2048xi32, #tpu.memory_space<vmem>>, vector<1x3x2048xi32>
    %swap3A_787 = vector.shape_cast %swap3A_786 : vector<1x3x2048xi32> to vector<3x2048xi32>
    %swap3A_788 = vector.shape_cast %convert_element_type3A_782 : vector<3x2048xi32> to vector<1x3x2048xi32>
    tpu.vector_store %arg16[%swap3A_783, %swap3A_784, %swap3A_785], %swap3A_788 {strides = array<i32>} : memref<12x3x2048xi32, #tpu.memory_space<vmem>>, vector<1x3x2048xi32>,
    %get3A_789 = arith.constant 11 : index
    %get3A_790 = arith.constant 0 : index
    %get3A_791 = arith.constant 0 : index
    %get3A_792 = vector.load %arg6[%get3A_789, %get3A_790, %get3A_791] : memref<12x64x32xf32, #tpu.memory_space<vmem>>, vector<1x64x32xf32>
    %get3A_793 = vector.shape_cast %get3A_792 : vector<1x64x32xf32> to vector<64x32xf32>
    %get3A_794 = arith.constant 11 : index
    %get3A_795 = arith.constant 0 : index
    %get3A_796 = arith.constant 0 : index
    %get3A_797 = vector.load %arg7[%get3A_794, %get3A_795, %get3A_796] : memref<12x32x64xf32, #tpu.memory_space<vmem>>, vector<1x32x64xf32>
    %get3A_798 = vector.shape_cast %get3A_797 : vector<1x32x64xf32> to vector<32x64xf32>
    %dot_general3A_799 = arith.constant dense<0.000000e+00> : vector<64x64xf32>
    %dot_general3A_800 = tpu.matmul %get3A_793, %get3A_798, %dot_general3A_799 {dimension_numbers = #tpu.dot_dimension_numbers<[1], [0], [0], [1], [0, 0, 1, 1], [], []>, transpose_lhs_hint = false} : vector<64x32xf32>, vector<32x64xf32>, vector<64x64xf32> -> vector<64x64xf32>
    %get3A_801 = arith.constant 11 : index
    %get3A_802 = arith.constant 0 : index
    %get3A_803 = arith.constant 0 : index
    %get3A_804 = vector.load %arg8[%get3A_801, %get3A_802, %get3A_803] : memref<12x64x32xf32, #tpu.memory_space<vmem>>, vector<1x64x32xf32>
    %get3A_805 = vector.shape_cast %get3A_804 : vector<1x64x32xf32> to vector<64x32xf32>
    %get3A_806 = arith.constant 11 : index
    %get3A_807 = arith.constant 0 : index
    %get3A_808 = arith.constant 0 : index
    %get3A_809 = vector.load %arg9[%get3A_806, %get3A_807, %get3A_808] : memref<12x32x64xf32, #tpu.memory_space<vmem>>, vector<1x32x64xf32>
    %get3A_810 = vector.shape_cast %get3A_809 : vector<1x32x64xf32> to vector<32x64xf32>
    %dot_general3A_811 = arith.constant dense<0.000000e+00> : vector<64x64xf32>
    %dot_general3A_812 = tpu.matmul %get3A_805, %get3A_810, %dot_general3A_811 {dimension_numbers = #tpu.dot_dimension_numbers<[1], [0], [0], [1], [0, 0, 1, 1], [], []>, transpose_lhs_hint = false} : vector<64x32xf32>, vector<32x64xf32>, vector<64x64xf32> -> vector<64x64xf32>
    %dot_general3A_813 = arith.constant dense<0.000000e+00> : vector<64x64xf32>
    %dot_general3A_814 = tpu.matmul %dot_general3A_800, %dot_general3A_812, %dot_general3A_813 {dimension_numbers = #tpu.dot_dimension_numbers<[0], [0], [1], [1], [0, 1, 1, 1], [], []>, transpose_lhs_hint = false} : vector<64x64xf32>, vector<64x64xf32>, vector<64x64xf32> -> vector<64x64xf32>
    %dot_general3A_815 = arith.constant dense<0.000000e+00> : vector<2048x64xf32>
    %dot_general3A_816 = tpu.matmul %dot_general3A_5, %dot_general3A_814, %dot_general3A_815 {dimension_numbers = #tpu.dot_dimension_numbers<[1], [0], [0], [1], [0, 0, 1, 1], [], []>, transpose_lhs_hint = false} : vector<2048x64xf32>, vector<64x64xf32>, vector<2048x64xf32> -> vector<2048x64xf32>
    %swap3A_817 = arith.constant 11 : index
    %swap3A_818 = arith.constant 0 : index
    %swap3A_819 = arith.constant 0 : index
    %swap3A_820 = vector.load %arg11[%swap3A_817, %swap3A_818, %swap3A_819] : memref<12x2048x64xf32, #tpu.memory_space<vmem>>, vector<1x2048x64xf32>
    %swap3A_821 = vector.shape_cast %swap3A_820 : vector<1x2048x64xf32> to vector<2048x64xf32>
    %swap3A_822 = vector.shape_cast %dot_general3A_816 : vector<2048x64xf32> to vector<1x2048x64xf32>
    tpu.vector_store %arg11[%swap3A_817, %swap3A_818, %swap3A_819], %swap3A_822 {strides = array<i32>} : memref<12x2048x64xf32, #tpu.memory_space<vmem>>, vector<1x2048x64xf32>,
    %gt3A_823 = arith.constant 0.000000e+00 : f32
    %gt3A_824 = vector.broadcast %gt3A_823 : f32 to vector<2048x64xf32>
    %gt3A_825 = arith.cmpf ogt, %dot_general3A_816, %gt3A_824 : vector<2048x64xf32>
    %jit3A_826 = arith.constant 1.000000e+00 : f32
    %jit3A_827 = arith.constant -1.000000e+00 : f32
    %broadcast_in_dim3A_828 = vector.broadcast %jit3A_826 : f32 to vector<2048x64xf32>
    %broadcast_in_dim3A_829 = vector.broadcast %jit3A_827 : f32 to vector<2048x64xf32>
    %select_n3A_830 = arith.select %gt3A_825, %broadcast_in_dim3A_828, %broadcast_in_dim3A_829 : vector<2048x64xi1>, vector<2048x64xf32>
    %convert_element_type3A_831 = arith.truncf %select_n3A_830 : vector<2048x64xf32> to vector<2048x64xbf16>
    %swap3A_832 = arith.constant 11 : index
    %swap3A_833 = arith.constant 0 : index
    %swap3A_834 = arith.constant 0 : index
    %swap3A_835 = vector.load %arg12[%swap3A_832, %swap3A_833, %swap3A_834] : memref<12x2048x64xbf16, #tpu.memory_space<vmem>>, vector<1x2048x64xbf16>
    %swap3A_836 = vector.shape_cast %swap3A_835 : vector<1x2048x64xbf16> to vector<2048x64xbf16>
    %swap3A_837 = vector.shape_cast %convert_element_type3A_831 : vector<2048x64xbf16> to vector<1x2048x64xbf16>
    tpu.vector_store %arg12[%swap3A_832, %swap3A_833, %swap3A_834], %swap3A_837 {strides = array<i32>} : memref<12x2048x64xbf16, #tpu.memory_space<vmem>>, vector<1x2048x64xbf16>,
    %gt3A_838 = arith.constant 0.000000e+00 : f32
    %gt3A_839 = vector.broadcast %gt3A_838 : f32 to vector<2048x64xf32>
    %gt3A_840 = arith.cmpf ogt, %dot_general3A_816, %gt3A_839 : vector<2048x64xf32>
    %jit3A_841 = arith.constant 1.000000e+00 : f32
    %jit3A_842 = arith.constant 0.000000e+00 : f32
    %broadcast_in_dim3A_843 = vector.broadcast %jit3A_841 : f32 to vector<2048x64xf32>
    %broadcast_in_dim3A_844 = vector.broadcast %jit3A_842 : f32 to vector<2048x64xf32>
    %select_n3A_845 = arith.select %gt3A_840, %broadcast_in_dim3A_843, %broadcast_in_dim3A_844 : vector<2048x64xi1>, vector<2048x64xf32>
    %convert_element_type3A_846 = arith.truncf %select_n3A_845 : vector<2048x64xf32> to vector<2048x64xbf16>
    %dot_general3A_847 = arith.constant dense<0.000000e+00> : vector<3x2048xf32>
    %dot_general3A_848 = tpu.matmul %get3A_36, %convert_element_type3A_846, %dot_general3A_847 {dimension_numbers = #tpu.dot_dimension_numbers<[0], [1], [1], [0], [0, 1, 1, 0], [], []>, transpose_lhs_hint = false} : vector<64x3xbf16>, vector<2048x64xbf16>, vector<3x2048xf32> -> vector<3x2048xf32>
    %convert_element_type3A_849 = arith.fptosi %dot_general3A_848 : vector<3x2048xf32> to vector<3x2048xi32>
    %swap3A_850 = arith.constant 11 : index
    %swap3A_851 = arith.constant 0 : index
    %swap3A_852 = arith.constant 0 : index
    %swap3A_853 = vector.load %arg16[%swap3A_850, %swap3A_851, %swap3A_852] : memref<12x3x2048xi32, #tpu.memory_space<vmem>>, vector<1x3x2048xi32>
    %swap3A_854 = vector.shape_cast %swap3A_853 : vector<1x3x2048xi32> to vector<3x2048xi32>
    %swap3A_855 = vector.shape_cast %convert_element_type3A_849 : vector<3x2048xi32> to vector<1x3x2048xi32>
    tpu.vector_store %arg16[%swap3A_850, %swap3A_851, %swap3A_852], %swap3A_855 {strides = array<i32>} : memref<12x3x2048xi32, #tpu.memory_space<vmem>>, vector<1x3x2048xi32>,
    return
  }
}

module attributes {stable_mosaic.version = 14 : i64} {
  func.func @_attn_kernel(%arg0: i32, %arg1: memref<1x12x256xf32, #tpu.memory_space<vmem>>, %arg2: memref<12x256x64xf32, #tpu.memory_space<vmem>>, %arg3: memref<12x256x64xbf16, #tpu.memory_space<vmem>>, %arg4: memref<2048x64xf32, #tpu.memory_space<vmem>>, %arg5: memref<2048x64xbf16, #tpu.memory_space<vmem>>, %arg6: memref<2048x64xf32, #tpu.memory_space<vmem>>, %arg7: memref<12x64x1024xf32, #tpu.memory_space<vmem>>, %arg8: memref<256x1024xf32, #tpu.memory_space<vmem>>) attributes {dimension_semantics = [#tpu.dimension_semantics<arbitrary>], iteration_bounds = array<i64: 8>, scalar_prefetch = 0 : i64, scratch_operands = 0 : i64, tpu.core_type = #tpu.core_type<tc>, window_params = [{transform_indices = @transform_0, window_bounds = array<i64: 1, 12, 256>}, {transform_indices = @transform_1, window_bounds = array<i64: 12, 256, 64>}, {transform_indices = @transform_2, window_bounds = array<i64: 12, 256, 64>}, {pipeline_mode = #tpu.pipeline_mode<synchronous>, transform_indices = @transform_3, window_bounds = array<i64: 2048, 64>}, {pipeline_mode = #tpu.pipeline_mode<synchronous>, transform_indices = @transform_4, window_bounds = array<i64: 2048, 64>}, {pipeline_mode = #tpu.pipeline_mode<synchronous>, transform_indices = @transform_5, window_bounds = array<i64: 2048, 64>}, {pipeline_mode = #tpu.pipeline_mode<synchronous>, transform_indices = @transform_6, window_bounds = array<i64: 12, 64, 1024>}, {transform_indices = @transform_7, window_bounds = array<i64: 256, 1024>}]} {
    %broadcast_in_dim3A = arith.constant 0.000000e+00 : f32
    %broadcast_in_dim3A_0 = vector.broadcast %broadcast_in_dim3A : f32 to vector<256x1024xf32>
    %swap3A = arith.constant 0 : index
    %swap3A_1 = arith.constant 0 : index
    %swap3A_2 = vector.load %arg8[%swap3A, %swap3A_1] : memref<256x1024xf32, #tpu.memory_space<vmem>>, vector<256x1024xf32>
    tpu.vector_store %arg8[%swap3A, %swap3A_1], %broadcast_in_dim3A_0 {strides = array<i32>} : memref<256x1024xf32, #tpu.memory_space<vmem>>, vector<256x1024xf32>,
    %get3A = arith.constant 0 : index
    %get3A_3 = arith.constant 0 : index
    %get3A_4 = arith.constant 0 : index
    %get3A_5 = vector.load %arg1[%get3A, %get3A_3, %get3A_4] : memref<1x12x256xf32, #tpu.memory_space<vmem>>, vector<1x1x256xf32>
    %get3A_6 = vector.shape_cast %get3A_5 : vector<1x1x256xf32> to vector<256xf32>
    %reduce_max3A = vector.shape_cast %get3A_6 : vector<256xf32> to vector<1x256xf32>
    %reduce_max3A_7 = arith.constant dense<0xFF800000> : vector<1xf32>
    %reduce_max3A_8 = vector.multi_reduction <maximumf>, %reduce_max3A, %reduce_max3A_7 [1] : vector<1x256xf32> to vector<1xf32>
    %reduce_max3A_9 = vector.shape_cast %reduce_max3A_8 : vector<1xf32> to vector<1x1xf32>
    %reduce_max3A_10 = vector.extract %reduce_max3A_9[0, 0] : f32 from vector<1x1xf32>
    %gt3A = arith.constant 5.000000e-01 : f32
    %gt3A_11 = arith.cmpf ogt, %reduce_max3A_10, %gt3A : f32
    %convert_element_type3A = arith.extui %gt3A_11 : i1 to i32
    %cond3A = arith.constant 0 : i32
    %cond3A_12 = arith.cmpi ne, %convert_element_type3A, %cond3A : i32
    scf.if %cond3A_12 {
      %get3A_178 = arith.constant 0 : index
      %get3A_179 = arith.constant 0 : index
      %get3A_180 = arith.constant 0 : index
      %get3A_181 = vector.load %arg2[%get3A_178, %get3A_179, %get3A_180] : memref<12x256x64xf32, #tpu.memory_space<vmem>>, vector<1x256x64xf32>
      %get3A_182 = vector.shape_cast %get3A_181 : vector<1x256x64xf32> to vector<256x64xf32>
      %get3A_183 = arith.constant 0 : index
      %get3A_184 = arith.constant 0 : index
      %get3A_185 = vector.load %arg4[%get3A_183, %get3A_184] : memref<2048x64xf32, #tpu.memory_space<vmem>>, vector<2048x64xf32>
      %get3A_186 = arith.constant 0 : index
      %get3A_187 = arith.constant 0 : index
      %get3A_188 = arith.constant 0 : index
      %get3A_189 = vector.load %arg3[%get3A_186, %get3A_187, %get3A_188] : memref<12x256x64xbf16, #tpu.memory_space<vmem>>, vector<1x256x64xbf16>
      %get3A_190 = vector.shape_cast %get3A_189 : vector<1x256x64xbf16> to vector<256x64xbf16>
      %get3A_191 = arith.constant 0 : index
      %get3A_192 = arith.constant 0 : index
      %get3A_193 = vector.load %arg5[%get3A_191, %get3A_192] : memref<2048x64xbf16, #tpu.memory_space<vmem>>, vector<2048x64xbf16>
      %dot_general3A = arith.constant dense<0.000000e+00> : vector<256x2048xf32>
      %dot_general3A_194 = tpu.matmul %get3A_190, %get3A_193, %dot_general3A {dimension_numbers = #tpu.dot_dimension_numbers<[1], [1], [0], [0], [0, 0, 1, 0], [], []>, transpose_lhs_hint = false} : vector<256x64xbf16>, vector<2048x64xbf16>, vector<256x2048xf32> -> vector<256x2048xf32>
      %ge3A = arith.constant 6.350000e+01 : f32
      %ge3A_195 = vector.broadcast %ge3A : f32 to vector<256x2048xf32>
      %ge3A_196 = arith.cmpf oge, %dot_general3A_194, %ge3A_195 : vector<256x2048xf32>
      %convert_element_type3A_197 = arith.extui %ge3A_196 : vector<256x2048xi1> to vector<256x2048xi32>
      %convert_element_type3A_198 = arith.sitofp %convert_element_type3A_197 : vector<256x2048xi32> to vector<256x2048xf32>
      %convert_element_type3A_199 = arith.truncf %convert_element_type3A_198 : vector<256x2048xf32> to vector<256x2048xbf16>
      %reshape3A = vector.shape_cast %convert_element_type3A_199 : vector<256x2048xbf16> to vector<4096x128xbf16>
      %iota3A = tpu.iota {dimensions = array<i32: 0>} : vector<128x128xi32>
      %iota3A_200 = tpu.iota {dimensions = array<i32: 1>} : vector<128x128xi32>
      %le3A = arith.cmpi sle, %iota3A, %iota3A_200 : vector<128x128xi32>
      %convert_element_type3A_201 = arith.extui %le3A : vector<128x128xi1> to vector<128x128xi32>
      %convert_element_type3A_202 = arith.sitofp %convert_element_type3A_201 : vector<128x128xi32> to vector<128x128xf32>
      %convert_element_type3A_203 = arith.truncf %convert_element_type3A_202 : vector<128x128xf32> to vector<128x128xbf16>
      %dot_general3A_204 = arith.constant dense<0.000000e+00> : vector<4096x128xf32>
      %dot_general3A_205 = tpu.matmul %reshape3A, %convert_element_type3A_203, %dot_general3A_204 {dimension_numbers = #tpu.dot_dimension_numbers<[1], [0], [0], [1], [0, 0, 1, 1], [], []>, transpose_lhs_hint = false} : vector<4096x128xbf16>, vector<128x128xbf16>, vector<4096x128xf32> -> vector<4096x128xf32>
      %reshape3A_206 = vector.shape_cast %dot_general3A_205 : vector<4096x128xf32> to vector<256x16x128xf32>
      %reshape3A_207 = vector.shape_cast %convert_element_type3A_198 : vector<256x2048xf32> to vector<256x16x128xf32>
      %reduce_sum3A = arith.constant dense<0.000000e+00> : vector<256x16xf32>
      %reduce_sum3A_208 = vector.multi_reduction <add>, %reshape3A_207, %reduce_sum3A [2] : vector<256x16x128xf32> to vector<256x16xf32>
      %iota3A_209 = tpu.iota {dimensions = array<i32: 0>} : vector<16x16xi32>
      %iota3A_210 = tpu.iota {dimensions = array<i32: 1>} : vector<16x16xi32>
      %lt3A = arith.cmpi slt, %iota3A_209, %iota3A_210 : vector<16x16xi32>
      %convert_element_type3A_211 = arith.extui %lt3A : vector<16x16xi1> to vector<16x16xi32>
      %convert_element_type3A_212 = arith.sitofp %convert_element_type3A_211 : vector<16x16xi32> to vector<16x16xf32>
      %convert_element_type3A_213 = arith.truncf %convert_element_type3A_212 : vector<16x16xf32> to vector<16x16xbf16>
      %convert_element_type3A_214 = arith.truncf %reduce_sum3A_208 : vector<256x16xf32> to vector<256x16xbf16>
      %dot_general3A_215 = arith.constant dense<0.000000e+00> : vector<256x16xf32>
      %dot_general3A_216 = tpu.matmul %convert_element_type3A_214, %convert_element_type3A_213, %dot_general3A_215 {dimension_numbers = #tpu.dot_dimension_numbers<[1], [0], [0], [1], [0, 0, 1, 1], [], []>, transpose_lhs_hint = false} : vector<256x16xbf16>, vector<16x16xbf16>, vector<256x16xf32> -> vector<256x16xf32>
      %broadcast_in_dim3A_217 = vector.shape_cast %dot_general3A_216 : vector<256x16xf32> to vector<256x16x1xf32>
      %add3A = vector.broadcast %broadcast_in_dim3A_217 : vector<256x16x1xf32> to vector<256x16x128xf32>
      %add3A_218 = arith.addf %reshape3A_206, %add3A : vector<256x16x128xf32>
      %reshape3A_219 = vector.shape_cast %convert_element_type3A_198 : vector<256x2048xf32> to vector<256x16x128xf32>
      %gt3A_220 = arith.constant 5.000000e-01 : f32
      %gt3A_221 = vector.broadcast %gt3A_220 : f32 to vector<256x16x128xf32>
      %gt3A_222 = arith.cmpf ogt, %reshape3A_219, %gt3A_221 : vector<256x16x128xf32>
      %le3A_223 = arith.constant 3.250000e+01 : f32
      %le3A_224 = vector.broadcast %le3A_223 : f32 to vector<256x16x128xf32>
      %le3A_225 = arith.cmpf ole, %add3A_218, %le3A_224 : vector<256x16x128xf32>
      %and3A = arith.andi %gt3A_222, %le3A_225 : vector<256x16x128xi1>
      %jit3A = arith.constant 1.000000e+00 : f32
      %jit3A_226 = arith.constant 0.000000e+00 : f32
      %broadcast_in_dim3A_227 = vector.broadcast %jit3A : f32 to vector<256x16x128xf32>
      %broadcast_in_dim3A_228 = vector.broadcast %jit3A_226 : f32 to vector<256x16x128xf32>
      %select_n3A = arith.select %and3A, %broadcast_in_dim3A_227, %broadcast_in_dim3A_228 : vector<256x16x128xi1>, vector<256x16x128xf32>
      %reshape3A_229 = vector.shape_cast %select_n3A : vector<256x16x128xf32> to vector<256x2048xf32>
      %dot_general3A_230 = arith.constant dense<0.000000e+00> : vector<256x2048xf32>
      %dot_general3A_231 = tpu.matmul %get3A_182, %get3A_185, %dot_general3A_230 {dimension_numbers = #tpu.dot_dimension_numbers<[1], [1], [0], [0], [0, 0, 1, 0], [], []>, transpose_lhs_hint = false} : vector<256x64xf32>, vector<2048x64xf32>, vector<256x2048xf32> -> vector<256x2048xf32>
      %mul3A = arith.constant 1.250000e-01 : f32
      %mul3A_232 = vector.broadcast %mul3A : f32 to vector<256x2048xf32>
      %mul3A_233 = arith.mulf %dot_general3A_231, %mul3A_232 : vector<256x2048xf32>
      %gt3A_234 = arith.constant 5.000000e-01 : f32
      %gt3A_235 = vector.broadcast %gt3A_234 : f32 to vector<256x2048xf32>
      %gt3A_236 = arith.cmpf ogt, %reshape3A_229, %gt3A_235 : vector<256x2048xf32>
      %jit3A_237 = arith.constant -1.000000e+09 : f32
      %broadcast_in_dim3A_238 = vector.broadcast %jit3A_237 : f32 to vector<256x2048xf32>
      %select_n3A_239 = arith.select %gt3A_236, %mul3A_233, %broadcast_in_dim3A_238 : vector<256x2048xi1>, vector<256x2048xf32>
      %reduce_max3A_240 = arith.constant dense<0xFF800000> : vector<256xf32>
      %reduce_max3A_241 = vector.multi_reduction <maximumf>, %select_n3A_239, %reduce_max3A_240 [1] : vector<256x2048xf32> to vector<256xf32>
      %broadcast_in_dim3A_242 = vector.shape_cast %reduce_max3A_241 : vector<256xf32> to vector<256x1xf32>
      %sub3A = vector.broadcast %broadcast_in_dim3A_242 : vector<256x1xf32> to vector<256x2048xf32>
      %sub3A_243 = arith.subf %select_n3A_239, %sub3A : vector<256x2048xf32>
      %exp3A = math.exp %sub3A_243 : vector<256x2048xf32>
      %reduce_sum3A_244 = arith.constant dense<0.000000e+00> : vector<256xf32>
      %reduce_sum3A_245 = vector.multi_reduction <add>, %exp3A, %reduce_sum3A_244 [1] : vector<256x2048xf32> to vector<256xf32>
      %broadcast_in_dim3A_246 = vector.shape_cast %reduce_sum3A_245 : vector<256xf32> to vector<256x1xf32>
      %div3A = vector.broadcast %broadcast_in_dim3A_246 : vector<256x1xf32> to vector<256x2048xf32>
      %div3A_247 = arith.divf %exp3A, %div3A : vector<256x2048xf32>
      %mul3A_248 = arith.mulf %div3A_247, %reshape3A_229 : vector<256x2048xf32>
      %get3A_249 = arith.constant 0 : index
      %get3A_250 = arith.constant 0 : index
      %get3A_251 = vector.load %arg6[%get3A_249, %get3A_250] : memref<2048x64xf32, #tpu.memory_space<vmem>>, vector<2048x64xf32>
      %dot_general3A_252 = arith.constant dense<0.000000e+00> : vector<256x64xf32>
      %dot_general3A_253 = tpu.matmul %mul3A_248, %get3A_251, %dot_general3A_252 {dimension_numbers = #tpu.dot_dimension_numbers<[1], [0], [0], [1], [0, 0, 1, 1], [], []>, transpose_lhs_hint = false} : vector<256x2048xf32>, vector<2048x64xf32>, vector<256x64xf32> -> vector<256x64xf32>
      %get3A_254 = arith.constant 0 : index
      %get3A_255 = arith.constant 0 : index
      %get3A_256 = vector.load %arg8[%get3A_254, %get3A_255] : memref<256x1024xf32, #tpu.memory_space<vmem>>, vector<256x1024xf32>
      %get3A_257 = arith.constant 0 : index
      %get3A_258 = arith.constant 0 : index
      %get3A_259 = arith.constant 0 : index
      %get3A_260 = vector.load %arg7[%get3A_257, %get3A_258, %get3A_259] : memref<12x64x1024xf32, #tpu.memory_space<vmem>>, vector<1x64x1024xf32>
      %get3A_261 = vector.shape_cast %get3A_260 : vector<1x64x1024xf32> to vector<64x1024xf32>
      %dot_general3A_262 = arith.constant dense<0.000000e+00> : vector<256x1024xf32>
      %dot_general3A_263 = tpu.matmul %dot_general3A_253, %get3A_261, %dot_general3A_262 {dimension_numbers = #tpu.dot_dimension_numbers<[1], [0], [0], [1], [0, 0, 1, 1], [], []>, transpose_lhs_hint = false} : vector<256x64xf32>, vector<64x1024xf32>, vector<256x1024xf32> -> vector<256x1024xf32>
      %add3A_264 = arith.addf %get3A_256, %dot_general3A_263 : vector<256x1024xf32>
      %swap3A_265 = arith.constant 0 : index
      %swap3A_266 = arith.constant 0 : index
      %swap3A_267 = vector.load %arg8[%swap3A_265, %swap3A_266] : memref<256x1024xf32, #tpu.memory_space<vmem>>, vector<256x1024xf32>
      tpu.vector_store %arg8[%swap3A_265, %swap3A_266], %add3A_264 {strides = array<i32>} : memref<256x1024xf32, #tpu.memory_space<vmem>>, vector<256x1024xf32>,
    } else {
    }
    %get3A_13 = arith.constant 0 : index
    %get3A_14 = arith.constant 1 : index
    %get3A_15 = arith.constant 0 : index
    %get3A_16 = vector.load %arg1[%get3A_13, %get3A_14, %get3A_15] : memref<1x12x256xf32, #tpu.memory_space<vmem>>, vector<1x1x256xf32>
    %get3A_17 = vector.shape_cast %get3A_16 : vector<1x1x256xf32> to vector<256xf32>
    %reduce_max3A_18 = vector.shape_cast %get3A_17 : vector<256xf32> to vector<1x256xf32>
    %reduce_max3A_19 = arith.constant dense<0xFF800000> : vector<1xf32>
    %reduce_max3A_20 = vector.multi_reduction <maximumf>, %reduce_max3A_18, %reduce_max3A_19 [1] : vector<1x256xf32> to vector<1xf32>
    %reduce_max3A_21 = vector.shape_cast %reduce_max3A_20 : vector<1xf32> to vector<1x1xf32>
    %reduce_max3A_22 = vector.extract %reduce_max3A_21[0, 0] : f32 from vector<1x1xf32>
    %gt3A_23 = arith.constant 5.000000e-01 : f32
    %gt3A_24 = arith.cmpf ogt, %reduce_max3A_22, %gt3A_23 : f32
    %convert_element_type3A_25 = arith.extui %gt3A_24 : i1 to i32
    %cond3A_26 = arith.constant 0 : i32
    %cond3A_27 = arith.cmpi ne, %convert_element_type3A_25, %cond3A_26 : i32
    scf.if %cond3A_27 {
      %get3A_178 = arith.constant 1 : index
      %get3A_179 = arith.constant 0 : index
      %get3A_180 = arith.constant 0 : index
      %get3A_181 = vector.load %arg2[%get3A_178, %get3A_179, %get3A_180] : memref<12x256x64xf32, #tpu.memory_space<vmem>>, vector<1x256x64xf32>
      %get3A_182 = vector.shape_cast %get3A_181 : vector<1x256x64xf32> to vector<256x64xf32>
      %get3A_183 = arith.constant 0 : index
      %get3A_184 = arith.constant 0 : index
      %get3A_185 = vector.load %arg4[%get3A_183, %get3A_184] : memref<2048x64xf32, #tpu.memory_space<vmem>>, vector<2048x64xf32>
      %get3A_186 = arith.constant 1 : index
      %get3A_187 = arith.constant 0 : index
      %get3A_188 = arith.constant 0 : index
      %get3A_189 = vector.load %arg3[%get3A_186, %get3A_187, %get3A_188] : memref<12x256x64xbf16, #tpu.memory_space<vmem>>, vector<1x256x64xbf16>
      %get3A_190 = vector.shape_cast %get3A_189 : vector<1x256x64xbf16> to vector<256x64xbf16>
      %get3A_191 = arith.constant 0 : index
      %get3A_192 = arith.constant 0 : index
      %get3A_193 = vector.load %arg5[%get3A_191, %get3A_192] : memref<2048x64xbf16, #tpu.memory_space<vmem>>, vector<2048x64xbf16>
      %dot_general3A = arith.constant dense<0.000000e+00> : vector<256x2048xf32>
      %dot_general3A_194 = tpu.matmul %get3A_190, %get3A_193, %dot_general3A {dimension_numbers = #tpu.dot_dimension_numbers<[1], [1], [0], [0], [0, 0, 1, 0], [], []>, transpose_lhs_hint = false} : vector<256x64xbf16>, vector<2048x64xbf16>, vector<256x2048xf32> -> vector<256x2048xf32>
      %ge3A = arith.constant 6.350000e+01 : f32
      %ge3A_195 = vector.broadcast %ge3A : f32 to vector<256x2048xf32>
      %ge3A_196 = arith.cmpf oge, %dot_general3A_194, %ge3A_195 : vector<256x2048xf32>
      %convert_element_type3A_197 = arith.extui %ge3A_196 : vector<256x2048xi1> to vector<256x2048xi32>
      %convert_element_type3A_198 = arith.sitofp %convert_element_type3A_197 : vector<256x2048xi32> to vector<256x2048xf32>
      %convert_element_type3A_199 = arith.truncf %convert_element_type3A_198 : vector<256x2048xf32> to vector<256x2048xbf16>
      %reshape3A = vector.shape_cast %convert_element_type3A_199 : vector<256x2048xbf16> to vector<4096x128xbf16>
      %iota3A = tpu.iota {dimensions = array<i32: 0>} : vector<128x128xi32>
      %iota3A_200 = tpu.iota {dimensions = array<i32: 1>} : vector<128x128xi32>
      %le3A = arith.cmpi sle, %iota3A, %iota3A_200 : vector<128x128xi32>
      %convert_element_type3A_201 = arith.extui %le3A : vector<128x128xi1> to vector<128x128xi32>
      %convert_element_type3A_202 = arith.sitofp %convert_element_type3A_201 : vector<128x128xi32> to vector<128x128xf32>
      %convert_element_type3A_203 = arith.truncf %convert_element_type3A_202 : vector<128x128xf32> to vector<128x128xbf16>
      %dot_general3A_204 = arith.constant dense<0.000000e+00> : vector<4096x128xf32>
      %dot_general3A_205 = tpu.matmul %reshape3A, %convert_element_type3A_203, %dot_general3A_204 {dimension_numbers = #tpu.dot_dimension_numbers<[1], [0], [0], [1], [0, 0, 1, 1], [], []>, transpose_lhs_hint = false} : vector<4096x128xbf16>, vector<128x128xbf16>, vector<4096x128xf32> -> vector<4096x128xf32>
      %reshape3A_206 = vector.shape_cast %dot_general3A_205 : vector<4096x128xf32> to vector<256x16x128xf32>
      %reshape3A_207 = vector.shape_cast %convert_element_type3A_198 : vector<256x2048xf32> to vector<256x16x128xf32>
      %reduce_sum3A = arith.constant dense<0.000000e+00> : vector<256x16xf32>
      %reduce_sum3A_208 = vector.multi_reduction <add>, %reshape3A_207, %reduce_sum3A [2] : vector<256x16x128xf32> to vector<256x16xf32>
      %iota3A_209 = tpu.iota {dimensions = array<i32: 0>} : vector<16x16xi32>
      %iota3A_210 = tpu.iota {dimensions = array<i32: 1>} : vector<16x16xi32>
      %lt3A = arith.cmpi slt, %iota3A_209, %iota3A_210 : vector<16x16xi32>
      %convert_element_type3A_211 = arith.extui %lt3A : vector<16x16xi1> to vector<16x16xi32>
      %convert_element_type3A_212 = arith.sitofp %convert_element_type3A_211 : vector<16x16xi32> to vector<16x16xf32>
      %convert_element_type3A_213 = arith.truncf %convert_element_type3A_212 : vector<16x16xf32> to vector<16x16xbf16>
      %convert_element_type3A_214 = arith.truncf %reduce_sum3A_208 : vector<256x16xf32> to vector<256x16xbf16>
      %dot_general3A_215 = arith.constant dense<0.000000e+00> : vector<256x16xf32>
      %dot_general3A_216 = tpu.matmul %convert_element_type3A_214, %convert_element_type3A_213, %dot_general3A_215 {dimension_numbers = #tpu.dot_dimension_numbers<[1], [0], [0], [1], [0, 0, 1, 1], [], []>, transpose_lhs_hint = false} : vector<256x16xbf16>, vector<16x16xbf16>, vector<256x16xf32> -> vector<256x16xf32>
      %broadcast_in_dim3A_217 = vector.shape_cast %dot_general3A_216 : vector<256x16xf32> to vector<256x16x1xf32>
      %add3A = vector.broadcast %broadcast_in_dim3A_217 : vector<256x16x1xf32> to vector<256x16x128xf32>
      %add3A_218 = arith.addf %reshape3A_206, %add3A : vector<256x16x128xf32>
      %reshape3A_219 = vector.shape_cast %convert_element_type3A_198 : vector<256x2048xf32> to vector<256x16x128xf32>
      %gt3A_220 = arith.constant 5.000000e-01 : f32
      %gt3A_221 = vector.broadcast %gt3A_220 : f32 to vector<256x16x128xf32>
      %gt3A_222 = arith.cmpf ogt, %reshape3A_219, %gt3A_221 : vector<256x16x128xf32>
      %le3A_223 = arith.constant 3.250000e+01 : f32
      %le3A_224 = vector.broadcast %le3A_223 : f32 to vector<256x16x128xf32>
      %le3A_225 = arith.cmpf ole, %add3A_218, %le3A_224 : vector<256x16x128xf32>
      %and3A = arith.andi %gt3A_222, %le3A_225 : vector<256x16x128xi1>
      %jit3A = arith.constant 1.000000e+00 : f32
      %jit3A_226 = arith.constant 0.000000e+00 : f32
      %broadcast_in_dim3A_227 = vector.broadcast %jit3A : f32 to vector<256x16x128xf32>
      %broadcast_in_dim3A_228 = vector.broadcast %jit3A_226 : f32 to vector<256x16x128xf32>
      %select_n3A = arith.select %and3A, %broadcast_in_dim3A_227, %broadcast_in_dim3A_228 : vector<256x16x128xi1>, vector<256x16x128xf32>
      %reshape3A_229 = vector.shape_cast %select_n3A : vector<256x16x128xf32> to vector<256x2048xf32>
      %dot_general3A_230 = arith.constant dense<0.000000e+00> : vector<256x2048xf32>
      %dot_general3A_231 = tpu.matmul %get3A_182, %get3A_185, %dot_general3A_230 {dimension_numbers = #tpu.dot_dimension_numbers<[1], [1], [0], [0], [0, 0, 1, 0], [], []>, transpose_lhs_hint = false} : vector<256x64xf32>, vector<2048x64xf32>, vector<256x2048xf32> -> vector<256x2048xf32>
      %mul3A = arith.constant 1.250000e-01 : f32
      %mul3A_232 = vector.broadcast %mul3A : f32 to vector<256x2048xf32>
      %mul3A_233 = arith.mulf %dot_general3A_231, %mul3A_232 : vector<256x2048xf32>
      %gt3A_234 = arith.constant 5.000000e-01 : f32
      %gt3A_235 = vector.broadcast %gt3A_234 : f32 to vector<256x2048xf32>
      %gt3A_236 = arith.cmpf ogt, %reshape3A_229, %gt3A_235 : vector<256x2048xf32>
      %jit3A_237 = arith.constant -1.000000e+09 : f32
      %broadcast_in_dim3A_238 = vector.broadcast %jit3A_237 : f32 to vector<256x2048xf32>
      %select_n3A_239 = arith.select %gt3A_236, %mul3A_233, %broadcast_in_dim3A_238 : vector<256x2048xi1>, vector<256x2048xf32>
      %reduce_max3A_240 = arith.constant dense<0xFF800000> : vector<256xf32>
      %reduce_max3A_241 = vector.multi_reduction <maximumf>, %select_n3A_239, %reduce_max3A_240 [1] : vector<256x2048xf32> to vector<256xf32>
      %broadcast_in_dim3A_242 = vector.shape_cast %reduce_max3A_241 : vector<256xf32> to vector<256x1xf32>
      %sub3A = vector.broadcast %broadcast_in_dim3A_242 : vector<256x1xf32> to vector<256x2048xf32>
      %sub3A_243 = arith.subf %select_n3A_239, %sub3A : vector<256x2048xf32>
      %exp3A = math.exp %sub3A_243 : vector<256x2048xf32>
      %reduce_sum3A_244 = arith.constant dense<0.000000e+00> : vector<256xf32>
      %reduce_sum3A_245 = vector.multi_reduction <add>, %exp3A, %reduce_sum3A_244 [1] : vector<256x2048xf32> to vector<256xf32>
      %broadcast_in_dim3A_246 = vector.shape_cast %reduce_sum3A_245 : vector<256xf32> to vector<256x1xf32>
      %div3A = vector.broadcast %broadcast_in_dim3A_246 : vector<256x1xf32> to vector<256x2048xf32>
      %div3A_247 = arith.divf %exp3A, %div3A : vector<256x2048xf32>
      %mul3A_248 = arith.mulf %div3A_247, %reshape3A_229 : vector<256x2048xf32>
      %get3A_249 = arith.constant 0 : index
      %get3A_250 = arith.constant 0 : index
      %get3A_251 = vector.load %arg6[%get3A_249, %get3A_250] : memref<2048x64xf32, #tpu.memory_space<vmem>>, vector<2048x64xf32>
      %dot_general3A_252 = arith.constant dense<0.000000e+00> : vector<256x64xf32>
      %dot_general3A_253 = tpu.matmul %mul3A_248, %get3A_251, %dot_general3A_252 {dimension_numbers = #tpu.dot_dimension_numbers<[1], [0], [0], [1], [0, 0, 1, 1], [], []>, transpose_lhs_hint = false} : vector<256x2048xf32>, vector<2048x64xf32>, vector<256x64xf32> -> vector<256x64xf32>
      %get3A_254 = arith.constant 0 : index
      %get3A_255 = arith.constant 0 : index
      %get3A_256 = vector.load %arg8[%get3A_254, %get3A_255] : memref<256x1024xf32, #tpu.memory_space<vmem>>, vector<256x1024xf32>
      %get3A_257 = arith.constant 1 : index
      %get3A_258 = arith.constant 0 : index
      %get3A_259 = arith.constant 0 : index
      %get3A_260 = vector.load %arg7[%get3A_257, %get3A_258, %get3A_259] : memref<12x64x1024xf32, #tpu.memory_space<vmem>>, vector<1x64x1024xf32>
      %get3A_261 = vector.shape_cast %get3A_260 : vector<1x64x1024xf32> to vector<64x1024xf32>
      %dot_general3A_262 = arith.constant dense<0.000000e+00> : vector<256x1024xf32>
      %dot_general3A_263 = tpu.matmul %dot_general3A_253, %get3A_261, %dot_general3A_262 {dimension_numbers = #tpu.dot_dimension_numbers<[1], [0], [0], [1], [0, 0, 1, 1], [], []>, transpose_lhs_hint = false} : vector<256x64xf32>, vector<64x1024xf32>, vector<256x1024xf32> -> vector<256x1024xf32>
      %add3A_264 = arith.addf %get3A_256, %dot_general3A_263 : vector<256x1024xf32>
      %swap3A_265 = arith.constant 0 : index
      %swap3A_266 = arith.constant 0 : index
      %swap3A_267 = vector.load %arg8[%swap3A_265, %swap3A_266] : memref<256x1024xf32, #tpu.memory_space<vmem>>, vector<256x1024xf32>
      tpu.vector_store %arg8[%swap3A_265, %swap3A_266], %add3A_264 {strides = array<i32>} : memref<256x1024xf32, #tpu.memory_space<vmem>>, vector<256x1024xf32>,
    } else {
    }
    %get3A_28 = arith.constant 0 : index
    %get3A_29 = arith.constant 2 : index
    %get3A_30 = arith.constant 0 : index
    %get3A_31 = vector.load %arg1[%get3A_28, %get3A_29, %get3A_30] : memref<1x12x256xf32, #tpu.memory_space<vmem>>, vector<1x1x256xf32>
    %get3A_32 = vector.shape_cast %get3A_31 : vector<1x1x256xf32> to vector<256xf32>
    %reduce_max3A_33 = vector.shape_cast %get3A_32 : vector<256xf32> to vector<1x256xf32>
    %reduce_max3A_34 = arith.constant dense<0xFF800000> : vector<1xf32>
    %reduce_max3A_35 = vector.multi_reduction <maximumf>, %reduce_max3A_33, %reduce_max3A_34 [1] : vector<1x256xf32> to vector<1xf32>
    %reduce_max3A_36 = vector.shape_cast %reduce_max3A_35 : vector<1xf32> to vector<1x1xf32>
    %reduce_max3A_37 = vector.extract %reduce_max3A_36[0, 0] : f32 from vector<1x1xf32>
    %gt3A_38 = arith.constant 5.000000e-01 : f32
    %gt3A_39 = arith.cmpf ogt, %reduce_max3A_37, %gt3A_38 : f32
    %convert_element_type3A_40 = arith.extui %gt3A_39 : i1 to i32
    %cond3A_41 = arith.constant 0 : i32
    %cond3A_42 = arith.cmpi ne, %convert_element_type3A_40, %cond3A_41 : i32
    scf.if %cond3A_42 {
      %get3A_178 = arith.constant 2 : index
      %get3A_179 = arith.constant 0 : index
      %get3A_180 = arith.constant 0 : index
      %get3A_181 = vector.load %arg2[%get3A_178, %get3A_179, %get3A_180] : memref<12x256x64xf32, #tpu.memory_space<vmem>>, vector<1x256x64xf32>
      %get3A_182 = vector.shape_cast %get3A_181 : vector<1x256x64xf32> to vector<256x64xf32>
      %get3A_183 = arith.constant 0 : index
      %get3A_184 = arith.constant 0 : index
      %get3A_185 = vector.load %arg4[%get3A_183, %get3A_184] : memref<2048x64xf32, #tpu.memory_space<vmem>>, vector<2048x64xf32>
      %get3A_186 = arith.constant 2 : index
      %get3A_187 = arith.constant 0 : index
      %get3A_188 = arith.constant 0 : index
      %get3A_189 = vector.load %arg3[%get3A_186, %get3A_187, %get3A_188] : memref<12x256x64xbf16, #tpu.memory_space<vmem>>, vector<1x256x64xbf16>
      %get3A_190 = vector.shape_cast %get3A_189 : vector<1x256x64xbf16> to vector<256x64xbf16>
      %get3A_191 = arith.constant 0 : index
      %get3A_192 = arith.constant 0 : index
      %get3A_193 = vector.load %arg5[%get3A_191, %get3A_192] : memref<2048x64xbf16, #tpu.memory_space<vmem>>, vector<2048x64xbf16>
      %dot_general3A = arith.constant dense<0.000000e+00> : vector<256x2048xf32>
      %dot_general3A_194 = tpu.matmul %get3A_190, %get3A_193, %dot_general3A {dimension_numbers = #tpu.dot_dimension_numbers<[1], [1], [0], [0], [0, 0, 1, 0], [], []>, transpose_lhs_hint = false} : vector<256x64xbf16>, vector<2048x64xbf16>, vector<256x2048xf32> -> vector<256x2048xf32>
      %ge3A = arith.constant 6.350000e+01 : f32
      %ge3A_195 = vector.broadcast %ge3A : f32 to vector<256x2048xf32>
      %ge3A_196 = arith.cmpf oge, %dot_general3A_194, %ge3A_195 : vector<256x2048xf32>
      %convert_element_type3A_197 = arith.extui %ge3A_196 : vector<256x2048xi1> to vector<256x2048xi32>
      %convert_element_type3A_198 = arith.sitofp %convert_element_type3A_197 : vector<256x2048xi32> to vector<256x2048xf32>
      %convert_element_type3A_199 = arith.truncf %convert_element_type3A_198 : vector<256x2048xf32> to vector<256x2048xbf16>
      %reshape3A = vector.shape_cast %convert_element_type3A_199 : vector<256x2048xbf16> to vector<4096x128xbf16>
      %iota3A = tpu.iota {dimensions = array<i32: 0>} : vector<128x128xi32>
      %iota3A_200 = tpu.iota {dimensions = array<i32: 1>} : vector<128x128xi32>
      %le3A = arith.cmpi sle, %iota3A, %iota3A_200 : vector<128x128xi32>
      %convert_element_type3A_201 = arith.extui %le3A : vector<128x128xi1> to vector<128x128xi32>
      %convert_element_type3A_202 = arith.sitofp %convert_element_type3A_201 : vector<128x128xi32> to vector<128x128xf32>
      %convert_element_type3A_203 = arith.truncf %convert_element_type3A_202 : vector<128x128xf32> to vector<128x128xbf16>
      %dot_general3A_204 = arith.constant dense<0.000000e+00> : vector<4096x128xf32>
      %dot_general3A_205 = tpu.matmul %reshape3A, %convert_element_type3A_203, %dot_general3A_204 {dimension_numbers = #tpu.dot_dimension_numbers<[1], [0], [0], [1], [0, 0, 1, 1], [], []>, transpose_lhs_hint = false} : vector<4096x128xbf16>, vector<128x128xbf16>, vector<4096x128xf32> -> vector<4096x128xf32>
      %reshape3A_206 = vector.shape_cast %dot_general3A_205 : vector<4096x128xf32> to vector<256x16x128xf32>
      %reshape3A_207 = vector.shape_cast %convert_element_type3A_198 : vector<256x2048xf32> to vector<256x16x128xf32>
      %reduce_sum3A = arith.constant dense<0.000000e+00> : vector<256x16xf32>
      %reduce_sum3A_208 = vector.multi_reduction <add>, %reshape3A_207, %reduce_sum3A [2] : vector<256x16x128xf32> to vector<256x16xf32>
      %iota3A_209 = tpu.iota {dimensions = array<i32: 0>} : vector<16x16xi32>
      %iota3A_210 = tpu.iota {dimensions = array<i32: 1>} : vector<16x16xi32>
      %lt3A = arith.cmpi slt, %iota3A_209, %iota3A_210 : vector<16x16xi32>
      %convert_element_type3A_211 = arith.extui %lt3A : vector<16x16xi1> to vector<16x16xi32>
      %convert_element_type3A_212 = arith.sitofp %convert_element_type3A_211 : vector<16x16xi32> to vector<16x16xf32>
      %convert_element_type3A_213 = arith.truncf %convert_element_type3A_212 : vector<16x16xf32> to vector<16x16xbf16>
      %convert_element_type3A_214 = arith.truncf %reduce_sum3A_208 : vector<256x16xf32> to vector<256x16xbf16>
      %dot_general3A_215 = arith.constant dense<0.000000e+00> : vector<256x16xf32>
      %dot_general3A_216 = tpu.matmul %convert_element_type3A_214, %convert_element_type3A_213, %dot_general3A_215 {dimension_numbers = #tpu.dot_dimension_numbers<[1], [0], [0], [1], [0, 0, 1, 1], [], []>, transpose_lhs_hint = false} : vector<256x16xbf16>, vector<16x16xbf16>, vector<256x16xf32> -> vector<256x16xf32>
      %broadcast_in_dim3A_217 = vector.shape_cast %dot_general3A_216 : vector<256x16xf32> to vector<256x16x1xf32>
      %add3A = vector.broadcast %broadcast_in_dim3A_217 : vector<256x16x1xf32> to vector<256x16x128xf32>
      %add3A_218 = arith.addf %reshape3A_206, %add3A : vector<256x16x128xf32>
      %reshape3A_219 = vector.shape_cast %convert_element_type3A_198 : vector<256x2048xf32> to vector<256x16x128xf32>
      %gt3A_220 = arith.constant 5.000000e-01 : f32
      %gt3A_221 = vector.broadcast %gt3A_220 : f32 to vector<256x16x128xf32>
      %gt3A_222 = arith.cmpf ogt, %reshape3A_219, %gt3A_221 : vector<256x16x128xf32>
      %le3A_223 = arith.constant 3.250000e+01 : f32
      %le3A_224 = vector.broadcast %le3A_223 : f32 to vector<256x16x128xf32>
      %le3A_225 = arith.cmpf ole, %add3A_218, %le3A_224 : vector<256x16x128xf32>
      %and3A = arith.andi %gt3A_222, %le3A_225 : vector<256x16x128xi1>
      %jit3A = arith.constant 1.000000e+00 : f32
      %jit3A_226 = arith.constant 0.000000e+00 : f32
      %broadcast_in_dim3A_227 = vector.broadcast %jit3A : f32 to vector<256x16x128xf32>
      %broadcast_in_dim3A_228 = vector.broadcast %jit3A_226 : f32 to vector<256x16x128xf32>
      %select_n3A = arith.select %and3A, %broadcast_in_dim3A_227, %broadcast_in_dim3A_228 : vector<256x16x128xi1>, vector<256x16x128xf32>
      %reshape3A_229 = vector.shape_cast %select_n3A : vector<256x16x128xf32> to vector<256x2048xf32>
      %dot_general3A_230 = arith.constant dense<0.000000e+00> : vector<256x2048xf32>
      %dot_general3A_231 = tpu.matmul %get3A_182, %get3A_185, %dot_general3A_230 {dimension_numbers = #tpu.dot_dimension_numbers<[1], [1], [0], [0], [0, 0, 1, 0], [], []>, transpose_lhs_hint = false} : vector<256x64xf32>, vector<2048x64xf32>, vector<256x2048xf32> -> vector<256x2048xf32>
      %mul3A = arith.constant 1.250000e-01 : f32
      %mul3A_232 = vector.broadcast %mul3A : f32 to vector<256x2048xf32>
      %mul3A_233 = arith.mulf %dot_general3A_231, %mul3A_232 : vector<256x2048xf32>
      %gt3A_234 = arith.constant 5.000000e-01 : f32
      %gt3A_235 = vector.broadcast %gt3A_234 : f32 to vector<256x2048xf32>
      %gt3A_236 = arith.cmpf ogt, %reshape3A_229, %gt3A_235 : vector<256x2048xf32>
      %jit3A_237 = arith.constant -1.000000e+09 : f32
      %broadcast_in_dim3A_238 = vector.broadcast %jit3A_237 : f32 to vector<256x2048xf32>
      %select_n3A_239 = arith.select %gt3A_236, %mul3A_233, %broadcast_in_dim3A_238 : vector<256x2048xi1>, vector<256x2048xf32>
      %reduce_max3A_240 = arith.constant dense<0xFF800000> : vector<256xf32>
      %reduce_max3A_241 = vector.multi_reduction <maximumf>, %select_n3A_239, %reduce_max3A_240 [1] : vector<256x2048xf32> to vector<256xf32>
      %broadcast_in_dim3A_242 = vector.shape_cast %reduce_max3A_241 : vector<256xf32> to vector<256x1xf32>
      %sub3A = vector.broadcast %broadcast_in_dim3A_242 : vector<256x1xf32> to vector<256x2048xf32>
      %sub3A_243 = arith.subf %select_n3A_239, %sub3A : vector<256x2048xf32>
      %exp3A = math.exp %sub3A_243 : vector<256x2048xf32>
      %reduce_sum3A_244 = arith.constant dense<0.000000e+00> : vector<256xf32>
      %reduce_sum3A_245 = vector.multi_reduction <add>, %exp3A, %reduce_sum3A_244 [1] : vector<256x2048xf32> to vector<256xf32>
      %broadcast_in_dim3A_246 = vector.shape_cast %reduce_sum3A_245 : vector<256xf32> to vector<256x1xf32>
      %div3A = vector.broadcast %broadcast_in_dim3A_246 : vector<256x1xf32> to vector<256x2048xf32>
      %div3A_247 = arith.divf %exp3A, %div3A : vector<256x2048xf32>
      %mul3A_248 = arith.mulf %div3A_247, %reshape3A_229 : vector<256x2048xf32>
      %get3A_249 = arith.constant 0 : index
      %get3A_250 = arith.constant 0 : index
      %get3A_251 = vector.load %arg6[%get3A_249, %get3A_250] : memref<2048x64xf32, #tpu.memory_space<vmem>>, vector<2048x64xf32>
      %dot_general3A_252 = arith.constant dense<0.000000e+00> : vector<256x64xf32>
      %dot_general3A_253 = tpu.matmul %mul3A_248, %get3A_251, %dot_general3A_252 {dimension_numbers = #tpu.dot_dimension_numbers<[1], [0], [0], [1], [0, 0, 1, 1], [], []>, transpose_lhs_hint = false} : vector<256x2048xf32>, vector<2048x64xf32>, vector<256x64xf32> -> vector<256x64xf32>
      %get3A_254 = arith.constant 0 : index
      %get3A_255 = arith.constant 0 : index
      %get3A_256 = vector.load %arg8[%get3A_254, %get3A_255] : memref<256x1024xf32, #tpu.memory_space<vmem>>, vector<256x1024xf32>
      %get3A_257 = arith.constant 2 : index
      %get3A_258 = arith.constant 0 : index
      %get3A_259 = arith.constant 0 : index
      %get3A_260 = vector.load %arg7[%get3A_257, %get3A_258, %get3A_259] : memref<12x64x1024xf32, #tpu.memory_space<vmem>>, vector<1x64x1024xf32>
      %get3A_261 = vector.shape_cast %get3A_260 : vector<1x64x1024xf32> to vector<64x1024xf32>
      %dot_general3A_262 = arith.constant dense<0.000000e+00> : vector<256x1024xf32>
      %dot_general3A_263 = tpu.matmul %dot_general3A_253, %get3A_261, %dot_general3A_262 {dimension_numbers = #tpu.dot_dimension_numbers<[1], [0], [0], [1], [0, 0, 1, 1], [], []>, transpose_lhs_hint = false} : vector<256x64xf32>, vector<64x1024xf32>, vector<256x1024xf32> -> vector<256x1024xf32>
      %add3A_264 = arith.addf %get3A_256, %dot_general3A_263 : vector<256x1024xf32>
      %swap3A_265 = arith.constant 0 : index
      %swap3A_266 = arith.constant 0 : index
      %swap3A_267 = vector.load %arg8[%swap3A_265, %swap3A_266] : memref<256x1024xf32, #tpu.memory_space<vmem>>, vector<256x1024xf32>
      tpu.vector_store %arg8[%swap3A_265, %swap3A_266], %add3A_264 {strides = array<i32>} : memref<256x1024xf32, #tpu.memory_space<vmem>>, vector<256x1024xf32>,
    } else {
    }
    %get3A_43 = arith.constant 0 : index
    %get3A_44 = arith.constant 3 : index
    %get3A_45 = arith.constant 0 : index
    %get3A_46 = vector.load %arg1[%get3A_43, %get3A_44, %get3A_45] : memref<1x12x256xf32, #tpu.memory_space<vmem>>, vector<1x1x256xf32>
    %get3A_47 = vector.shape_cast %get3A_46 : vector<1x1x256xf32> to vector<256xf32>
    %reduce_max3A_48 = vector.shape_cast %get3A_47 : vector<256xf32> to vector<1x256xf32>
    %reduce_max3A_49 = arith.constant dense<0xFF800000> : vector<1xf32>
    %reduce_max3A_50 = vector.multi_reduction <maximumf>, %reduce_max3A_48, %reduce_max3A_49 [1] : vector<1x256xf32> to vector<1xf32>
    %reduce_max3A_51 = vector.shape_cast %reduce_max3A_50 : vector<1xf32> to vector<1x1xf32>
    %reduce_max3A_52 = vector.extract %reduce_max3A_51[0, 0] : f32 from vector<1x1xf32>
    %gt3A_53 = arith.constant 5.000000e-01 : f32
    %gt3A_54 = arith.cmpf ogt, %reduce_max3A_52, %gt3A_53 : f32
    %convert_element_type3A_55 = arith.extui %gt3A_54 : i1 to i32
    %cond3A_56 = arith.constant 0 : i32
    %cond3A_57 = arith.cmpi ne, %convert_element_type3A_55, %cond3A_56 : i32
    scf.if %cond3A_57 {
      %get3A_178 = arith.constant 3 : index
      %get3A_179 = arith.constant 0 : index
      %get3A_180 = arith.constant 0 : index
      %get3A_181 = vector.load %arg2[%get3A_178, %get3A_179, %get3A_180] : memref<12x256x64xf32, #tpu.memory_space<vmem>>, vector<1x256x64xf32>
      %get3A_182 = vector.shape_cast %get3A_181 : vector<1x256x64xf32> to vector<256x64xf32>
      %get3A_183 = arith.constant 0 : index
      %get3A_184 = arith.constant 0 : index
      %get3A_185 = vector.load %arg4[%get3A_183, %get3A_184] : memref<2048x64xf32, #tpu.memory_space<vmem>>, vector<2048x64xf32>
      %get3A_186 = arith.constant 3 : index
      %get3A_187 = arith.constant 0 : index
      %get3A_188 = arith.constant 0 : index
      %get3A_189 = vector.load %arg3[%get3A_186, %get3A_187, %get3A_188] : memref<12x256x64xbf16, #tpu.memory_space<vmem>>, vector<1x256x64xbf16>
      %get3A_190 = vector.shape_cast %get3A_189 : vector<1x256x64xbf16> to vector<256x64xbf16>
      %get3A_191 = arith.constant 0 : index
      %get3A_192 = arith.constant 0 : index
      %get3A_193 = vector.load %arg5[%get3A_191, %get3A_192] : memref<2048x64xbf16, #tpu.memory_space<vmem>>, vector<2048x64xbf16>
      %dot_general3A = arith.constant dense<0.000000e+00> : vector<256x2048xf32>
      %dot_general3A_194 = tpu.matmul %get3A_190, %get3A_193, %dot_general3A {dimension_numbers = #tpu.dot_dimension_numbers<[1], [1], [0], [0], [0, 0, 1, 0], [], []>, transpose_lhs_hint = false} : vector<256x64xbf16>, vector<2048x64xbf16>, vector<256x2048xf32> -> vector<256x2048xf32>
      %ge3A = arith.constant 6.350000e+01 : f32
      %ge3A_195 = vector.broadcast %ge3A : f32 to vector<256x2048xf32>
      %ge3A_196 = arith.cmpf oge, %dot_general3A_194, %ge3A_195 : vector<256x2048xf32>
      %convert_element_type3A_197 = arith.extui %ge3A_196 : vector<256x2048xi1> to vector<256x2048xi32>
      %convert_element_type3A_198 = arith.sitofp %convert_element_type3A_197 : vector<256x2048xi32> to vector<256x2048xf32>
      %convert_element_type3A_199 = arith.truncf %convert_element_type3A_198 : vector<256x2048xf32> to vector<256x2048xbf16>
      %reshape3A = vector.shape_cast %convert_element_type3A_199 : vector<256x2048xbf16> to vector<4096x128xbf16>
      %iota3A = tpu.iota {dimensions = array<i32: 0>} : vector<128x128xi32>
      %iota3A_200 = tpu.iota {dimensions = array<i32: 1>} : vector<128x128xi32>
      %le3A = arith.cmpi sle, %iota3A, %iota3A_200 : vector<128x128xi32>
      %convert_element_type3A_201 = arith.extui %le3A : vector<128x128xi1> to vector<128x128xi32>
      %convert_element_type3A_202 = arith.sitofp %convert_element_type3A_201 : vector<128x128xi32> to vector<128x128xf32>
      %convert_element_type3A_203 = arith.truncf %convert_element_type3A_202 : vector<128x128xf32> to vector<128x128xbf16>
      %dot_general3A_204 = arith.constant dense<0.000000e+00> : vector<4096x128xf32>
      %dot_general3A_205 = tpu.matmul %reshape3A, %convert_element_type3A_203, %dot_general3A_204 {dimension_numbers = #tpu.dot_dimension_numbers<[1], [0], [0], [1], [0, 0, 1, 1], [], []>, transpose_lhs_hint = false} : vector<4096x128xbf16>, vector<128x128xbf16>, vector<4096x128xf32> -> vector<4096x128xf32>
      %reshape3A_206 = vector.shape_cast %dot_general3A_205 : vector<4096x128xf32> to vector<256x16x128xf32>
      %reshape3A_207 = vector.shape_cast %convert_element_type3A_198 : vector<256x2048xf32> to vector<256x16x128xf32>
      %reduce_sum3A = arith.constant dense<0.000000e+00> : vector<256x16xf32>
      %reduce_sum3A_208 = vector.multi_reduction <add>, %reshape3A_207, %reduce_sum3A [2] : vector<256x16x128xf32> to vector<256x16xf32>
      %iota3A_209 = tpu.iota {dimensions = array<i32: 0>} : vector<16x16xi32>
      %iota3A_210 = tpu.iota {dimensions = array<i32: 1>} : vector<16x16xi32>
      %lt3A = arith.cmpi slt, %iota3A_209, %iota3A_210 : vector<16x16xi32>
      %convert_element_type3A_211 = arith.extui %lt3A : vector<16x16xi1> to vector<16x16xi32>
      %convert_element_type3A_212 = arith.sitofp %convert_element_type3A_211 : vector<16x16xi32> to vector<16x16xf32>
      %convert_element_type3A_213 = arith.truncf %convert_element_type3A_212 : vector<16x16xf32> to vector<16x16xbf16>
      %convert_element_type3A_214 = arith.truncf %reduce_sum3A_208 : vector<256x16xf32> to vector<256x16xbf16>
      %dot_general3A_215 = arith.constant dense<0.000000e+00> : vector<256x16xf32>
      %dot_general3A_216 = tpu.matmul %convert_element_type3A_214, %convert_element_type3A_213, %dot_general3A_215 {dimension_numbers = #tpu.dot_dimension_numbers<[1], [0], [0], [1], [0, 0, 1, 1], [], []>, transpose_lhs_hint = false} : vector<256x16xbf16>, vector<16x16xbf16>, vector<256x16xf32> -> vector<256x16xf32>
      %broadcast_in_dim3A_217 = vector.shape_cast %dot_general3A_216 : vector<256x16xf32> to vector<256x16x1xf32>
      %add3A = vector.broadcast %broadcast_in_dim3A_217 : vector<256x16x1xf32> to vector<256x16x128xf32>
      %add3A_218 = arith.addf %reshape3A_206, %add3A : vector<256x16x128xf32>
      %reshape3A_219 = vector.shape_cast %convert_element_type3A_198 : vector<256x2048xf32> to vector<256x16x128xf32>
      %gt3A_220 = arith.constant 5.000000e-01 : f32
      %gt3A_221 = vector.broadcast %gt3A_220 : f32 to vector<256x16x128xf32>
      %gt3A_222 = arith.cmpf ogt, %reshape3A_219, %gt3A_221 : vector<256x16x128xf32>
      %le3A_223 = arith.constant 3.250000e+01 : f32
      %le3A_224 = vector.broadcast %le3A_223 : f32 to vector<256x16x128xf32>
      %le3A_225 = arith.cmpf ole, %add3A_218, %le3A_224 : vector<256x16x128xf32>
      %and3A = arith.andi %gt3A_222, %le3A_225 : vector<256x16x128xi1>
      %jit3A = arith.constant 1.000000e+00 : f32
      %jit3A_226 = arith.constant 0.000000e+00 : f32
      %broadcast_in_dim3A_227 = vector.broadcast %jit3A : f32 to vector<256x16x128xf32>
      %broadcast_in_dim3A_228 = vector.broadcast %jit3A_226 : f32 to vector<256x16x128xf32>
      %select_n3A = arith.select %and3A, %broadcast_in_dim3A_227, %broadcast_in_dim3A_228 : vector<256x16x128xi1>, vector<256x16x128xf32>
      %reshape3A_229 = vector.shape_cast %select_n3A : vector<256x16x128xf32> to vector<256x2048xf32>
      %dot_general3A_230 = arith.constant dense<0.000000e+00> : vector<256x2048xf32>
      %dot_general3A_231 = tpu.matmul %get3A_182, %get3A_185, %dot_general3A_230 {dimension_numbers = #tpu.dot_dimension_numbers<[1], [1], [0], [0], [0, 0, 1, 0], [], []>, transpose_lhs_hint = false} : vector<256x64xf32>, vector<2048x64xf32>, vector<256x2048xf32> -> vector<256x2048xf32>
      %mul3A = arith.constant 1.250000e-01 : f32
      %mul3A_232 = vector.broadcast %mul3A : f32 to vector<256x2048xf32>
      %mul3A_233 = arith.mulf %dot_general3A_231, %mul3A_232 : vector<256x2048xf32>
      %gt3A_234 = arith.constant 5.000000e-01 : f32
      %gt3A_235 = vector.broadcast %gt3A_234 : f32 to vector<256x2048xf32>
      %gt3A_236 = arith.cmpf ogt, %reshape3A_229, %gt3A_235 : vector<256x2048xf32>
      %jit3A_237 = arith.constant -1.000000e+09 : f32
      %broadcast_in_dim3A_238 = vector.broadcast %jit3A_237 : f32 to vector<256x2048xf32>
      %select_n3A_239 = arith.select %gt3A_236, %mul3A_233, %broadcast_in_dim3A_238 : vector<256x2048xi1>, vector<256x2048xf32>
      %reduce_max3A_240 = arith.constant dense<0xFF800000> : vector<256xf32>
      %reduce_max3A_241 = vector.multi_reduction <maximumf>, %select_n3A_239, %reduce_max3A_240 [1] : vector<256x2048xf32> to vector<256xf32>
      %broadcast_in_dim3A_242 = vector.shape_cast %reduce_max3A_241 : vector<256xf32> to vector<256x1xf32>
      %sub3A = vector.broadcast %broadcast_in_dim3A_242 : vector<256x1xf32> to vector<256x2048xf32>
      %sub3A_243 = arith.subf %select_n3A_239, %sub3A : vector<256x2048xf32>
      %exp3A = math.exp %sub3A_243 : vector<256x2048xf32>
      %reduce_sum3A_244 = arith.constant dense<0.000000e+00> : vector<256xf32>
      %reduce_sum3A_245 = vector.multi_reduction <add>, %exp3A, %reduce_sum3A_244 [1] : vector<256x2048xf32> to vector<256xf32>
      %broadcast_in_dim3A_246 = vector.shape_cast %reduce_sum3A_245 : vector<256xf32> to vector<256x1xf32>
      %div3A = vector.broadcast %broadcast_in_dim3A_246 : vector<256x1xf32> to vector<256x2048xf32>
      %div3A_247 = arith.divf %exp3A, %div3A : vector<256x2048xf32>
      %mul3A_248 = arith.mulf %div3A_247, %reshape3A_229 : vector<256x2048xf32>
      %get3A_249 = arith.constant 0 : index
      %get3A_250 = arith.constant 0 : index
      %get3A_251 = vector.load %arg6[%get3A_249, %get3A_250] : memref<2048x64xf32, #tpu.memory_space<vmem>>, vector<2048x64xf32>
      %dot_general3A_252 = arith.constant dense<0.000000e+00> : vector<256x64xf32>
      %dot_general3A_253 = tpu.matmul %mul3A_248, %get3A_251, %dot_general3A_252 {dimension_numbers = #tpu.dot_dimension_numbers<[1], [0], [0], [1], [0, 0, 1, 1], [], []>, transpose_lhs_hint = false} : vector<256x2048xf32>, vector<2048x64xf32>, vector<256x64xf32> -> vector<256x64xf32>
      %get3A_254 = arith.constant 0 : index
      %get3A_255 = arith.constant 0 : index
      %get3A_256 = vector.load %arg8[%get3A_254, %get3A_255] : memref<256x1024xf32, #tpu.memory_space<vmem>>, vector<256x1024xf32>
      %get3A_257 = arith.constant 3 : index
      %get3A_258 = arith.constant 0 : index
      %get3A_259 = arith.constant 0 : index
      %get3A_260 = vector.load %arg7[%get3A_257, %get3A_258, %get3A_259] : memref<12x64x1024xf32, #tpu.memory_space<vmem>>, vector<1x64x1024xf32>
      %get3A_261 = vector.shape_cast %get3A_260 : vector<1x64x1024xf32> to vector<64x1024xf32>
      %dot_general3A_262 = arith.constant dense<0.000000e+00> : vector<256x1024xf32>
      %dot_general3A_263 = tpu.matmul %dot_general3A_253, %get3A_261, %dot_general3A_262 {dimension_numbers = #tpu.dot_dimension_numbers<[1], [0], [0], [1], [0, 0, 1, 1], [], []>, transpose_lhs_hint = false} : vector<256x64xf32>, vector<64x1024xf32>, vector<256x1024xf32> -> vector<256x1024xf32>
      %add3A_264 = arith.addf %get3A_256, %dot_general3A_263 : vector<256x1024xf32>
      %swap3A_265 = arith.constant 0 : index
      %swap3A_266 = arith.constant 0 : index
      %swap3A_267 = vector.load %arg8[%swap3A_265, %swap3A_266] : memref<256x1024xf32, #tpu.memory_space<vmem>>, vector<256x1024xf32>
      tpu.vector_store %arg8[%swap3A_265, %swap3A_266], %add3A_264 {strides = array<i32>} : memref<256x1024xf32, #tpu.memory_space<vmem>>, vector<256x1024xf32>,
    } else {
    }
    %get3A_58 = arith.constant 0 : index
    %get3A_59 = arith.constant 4 : index
    %get3A_60 = arith.constant 0 : index
    %get3A_61 = vector.load %arg1[%get3A_58, %get3A_59, %get3A_60] : memref<1x12x256xf32, #tpu.memory_space<vmem>>, vector<1x1x256xf32>
    %get3A_62 = vector.shape_cast %get3A_61 : vector<1x1x256xf32> to vector<256xf32>
    %reduce_max3A_63 = vector.shape_cast %get3A_62 : vector<256xf32> to vector<1x256xf32>
    %reduce_max3A_64 = arith.constant dense<0xFF800000> : vector<1xf32>
    %reduce_max3A_65 = vector.multi_reduction <maximumf>, %reduce_max3A_63, %reduce_max3A_64 [1] : vector<1x256xf32> to vector<1xf32>
    %reduce_max3A_66 = vector.shape_cast %reduce_max3A_65 : vector<1xf32> to vector<1x1xf32>
    %reduce_max3A_67 = vector.extract %reduce_max3A_66[0, 0] : f32 from vector<1x1xf32>
    %gt3A_68 = arith.constant 5.000000e-01 : f32
    %gt3A_69 = arith.cmpf ogt, %reduce_max3A_67, %gt3A_68 : f32
    %convert_element_type3A_70 = arith.extui %gt3A_69 : i1 to i32
    %cond3A_71 = arith.constant 0 : i32
    %cond3A_72 = arith.cmpi ne, %convert_element_type3A_70, %cond3A_71 : i32
    scf.if %cond3A_72 {
      %get3A_178 = arith.constant 4 : index
      %get3A_179 = arith.constant 0 : index
      %get3A_180 = arith.constant 0 : index
      %get3A_181 = vector.load %arg2[%get3A_178, %get3A_179, %get3A_180] : memref<12x256x64xf32, #tpu.memory_space<vmem>>, vector<1x256x64xf32>
      %get3A_182 = vector.shape_cast %get3A_181 : vector<1x256x64xf32> to vector<256x64xf32>
      %get3A_183 = arith.constant 0 : index
      %get3A_184 = arith.constant 0 : index
      %get3A_185 = vector.load %arg4[%get3A_183, %get3A_184] : memref<2048x64xf32, #tpu.memory_space<vmem>>, vector<2048x64xf32>
      %get3A_186 = arith.constant 4 : index
      %get3A_187 = arith.constant 0 : index
      %get3A_188 = arith.constant 0 : index
      %get3A_189 = vector.load %arg3[%get3A_186, %get3A_187, %get3A_188] : memref<12x256x64xbf16, #tpu.memory_space<vmem>>, vector<1x256x64xbf16>
      %get3A_190 = vector.shape_cast %get3A_189 : vector<1x256x64xbf16> to vector<256x64xbf16>
      %get3A_191 = arith.constant 0 : index
      %get3A_192 = arith.constant 0 : index
      %get3A_193 = vector.load %arg5[%get3A_191, %get3A_192] : memref<2048x64xbf16, #tpu.memory_space<vmem>>, vector<2048x64xbf16>
      %dot_general3A = arith.constant dense<0.000000e+00> : vector<256x2048xf32>
      %dot_general3A_194 = tpu.matmul %get3A_190, %get3A_193, %dot_general3A {dimension_numbers = #tpu.dot_dimension_numbers<[1], [1], [0], [0], [0, 0, 1, 0], [], []>, transpose_lhs_hint = false} : vector<256x64xbf16>, vector<2048x64xbf16>, vector<256x2048xf32> -> vector<256x2048xf32>
      %ge3A = arith.constant 6.350000e+01 : f32
      %ge3A_195 = vector.broadcast %ge3A : f32 to vector<256x2048xf32>
      %ge3A_196 = arith.cmpf oge, %dot_general3A_194, %ge3A_195 : vector<256x2048xf32>
      %convert_element_type3A_197 = arith.extui %ge3A_196 : vector<256x2048xi1> to vector<256x2048xi32>
      %convert_element_type3A_198 = arith.sitofp %convert_element_type3A_197 : vector<256x2048xi32> to vector<256x2048xf32>
      %convert_element_type3A_199 = arith.truncf %convert_element_type3A_198 : vector<256x2048xf32> to vector<256x2048xbf16>
      %reshape3A = vector.shape_cast %convert_element_type3A_199 : vector<256x2048xbf16> to vector<4096x128xbf16>
      %iota3A = tpu.iota {dimensions = array<i32: 0>} : vector<128x128xi32>
      %iota3A_200 = tpu.iota {dimensions = array<i32: 1>} : vector<128x128xi32>
      %le3A = arith.cmpi sle, %iota3A, %iota3A_200 : vector<128x128xi32>
      %convert_element_type3A_201 = arith.extui %le3A : vector<128x128xi1> to vector<128x128xi32>
      %convert_element_type3A_202 = arith.sitofp %convert_element_type3A_201 : vector<128x128xi32> to vector<128x128xf32>
      %convert_element_type3A_203 = arith.truncf %convert_element_type3A_202 : vector<128x128xf32> to vector<128x128xbf16>
      %dot_general3A_204 = arith.constant dense<0.000000e+00> : vector<4096x128xf32>
      %dot_general3A_205 = tpu.matmul %reshape3A, %convert_element_type3A_203, %dot_general3A_204 {dimension_numbers = #tpu.dot_dimension_numbers<[1], [0], [0], [1], [0, 0, 1, 1], [], []>, transpose_lhs_hint = false} : vector<4096x128xbf16>, vector<128x128xbf16>, vector<4096x128xf32> -> vector<4096x128xf32>
      %reshape3A_206 = vector.shape_cast %dot_general3A_205 : vector<4096x128xf32> to vector<256x16x128xf32>
      %reshape3A_207 = vector.shape_cast %convert_element_type3A_198 : vector<256x2048xf32> to vector<256x16x128xf32>
      %reduce_sum3A = arith.constant dense<0.000000e+00> : vector<256x16xf32>
      %reduce_sum3A_208 = vector.multi_reduction <add>, %reshape3A_207, %reduce_sum3A [2] : vector<256x16x128xf32> to vector<256x16xf32>
      %iota3A_209 = tpu.iota {dimensions = array<i32: 0>} : vector<16x16xi32>
      %iota3A_210 = tpu.iota {dimensions = array<i32: 1>} : vector<16x16xi32>
      %lt3A = arith.cmpi slt, %iota3A_209, %iota3A_210 : vector<16x16xi32>
      %convert_element_type3A_211 = arith.extui %lt3A : vector<16x16xi1> to vector<16x16xi32>
      %convert_element_type3A_212 = arith.sitofp %convert_element_type3A_211 : vector<16x16xi32> to vector<16x16xf32>
      %convert_element_type3A_213 = arith.truncf %convert_element_type3A_212 : vector<16x16xf32> to vector<16x16xbf16>
      %convert_element_type3A_214 = arith.truncf %reduce_sum3A_208 : vector<256x16xf32> to vector<256x16xbf16>
      %dot_general3A_215 = arith.constant dense<0.000000e+00> : vector<256x16xf32>
      %dot_general3A_216 = tpu.matmul %convert_element_type3A_214, %convert_element_type3A_213, %dot_general3A_215 {dimension_numbers = #tpu.dot_dimension_numbers<[1], [0], [0], [1], [0, 0, 1, 1], [], []>, transpose_lhs_hint = false} : vector<256x16xbf16>, vector<16x16xbf16>, vector<256x16xf32> -> vector<256x16xf32>
      %broadcast_in_dim3A_217 = vector.shape_cast %dot_general3A_216 : vector<256x16xf32> to vector<256x16x1xf32>
      %add3A = vector.broadcast %broadcast_in_dim3A_217 : vector<256x16x1xf32> to vector<256x16x128xf32>
      %add3A_218 = arith.addf %reshape3A_206, %add3A : vector<256x16x128xf32>
      %reshape3A_219 = vector.shape_cast %convert_element_type3A_198 : vector<256x2048xf32> to vector<256x16x128xf32>
      %gt3A_220 = arith.constant 5.000000e-01 : f32
      %gt3A_221 = vector.broadcast %gt3A_220 : f32 to vector<256x16x128xf32>
      %gt3A_222 = arith.cmpf ogt, %reshape3A_219, %gt3A_221 : vector<256x16x128xf32>
      %le3A_223 = arith.constant 3.250000e+01 : f32
      %le3A_224 = vector.broadcast %le3A_223 : f32 to vector<256x16x128xf32>
      %le3A_225 = arith.cmpf ole, %add3A_218, %le3A_224 : vector<256x16x128xf32>
      %and3A = arith.andi %gt3A_222, %le3A_225 : vector<256x16x128xi1>
      %jit3A = arith.constant 1.000000e+00 : f32
      %jit3A_226 = arith.constant 0.000000e+00 : f32
      %broadcast_in_dim3A_227 = vector.broadcast %jit3A : f32 to vector<256x16x128xf32>
      %broadcast_in_dim3A_228 = vector.broadcast %jit3A_226 : f32 to vector<256x16x128xf32>
      %select_n3A = arith.select %and3A, %broadcast_in_dim3A_227, %broadcast_in_dim3A_228 : vector<256x16x128xi1>, vector<256x16x128xf32>
      %reshape3A_229 = vector.shape_cast %select_n3A : vector<256x16x128xf32> to vector<256x2048xf32>
      %dot_general3A_230 = arith.constant dense<0.000000e+00> : vector<256x2048xf32>
      %dot_general3A_231 = tpu.matmul %get3A_182, %get3A_185, %dot_general3A_230 {dimension_numbers = #tpu.dot_dimension_numbers<[1], [1], [0], [0], [0, 0, 1, 0], [], []>, transpose_lhs_hint = false} : vector<256x64xf32>, vector<2048x64xf32>, vector<256x2048xf32> -> vector<256x2048xf32>
      %mul3A = arith.constant 1.250000e-01 : f32
      %mul3A_232 = vector.broadcast %mul3A : f32 to vector<256x2048xf32>
      %mul3A_233 = arith.mulf %dot_general3A_231, %mul3A_232 : vector<256x2048xf32>
      %gt3A_234 = arith.constant 5.000000e-01 : f32
      %gt3A_235 = vector.broadcast %gt3A_234 : f32 to vector<256x2048xf32>
      %gt3A_236 = arith.cmpf ogt, %reshape3A_229, %gt3A_235 : vector<256x2048xf32>
      %jit3A_237 = arith.constant -1.000000e+09 : f32
      %broadcast_in_dim3A_238 = vector.broadcast %jit3A_237 : f32 to vector<256x2048xf32>
      %select_n3A_239 = arith.select %gt3A_236, %mul3A_233, %broadcast_in_dim3A_238 : vector<256x2048xi1>, vector<256x2048xf32>
      %reduce_max3A_240 = arith.constant dense<0xFF800000> : vector<256xf32>
      %reduce_max3A_241 = vector.multi_reduction <maximumf>, %select_n3A_239, %reduce_max3A_240 [1] : vector<256x2048xf32> to vector<256xf32>
      %broadcast_in_dim3A_242 = vector.shape_cast %reduce_max3A_241 : vector<256xf32> to vector<256x1xf32>
      %sub3A = vector.broadcast %broadcast_in_dim3A_242 : vector<256x1xf32> to vector<256x2048xf32>
      %sub3A_243 = arith.subf %select_n3A_239, %sub3A : vector<256x2048xf32>
      %exp3A = math.exp %sub3A_243 : vector<256x2048xf32>
      %reduce_sum3A_244 = arith.constant dense<0.000000e+00> : vector<256xf32>
      %reduce_sum3A_245 = vector.multi_reduction <add>, %exp3A, %reduce_sum3A_244 [1] : vector<256x2048xf32> to vector<256xf32>
      %broadcast_in_dim3A_246 = vector.shape_cast %reduce_sum3A_245 : vector<256xf32> to vector<256x1xf32>
      %div3A = vector.broadcast %broadcast_in_dim3A_246 : vector<256x1xf32> to vector<256x2048xf32>
      %div3A_247 = arith.divf %exp3A, %div3A : vector<256x2048xf32>
      %mul3A_248 = arith.mulf %div3A_247, %reshape3A_229 : vector<256x2048xf32>
      %get3A_249 = arith.constant 0 : index
      %get3A_250 = arith.constant 0 : index
      %get3A_251 = vector.load %arg6[%get3A_249, %get3A_250] : memref<2048x64xf32, #tpu.memory_space<vmem>>, vector<2048x64xf32>
      %dot_general3A_252 = arith.constant dense<0.000000e+00> : vector<256x64xf32>
      %dot_general3A_253 = tpu.matmul %mul3A_248, %get3A_251, %dot_general3A_252 {dimension_numbers = #tpu.dot_dimension_numbers<[1], [0], [0], [1], [0, 0, 1, 1], [], []>, transpose_lhs_hint = false} : vector<256x2048xf32>, vector<2048x64xf32>, vector<256x64xf32> -> vector<256x64xf32>
      %get3A_254 = arith.constant 0 : index
      %get3A_255 = arith.constant 0 : index
      %get3A_256 = vector.load %arg8[%get3A_254, %get3A_255] : memref<256x1024xf32, #tpu.memory_space<vmem>>, vector<256x1024xf32>
      %get3A_257 = arith.constant 4 : index
      %get3A_258 = arith.constant 0 : index
      %get3A_259 = arith.constant 0 : index
      %get3A_260 = vector.load %arg7[%get3A_257, %get3A_258, %get3A_259] : memref<12x64x1024xf32, #tpu.memory_space<vmem>>, vector<1x64x1024xf32>
      %get3A_261 = vector.shape_cast %get3A_260 : vector<1x64x1024xf32> to vector<64x1024xf32>
      %dot_general3A_262 = arith.constant dense<0.000000e+00> : vector<256x1024xf32>
      %dot_general3A_263 = tpu.matmul %dot_general3A_253, %get3A_261, %dot_general3A_262 {dimension_numbers = #tpu.dot_dimension_numbers<[1], [0], [0], [1], [0, 0, 1, 1], [], []>, transpose_lhs_hint = false} : vector<256x64xf32>, vector<64x1024xf32>, vector<256x1024xf32> -> vector<256x1024xf32>
      %add3A_264 = arith.addf %get3A_256, %dot_general3A_263 : vector<256x1024xf32>
      %swap3A_265 = arith.constant 0 : index
      %swap3A_266 = arith.constant 0 : index
      %swap3A_267 = vector.load %arg8[%swap3A_265, %swap3A_266] : memref<256x1024xf32, #tpu.memory_space<vmem>>, vector<256x1024xf32>
      tpu.vector_store %arg8[%swap3A_265, %swap3A_266], %add3A_264 {strides = array<i32>} : memref<256x1024xf32, #tpu.memory_space<vmem>>, vector<256x1024xf32>,
    } else {
    }
    %get3A_73 = arith.constant 0 : index
    %get3A_74 = arith.constant 5 : index
    %get3A_75 = arith.constant 0 : index
    %get3A_76 = vector.load %arg1[%get3A_73, %get3A_74, %get3A_75] : memref<1x12x256xf32, #tpu.memory_space<vmem>>, vector<1x1x256xf32>
    %get3A_77 = vector.shape_cast %get3A_76 : vector<1x1x256xf32> to vector<256xf32>
    %reduce_max3A_78 = vector.shape_cast %get3A_77 : vector<256xf32> to vector<1x256xf32>
    %reduce_max3A_79 = arith.constant dense<0xFF800000> : vector<1xf32>
    %reduce_max3A_80 = vector.multi_reduction <maximumf>, %reduce_max3A_78, %reduce_max3A_79 [1] : vector<1x256xf32> to vector<1xf32>
    %reduce_max3A_81 = vector.shape_cast %reduce_max3A_80 : vector<1xf32> to vector<1x1xf32>
    %reduce_max3A_82 = vector.extract %reduce_max3A_81[0, 0] : f32 from vector<1x1xf32>
    %gt3A_83 = arith.constant 5.000000e-01 : f32
    %gt3A_84 = arith.cmpf ogt, %reduce_max3A_82, %gt3A_83 : f32
    %convert_element_type3A_85 = arith.extui %gt3A_84 : i1 to i32
    %cond3A_86 = arith.constant 0 : i32
    %cond3A_87 = arith.cmpi ne, %convert_element_type3A_85, %cond3A_86 : i32
    scf.if %cond3A_87 {
      %get3A_178 = arith.constant 5 : index
      %get3A_179 = arith.constant 0 : index
      %get3A_180 = arith.constant 0 : index
      %get3A_181 = vector.load %arg2[%get3A_178, %get3A_179, %get3A_180] : memref<12x256x64xf32, #tpu.memory_space<vmem>>, vector<1x256x64xf32>
      %get3A_182 = vector.shape_cast %get3A_181 : vector<1x256x64xf32> to vector<256x64xf32>
      %get3A_183 = arith.constant 0 : index
      %get3A_184 = arith.constant 0 : index
      %get3A_185 = vector.load %arg4[%get3A_183, %get3A_184] : memref<2048x64xf32, #tpu.memory_space<vmem>>, vector<2048x64xf32>
      %get3A_186 = arith.constant 5 : index
      %get3A_187 = arith.constant 0 : index
      %get3A_188 = arith.constant 0 : index
      %get3A_189 = vector.load %arg3[%get3A_186, %get3A_187, %get3A_188] : memref<12x256x64xbf16, #tpu.memory_space<vmem>>, vector<1x256x64xbf16>
      %get3A_190 = vector.shape_cast %get3A_189 : vector<1x256x64xbf16> to vector<256x64xbf16>
      %get3A_191 = arith.constant 0 : index
      %get3A_192 = arith.constant 0 : index
      %get3A_193 = vector.load %arg5[%get3A_191, %get3A_192] : memref<2048x64xbf16, #tpu.memory_space<vmem>>, vector<2048x64xbf16>
      %dot_general3A = arith.constant dense<0.000000e+00> : vector<256x2048xf32>
      %dot_general3A_194 = tpu.matmul %get3A_190, %get3A_193, %dot_general3A {dimension_numbers = #tpu.dot_dimension_numbers<[1], [1], [0], [0], [0, 0, 1, 0], [], []>, transpose_lhs_hint = false} : vector<256x64xbf16>, vector<2048x64xbf16>, vector<256x2048xf32> -> vector<256x2048xf32>
      %ge3A = arith.constant 6.350000e+01 : f32
      %ge3A_195 = vector.broadcast %ge3A : f32 to vector<256x2048xf32>
      %ge3A_196 = arith.cmpf oge, %dot_general3A_194, %ge3A_195 : vector<256x2048xf32>
      %convert_element_type3A_197 = arith.extui %ge3A_196 : vector<256x2048xi1> to vector<256x2048xi32>
      %convert_element_type3A_198 = arith.sitofp %convert_element_type3A_197 : vector<256x2048xi32> to vector<256x2048xf32>
      %convert_element_type3A_199 = arith.truncf %convert_element_type3A_198 : vector<256x2048xf32> to vector<256x2048xbf16>
      %reshape3A = vector.shape_cast %convert_element_type3A_199 : vector<256x2048xbf16> to vector<4096x128xbf16>
      %iota3A = tpu.iota {dimensions = array<i32: 0>} : vector<128x128xi32>
      %iota3A_200 = tpu.iota {dimensions = array<i32: 1>} : vector<128x128xi32>
      %le3A = arith.cmpi sle, %iota3A, %iota3A_200 : vector<128x128xi32>
      %convert_element_type3A_201 = arith.extui %le3A : vector<128x128xi1> to vector<128x128xi32>
      %convert_element_type3A_202 = arith.sitofp %convert_element_type3A_201 : vector<128x128xi32> to vector<128x128xf32>
      %convert_element_type3A_203 = arith.truncf %convert_element_type3A_202 : vector<128x128xf32> to vector<128x128xbf16>
      %dot_general3A_204 = arith.constant dense<0.000000e+00> : vector<4096x128xf32>
      %dot_general3A_205 = tpu.matmul %reshape3A, %convert_element_type3A_203, %dot_general3A_204 {dimension_numbers = #tpu.dot_dimension_numbers<[1], [0], [0], [1], [0, 0, 1, 1], [], []>, transpose_lhs_hint = false} : vector<4096x128xbf16>, vector<128x128xbf16>, vector<4096x128xf32> -> vector<4096x128xf32>
      %reshape3A_206 = vector.shape_cast %dot_general3A_205 : vector<4096x128xf32> to vector<256x16x128xf32>
      %reshape3A_207 = vector.shape_cast %convert_element_type3A_198 : vector<256x2048xf32> to vector<256x16x128xf32>
      %reduce_sum3A = arith.constant dense<0.000000e+00> : vector<256x16xf32>
      %reduce_sum3A_208 = vector.multi_reduction <add>, %reshape3A_207, %reduce_sum3A [2] : vector<256x16x128xf32> to vector<256x16xf32>
      %iota3A_209 = tpu.iota {dimensions = array<i32: 0>} : vector<16x16xi32>
      %iota3A_210 = tpu.iota {dimensions = array<i32: 1>} : vector<16x16xi32>
      %lt3A = arith.cmpi slt, %iota3A_209, %iota3A_210 : vector<16x16xi32>
      %convert_element_type3A_211 = arith.extui %lt3A : vector<16x16xi1> to vector<16x16xi32>
      %convert_element_type3A_212 = arith.sitofp %convert_element_type3A_211 : vector<16x16xi32> to vector<16x16xf32>
      %convert_element_type3A_213 = arith.truncf %convert_element_type3A_212 : vector<16x16xf32> to vector<16x16xbf16>
      %convert_element_type3A_214 = arith.truncf %reduce_sum3A_208 : vector<256x16xf32> to vector<256x16xbf16>
      %dot_general3A_215 = arith.constant dense<0.000000e+00> : vector<256x16xf32>
      %dot_general3A_216 = tpu.matmul %convert_element_type3A_214, %convert_element_type3A_213, %dot_general3A_215 {dimension_numbers = #tpu.dot_dimension_numbers<[1], [0], [0], [1], [0, 0, 1, 1], [], []>, transpose_lhs_hint = false} : vector<256x16xbf16>, vector<16x16xbf16>, vector<256x16xf32> -> vector<256x16xf32>
      %broadcast_in_dim3A_217 = vector.shape_cast %dot_general3A_216 : vector<256x16xf32> to vector<256x16x1xf32>
      %add3A = vector.broadcast %broadcast_in_dim3A_217 : vector<256x16x1xf32> to vector<256x16x128xf32>
      %add3A_218 = arith.addf %reshape3A_206, %add3A : vector<256x16x128xf32>
      %reshape3A_219 = vector.shape_cast %convert_element_type3A_198 : vector<256x2048xf32> to vector<256x16x128xf32>
      %gt3A_220 = arith.constant 5.000000e-01 : f32
      %gt3A_221 = vector.broadcast %gt3A_220 : f32 to vector<256x16x128xf32>
      %gt3A_222 = arith.cmpf ogt, %reshape3A_219, %gt3A_221 : vector<256x16x128xf32>
      %le3A_223 = arith.constant 3.250000e+01 : f32
      %le3A_224 = vector.broadcast %le3A_223 : f32 to vector<256x16x128xf32>
      %le3A_225 = arith.cmpf ole, %add3A_218, %le3A_224 : vector<256x16x128xf32>
      %and3A = arith.andi %gt3A_222, %le3A_225 : vector<256x16x128xi1>
      %jit3A = arith.constant 1.000000e+00 : f32
      %jit3A_226 = arith.constant 0.000000e+00 : f32
      %broadcast_in_dim3A_227 = vector.broadcast %jit3A : f32 to vector<256x16x128xf32>
      %broadcast_in_dim3A_228 = vector.broadcast %jit3A_226 : f32 to vector<256x16x128xf32>
      %select_n3A = arith.select %and3A, %broadcast_in_dim3A_227, %broadcast_in_dim3A_228 : vector<256x16x128xi1>, vector<256x16x128xf32>
      %reshape3A_229 = vector.shape_cast %select_n3A : vector<256x16x128xf32> to vector<256x2048xf32>
      %dot_general3A_230 = arith.constant dense<0.000000e+00> : vector<256x2048xf32>
      %dot_general3A_231 = tpu.matmul %get3A_182, %get3A_185, %dot_general3A_230 {dimension_numbers = #tpu.dot_dimension_numbers<[1], [1], [0], [0], [0, 0, 1, 0], [], []>, transpose_lhs_hint = false} : vector<256x64xf32>, vector<2048x64xf32>, vector<256x2048xf32> -> vector<256x2048xf32>
      %mul3A = arith.constant 1.250000e-01 : f32
      %mul3A_232 = vector.broadcast %mul3A : f32 to vector<256x2048xf32>
      %mul3A_233 = arith.mulf %dot_general3A_231, %mul3A_232 : vector<256x2048xf32>
      %gt3A_234 = arith.constant 5.000000e-01 : f32
      %gt3A_235 = vector.broadcast %gt3A_234 : f32 to vector<256x2048xf32>
      %gt3A_236 = arith.cmpf ogt, %reshape3A_229, %gt3A_235 : vector<256x2048xf32>
      %jit3A_237 = arith.constant -1.000000e+09 : f32
      %broadcast_in_dim3A_238 = vector.broadcast %jit3A_237 : f32 to vector<256x2048xf32>
      %select_n3A_239 = arith.select %gt3A_236, %mul3A_233, %broadcast_in_dim3A_238 : vector<256x2048xi1>, vector<256x2048xf32>
      %reduce_max3A_240 = arith.constant dense<0xFF800000> : vector<256xf32>
      %reduce_max3A_241 = vector.multi_reduction <maximumf>, %select_n3A_239, %reduce_max3A_240 [1] : vector<256x2048xf32> to vector<256xf32>
      %broadcast_in_dim3A_242 = vector.shape_cast %reduce_max3A_241 : vector<256xf32> to vector<256x1xf32>
      %sub3A = vector.broadcast %broadcast_in_dim3A_242 : vector<256x1xf32> to vector<256x2048xf32>
      %sub3A_243 = arith.subf %select_n3A_239, %sub3A : vector<256x2048xf32>
      %exp3A = math.exp %sub3A_243 : vector<256x2048xf32>
      %reduce_sum3A_244 = arith.constant dense<0.000000e+00> : vector<256xf32>
      %reduce_sum3A_245 = vector.multi_reduction <add>, %exp3A, %reduce_sum3A_244 [1] : vector<256x2048xf32> to vector<256xf32>
      %broadcast_in_dim3A_246 = vector.shape_cast %reduce_sum3A_245 : vector<256xf32> to vector<256x1xf32>
      %div3A = vector.broadcast %broadcast_in_dim3A_246 : vector<256x1xf32> to vector<256x2048xf32>
      %div3A_247 = arith.divf %exp3A, %div3A : vector<256x2048xf32>
      %mul3A_248 = arith.mulf %div3A_247, %reshape3A_229 : vector<256x2048xf32>
      %get3A_249 = arith.constant 0 : index
      %get3A_250 = arith.constant 0 : index
      %get3A_251 = vector.load %arg6[%get3A_249, %get3A_250] : memref<2048x64xf32, #tpu.memory_space<vmem>>, vector<2048x64xf32>
      %dot_general3A_252 = arith.constant dense<0.000000e+00> : vector<256x64xf32>
      %dot_general3A_253 = tpu.matmul %mul3A_248, %get3A_251, %dot_general3A_252 {dimension_numbers = #tpu.dot_dimension_numbers<[1], [0], [0], [1], [0, 0, 1, 1], [], []>, transpose_lhs_hint = false} : vector<256x2048xf32>, vector<2048x64xf32>, vector<256x64xf32> -> vector<256x64xf32>
      %get3A_254 = arith.constant 0 : index
      %get3A_255 = arith.constant 0 : index
      %get3A_256 = vector.load %arg8[%get3A_254, %get3A_255] : memref<256x1024xf32, #tpu.memory_space<vmem>>, vector<256x1024xf32>
      %get3A_257 = arith.constant 5 : index
      %get3A_258 = arith.constant 0 : index
      %get3A_259 = arith.constant 0 : index
      %get3A_260 = vector.load %arg7[%get3A_257, %get3A_258, %get3A_259] : memref<12x64x1024xf32, #tpu.memory_space<vmem>>, vector<1x64x1024xf32>
      %get3A_261 = vector.shape_cast %get3A_260 : vector<1x64x1024xf32> to vector<64x1024xf32>
      %dot_general3A_262 = arith.constant dense<0.000000e+00> : vector<256x1024xf32>
      %dot_general3A_263 = tpu.matmul %dot_general3A_253, %get3A_261, %dot_general3A_262 {dimension_numbers = #tpu.dot_dimension_numbers<[1], [0], [0], [1], [0, 0, 1, 1], [], []>, transpose_lhs_hint = false} : vector<256x64xf32>, vector<64x1024xf32>, vector<256x1024xf32> -> vector<256x1024xf32>
      %add3A_264 = arith.addf %get3A_256, %dot_general3A_263 : vector<256x1024xf32>
      %swap3A_265 = arith.constant 0 : index
      %swap3A_266 = arith.constant 0 : index
      %swap3A_267 = vector.load %arg8[%swap3A_265, %swap3A_266] : memref<256x1024xf32, #tpu.memory_space<vmem>>, vector<256x1024xf32>
      tpu.vector_store %arg8[%swap3A_265, %swap3A_266], %add3A_264 {strides = array<i32>} : memref<256x1024xf32, #tpu.memory_space<vmem>>, vector<256x1024xf32>,
    } else {
    }
    %get3A_88 = arith.constant 0 : index
    %get3A_89 = arith.constant 6 : index
    %get3A_90 = arith.constant 0 : index
    %get3A_91 = vector.load %arg1[%get3A_88, %get3A_89, %get3A_90] : memref<1x12x256xf32, #tpu.memory_space<vmem>>, vector<1x1x256xf32>
    %get3A_92 = vector.shape_cast %get3A_91 : vector<1x1x256xf32> to vector<256xf32>
    %reduce_max3A_93 = vector.shape_cast %get3A_92 : vector<256xf32> to vector<1x256xf32>
    %reduce_max3A_94 = arith.constant dense<0xFF800000> : vector<1xf32>
    %reduce_max3A_95 = vector.multi_reduction <maximumf>, %reduce_max3A_93, %reduce_max3A_94 [1] : vector<1x256xf32> to vector<1xf32>
    %reduce_max3A_96 = vector.shape_cast %reduce_max3A_95 : vector<1xf32> to vector<1x1xf32>
    %reduce_max3A_97 = vector.extract %reduce_max3A_96[0, 0] : f32 from vector<1x1xf32>
    %gt3A_98 = arith.constant 5.000000e-01 : f32
    %gt3A_99 = arith.cmpf ogt, %reduce_max3A_97, %gt3A_98 : f32
    %convert_element_type3A_100 = arith.extui %gt3A_99 : i1 to i32
    %cond3A_101 = arith.constant 0 : i32
    %cond3A_102 = arith.cmpi ne, %convert_element_type3A_100, %cond3A_101 : i32
    scf.if %cond3A_102 {
      %get3A_178 = arith.constant 6 : index
      %get3A_179 = arith.constant 0 : index
      %get3A_180 = arith.constant 0 : index
      %get3A_181 = vector.load %arg2[%get3A_178, %get3A_179, %get3A_180] : memref<12x256x64xf32, #tpu.memory_space<vmem>>, vector<1x256x64xf32>
      %get3A_182 = vector.shape_cast %get3A_181 : vector<1x256x64xf32> to vector<256x64xf32>
      %get3A_183 = arith.constant 0 : index
      %get3A_184 = arith.constant 0 : index
      %get3A_185 = vector.load %arg4[%get3A_183, %get3A_184] : memref<2048x64xf32, #tpu.memory_space<vmem>>, vector<2048x64xf32>
      %get3A_186 = arith.constant 6 : index
      %get3A_187 = arith.constant 0 : index
      %get3A_188 = arith.constant 0 : index
      %get3A_189 = vector.load %arg3[%get3A_186, %get3A_187, %get3A_188] : memref<12x256x64xbf16, #tpu.memory_space<vmem>>, vector<1x256x64xbf16>
      %get3A_190 = vector.shape_cast %get3A_189 : vector<1x256x64xbf16> to vector<256x64xbf16>
      %get3A_191 = arith.constant 0 : index
      %get3A_192 = arith.constant 0 : index
      %get3A_193 = vector.load %arg5[%get3A_191, %get3A_192] : memref<2048x64xbf16, #tpu.memory_space<vmem>>, vector<2048x64xbf16>
      %dot_general3A = arith.constant dense<0.000000e+00> : vector<256x2048xf32>
      %dot_general3A_194 = tpu.matmul %get3A_190, %get3A_193, %dot_general3A {dimension_numbers = #tpu.dot_dimension_numbers<[1], [1], [0], [0], [0, 0, 1, 0], [], []>, transpose_lhs_hint = false} : vector<256x64xbf16>, vector<2048x64xbf16>, vector<256x2048xf32> -> vector<256x2048xf32>
      %ge3A = arith.constant 6.350000e+01 : f32
      %ge3A_195 = vector.broadcast %ge3A : f32 to vector<256x2048xf32>
      %ge3A_196 = arith.cmpf oge, %dot_general3A_194, %ge3A_195 : vector<256x2048xf32>
      %convert_element_type3A_197 = arith.extui %ge3A_196 : vector<256x2048xi1> to vector<256x2048xi32>
      %convert_element_type3A_198 = arith.sitofp %convert_element_type3A_197 : vector<256x2048xi32> to vector<256x2048xf32>
      %convert_element_type3A_199 = arith.truncf %convert_element_type3A_198 : vector<256x2048xf32> to vector<256x2048xbf16>
      %reshape3A = vector.shape_cast %convert_element_type3A_199 : vector<256x2048xbf16> to vector<4096x128xbf16>
      %iota3A = tpu.iota {dimensions = array<i32: 0>} : vector<128x128xi32>
      %iota3A_200 = tpu.iota {dimensions = array<i32: 1>} : vector<128x128xi32>
      %le3A = arith.cmpi sle, %iota3A, %iota3A_200 : vector<128x128xi32>
      %convert_element_type3A_201 = arith.extui %le3A : vector<128x128xi1> to vector<128x128xi32>
      %convert_element_type3A_202 = arith.sitofp %convert_element_type3A_201 : vector<128x128xi32> to vector<128x128xf32>
      %convert_element_type3A_203 = arith.truncf %convert_element_type3A_202 : vector<128x128xf32> to vector<128x128xbf16>
      %dot_general3A_204 = arith.constant dense<0.000000e+00> : vector<4096x128xf32>
      %dot_general3A_205 = tpu.matmul %reshape3A, %convert_element_type3A_203, %dot_general3A_204 {dimension_numbers = #tpu.dot_dimension_numbers<[1], [0], [0], [1], [0, 0, 1, 1], [], []>, transpose_lhs_hint = false} : vector<4096x128xbf16>, vector<128x128xbf16>, vector<4096x128xf32> -> vector<4096x128xf32>
      %reshape3A_206 = vector.shape_cast %dot_general3A_205 : vector<4096x128xf32> to vector<256x16x128xf32>
      %reshape3A_207 = vector.shape_cast %convert_element_type3A_198 : vector<256x2048xf32> to vector<256x16x128xf32>
      %reduce_sum3A = arith.constant dense<0.000000e+00> : vector<256x16xf32>
      %reduce_sum3A_208 = vector.multi_reduction <add>, %reshape3A_207, %reduce_sum3A [2] : vector<256x16x128xf32> to vector<256x16xf32>
      %iota3A_209 = tpu.iota {dimensions = array<i32: 0>} : vector<16x16xi32>
      %iota3A_210 = tpu.iota {dimensions = array<i32: 1>} : vector<16x16xi32>
      %lt3A = arith.cmpi slt, %iota3A_209, %iota3A_210 : vector<16x16xi32>
      %convert_element_type3A_211 = arith.extui %lt3A : vector<16x16xi1> to vector<16x16xi32>
      %convert_element_type3A_212 = arith.sitofp %convert_element_type3A_211 : vector<16x16xi32> to vector<16x16xf32>
      %convert_element_type3A_213 = arith.truncf %convert_element_type3A_212 : vector<16x16xf32> to vector<16x16xbf16>
      %convert_element_type3A_214 = arith.truncf %reduce_sum3A_208 : vector<256x16xf32> to vector<256x16xbf16>
      %dot_general3A_215 = arith.constant dense<0.000000e+00> : vector<256x16xf32>
      %dot_general3A_216 = tpu.matmul %convert_element_type3A_214, %convert_element_type3A_213, %dot_general3A_215 {dimension_numbers = #tpu.dot_dimension_numbers<[1], [0], [0], [1], [0, 0, 1, 1], [], []>, transpose_lhs_hint = false} : vector<256x16xbf16>, vector<16x16xbf16>, vector<256x16xf32> -> vector<256x16xf32>
      %broadcast_in_dim3A_217 = vector.shape_cast %dot_general3A_216 : vector<256x16xf32> to vector<256x16x1xf32>
      %add3A = vector.broadcast %broadcast_in_dim3A_217 : vector<256x16x1xf32> to vector<256x16x128xf32>
      %add3A_218 = arith.addf %reshape3A_206, %add3A : vector<256x16x128xf32>
      %reshape3A_219 = vector.shape_cast %convert_element_type3A_198 : vector<256x2048xf32> to vector<256x16x128xf32>
      %gt3A_220 = arith.constant 5.000000e-01 : f32
      %gt3A_221 = vector.broadcast %gt3A_220 : f32 to vector<256x16x128xf32>
      %gt3A_222 = arith.cmpf ogt, %reshape3A_219, %gt3A_221 : vector<256x16x128xf32>
      %le3A_223 = arith.constant 3.250000e+01 : f32
      %le3A_224 = vector.broadcast %le3A_223 : f32 to vector<256x16x128xf32>
      %le3A_225 = arith.cmpf ole, %add3A_218, %le3A_224 : vector<256x16x128xf32>
      %and3A = arith.andi %gt3A_222, %le3A_225 : vector<256x16x128xi1>
      %jit3A = arith.constant 1.000000e+00 : f32
      %jit3A_226 = arith.constant 0.000000e+00 : f32
      %broadcast_in_dim3A_227 = vector.broadcast %jit3A : f32 to vector<256x16x128xf32>
      %broadcast_in_dim3A_228 = vector.broadcast %jit3A_226 : f32 to vector<256x16x128xf32>
      %select_n3A = arith.select %and3A, %broadcast_in_dim3A_227, %broadcast_in_dim3A_228 : vector<256x16x128xi1>, vector<256x16x128xf32>
      %reshape3A_229 = vector.shape_cast %select_n3A : vector<256x16x128xf32> to vector<256x2048xf32>
      %dot_general3A_230 = arith.constant dense<0.000000e+00> : vector<256x2048xf32>
      %dot_general3A_231 = tpu.matmul %get3A_182, %get3A_185, %dot_general3A_230 {dimension_numbers = #tpu.dot_dimension_numbers<[1], [1], [0], [0], [0, 0, 1, 0], [], []>, transpose_lhs_hint = false} : vector<256x64xf32>, vector<2048x64xf32>, vector<256x2048xf32> -> vector<256x2048xf32>
      %mul3A = arith.constant 1.250000e-01 : f32
      %mul3A_232 = vector.broadcast %mul3A : f32 to vector<256x2048xf32>
      %mul3A_233 = arith.mulf %dot_general3A_231, %mul3A_232 : vector<256x2048xf32>
      %gt3A_234 = arith.constant 5.000000e-01 : f32
      %gt3A_235 = vector.broadcast %gt3A_234 : f32 to vector<256x2048xf32>
      %gt3A_236 = arith.cmpf ogt, %reshape3A_229, %gt3A_235 : vector<256x2048xf32>
      %jit3A_237 = arith.constant -1.000000e+09 : f32
      %broadcast_in_dim3A_238 = vector.broadcast %jit3A_237 : f32 to vector<256x2048xf32>
      %select_n3A_239 = arith.select %gt3A_236, %mul3A_233, %broadcast_in_dim3A_238 : vector<256x2048xi1>, vector<256x2048xf32>
      %reduce_max3A_240 = arith.constant dense<0xFF800000> : vector<256xf32>
      %reduce_max3A_241 = vector.multi_reduction <maximumf>, %select_n3A_239, %reduce_max3A_240 [1] : vector<256x2048xf32> to vector<256xf32>
      %broadcast_in_dim3A_242 = vector.shape_cast %reduce_max3A_241 : vector<256xf32> to vector<256x1xf32>
      %sub3A = vector.broadcast %broadcast_in_dim3A_242 : vector<256x1xf32> to vector<256x2048xf32>
      %sub3A_243 = arith.subf %select_n3A_239, %sub3A : vector<256x2048xf32>
      %exp3A = math.exp %sub3A_243 : vector<256x2048xf32>
      %reduce_sum3A_244 = arith.constant dense<0.000000e+00> : vector<256xf32>
      %reduce_sum3A_245 = vector.multi_reduction <add>, %exp3A, %reduce_sum3A_244 [1] : vector<256x2048xf32> to vector<256xf32>
      %broadcast_in_dim3A_246 = vector.shape_cast %reduce_sum3A_245 : vector<256xf32> to vector<256x1xf32>
      %div3A = vector.broadcast %broadcast_in_dim3A_246 : vector<256x1xf32> to vector<256x2048xf32>
      %div3A_247 = arith.divf %exp3A, %div3A : vector<256x2048xf32>
      %mul3A_248 = arith.mulf %div3A_247, %reshape3A_229 : vector<256x2048xf32>
      %get3A_249 = arith.constant 0 : index
      %get3A_250 = arith.constant 0 : index
      %get3A_251 = vector.load %arg6[%get3A_249, %get3A_250] : memref<2048x64xf32, #tpu.memory_space<vmem>>, vector<2048x64xf32>
      %dot_general3A_252 = arith.constant dense<0.000000e+00> : vector<256x64xf32>
      %dot_general3A_253 = tpu.matmul %mul3A_248, %get3A_251, %dot_general3A_252 {dimension_numbers = #tpu.dot_dimension_numbers<[1], [0], [0], [1], [0, 0, 1, 1], [], []>, transpose_lhs_hint = false} : vector<256x2048xf32>, vector<2048x64xf32>, vector<256x64xf32> -> vector<256x64xf32>
      %get3A_254 = arith.constant 0 : index
      %get3A_255 = arith.constant 0 : index
      %get3A_256 = vector.load %arg8[%get3A_254, %get3A_255] : memref<256x1024xf32, #tpu.memory_space<vmem>>, vector<256x1024xf32>
      %get3A_257 = arith.constant 6 : index
      %get3A_258 = arith.constant 0 : index
      %get3A_259 = arith.constant 0 : index
      %get3A_260 = vector.load %arg7[%get3A_257, %get3A_258, %get3A_259] : memref<12x64x1024xf32, #tpu.memory_space<vmem>>, vector<1x64x1024xf32>
      %get3A_261 = vector.shape_cast %get3A_260 : vector<1x64x1024xf32> to vector<64x1024xf32>
      %dot_general3A_262 = arith.constant dense<0.000000e+00> : vector<256x1024xf32>
      %dot_general3A_263 = tpu.matmul %dot_general3A_253, %get3A_261, %dot_general3A_262 {dimension_numbers = #tpu.dot_dimension_numbers<[1], [0], [0], [1], [0, 0, 1, 1], [], []>, transpose_lhs_hint = false} : vector<256x64xf32>, vector<64x1024xf32>, vector<256x1024xf32> -> vector<256x1024xf32>
      %add3A_264 = arith.addf %get3A_256, %dot_general3A_263 : vector<256x1024xf32>
      %swap3A_265 = arith.constant 0 : index
      %swap3A_266 = arith.constant 0 : index
      %swap3A_267 = vector.load %arg8[%swap3A_265, %swap3A_266] : memref<256x1024xf32, #tpu.memory_space<vmem>>, vector<256x1024xf32>
      tpu.vector_store %arg8[%swap3A_265, %swap3A_266], %add3A_264 {strides = array<i32>} : memref<256x1024xf32, #tpu.memory_space<vmem>>, vector<256x1024xf32>,
    } else {
    }
    %get3A_103 = arith.constant 0 : index
    %get3A_104 = arith.constant 7 : index
    %get3A_105 = arith.constant 0 : index
    %get3A_106 = vector.load %arg1[%get3A_103, %get3A_104, %get3A_105] : memref<1x12x256xf32, #tpu.memory_space<vmem>>, vector<1x1x256xf32>
    %get3A_107 = vector.shape_cast %get3A_106 : vector<1x1x256xf32> to vector<256xf32>
    %reduce_max3A_108 = vector.shape_cast %get3A_107 : vector<256xf32> to vector<1x256xf32>
    %reduce_max3A_109 = arith.constant dense<0xFF800000> : vector<1xf32>
    %reduce_max3A_110 = vector.multi_reduction <maximumf>, %reduce_max3A_108, %reduce_max3A_109 [1] : vector<1x256xf32> to vector<1xf32>
    %reduce_max3A_111 = vector.shape_cast %reduce_max3A_110 : vector<1xf32> to vector<1x1xf32>
    %reduce_max3A_112 = vector.extract %reduce_max3A_111[0, 0] : f32 from vector<1x1xf32>
    %gt3A_113 = arith.constant 5.000000e-01 : f32
    %gt3A_114 = arith.cmpf ogt, %reduce_max3A_112, %gt3A_113 : f32
    %convert_element_type3A_115 = arith.extui %gt3A_114 : i1 to i32
    %cond3A_116 = arith.constant 0 : i32
    %cond3A_117 = arith.cmpi ne, %convert_element_type3A_115, %cond3A_116 : i32
    scf.if %cond3A_117 {
      %get3A_178 = arith.constant 7 : index
      %get3A_179 = arith.constant 0 : index
      %get3A_180 = arith.constant 0 : index
      %get3A_181 = vector.load %arg2[%get3A_178, %get3A_179, %get3A_180] : memref<12x256x64xf32, #tpu.memory_space<vmem>>, vector<1x256x64xf32>
      %get3A_182 = vector.shape_cast %get3A_181 : vector<1x256x64xf32> to vector<256x64xf32>
      %get3A_183 = arith.constant 0 : index
      %get3A_184 = arith.constant 0 : index
      %get3A_185 = vector.load %arg4[%get3A_183, %get3A_184] : memref<2048x64xf32, #tpu.memory_space<vmem>>, vector<2048x64xf32>
      %get3A_186 = arith.constant 7 : index
      %get3A_187 = arith.constant 0 : index
      %get3A_188 = arith.constant 0 : index
      %get3A_189 = vector.load %arg3[%get3A_186, %get3A_187, %get3A_188] : memref<12x256x64xbf16, #tpu.memory_space<vmem>>, vector<1x256x64xbf16>
      %get3A_190 = vector.shape_cast %get3A_189 : vector<1x256x64xbf16> to vector<256x64xbf16>
      %get3A_191 = arith.constant 0 : index
      %get3A_192 = arith.constant 0 : index
      %get3A_193 = vector.load %arg5[%get3A_191, %get3A_192] : memref<2048x64xbf16, #tpu.memory_space<vmem>>, vector<2048x64xbf16>
      %dot_general3A = arith.constant dense<0.000000e+00> : vector<256x2048xf32>
      %dot_general3A_194 = tpu.matmul %get3A_190, %get3A_193, %dot_general3A {dimension_numbers = #tpu.dot_dimension_numbers<[1], [1], [0], [0], [0, 0, 1, 0], [], []>, transpose_lhs_hint = false} : vector<256x64xbf16>, vector<2048x64xbf16>, vector<256x2048xf32> -> vector<256x2048xf32>
      %ge3A = arith.constant 6.350000e+01 : f32
      %ge3A_195 = vector.broadcast %ge3A : f32 to vector<256x2048xf32>
      %ge3A_196 = arith.cmpf oge, %dot_general3A_194, %ge3A_195 : vector<256x2048xf32>
      %convert_element_type3A_197 = arith.extui %ge3A_196 : vector<256x2048xi1> to vector<256x2048xi32>
      %convert_element_type3A_198 = arith.sitofp %convert_element_type3A_197 : vector<256x2048xi32> to vector<256x2048xf32>
      %convert_element_type3A_199 = arith.truncf %convert_element_type3A_198 : vector<256x2048xf32> to vector<256x2048xbf16>
      %reshape3A = vector.shape_cast %convert_element_type3A_199 : vector<256x2048xbf16> to vector<4096x128xbf16>
      %iota3A = tpu.iota {dimensions = array<i32: 0>} : vector<128x128xi32>
      %iota3A_200 = tpu.iota {dimensions = array<i32: 1>} : vector<128x128xi32>
      %le3A = arith.cmpi sle, %iota3A, %iota3A_200 : vector<128x128xi32>
      %convert_element_type3A_201 = arith.extui %le3A : vector<128x128xi1> to vector<128x128xi32>
      %convert_element_type3A_202 = arith.sitofp %convert_element_type3A_201 : vector<128x128xi32> to vector<128x128xf32>
      %convert_element_type3A_203 = arith.truncf %convert_element_type3A_202 : vector<128x128xf32> to vector<128x128xbf16>
      %dot_general3A_204 = arith.constant dense<0.000000e+00> : vector<4096x128xf32>
      %dot_general3A_205 = tpu.matmul %reshape3A, %convert_element_type3A_203, %dot_general3A_204 {dimension_numbers = #tpu.dot_dimension_numbers<[1], [0], [0], [1], [0, 0, 1, 1], [], []>, transpose_lhs_hint = false} : vector<4096x128xbf16>, vector<128x128xbf16>, vector<4096x128xf32> -> vector<4096x128xf32>
      %reshape3A_206 = vector.shape_cast %dot_general3A_205 : vector<4096x128xf32> to vector<256x16x128xf32>
      %reshape3A_207 = vector.shape_cast %convert_element_type3A_198 : vector<256x2048xf32> to vector<256x16x128xf32>
      %reduce_sum3A = arith.constant dense<0.000000e+00> : vector<256x16xf32>
      %reduce_sum3A_208 = vector.multi_reduction <add>, %reshape3A_207, %reduce_sum3A [2] : vector<256x16x128xf32> to vector<256x16xf32>
      %iota3A_209 = tpu.iota {dimensions = array<i32: 0>} : vector<16x16xi32>
      %iota3A_210 = tpu.iota {dimensions = array<i32: 1>} : vector<16x16xi32>
      %lt3A = arith.cmpi slt, %iota3A_209, %iota3A_210 : vector<16x16xi32>
      %convert_element_type3A_211 = arith.extui %lt3A : vector<16x16xi1> to vector<16x16xi32>
      %convert_element_type3A_212 = arith.sitofp %convert_element_type3A_211 : vector<16x16xi32> to vector<16x16xf32>
      %convert_element_type3A_213 = arith.truncf %convert_element_type3A_212 : vector<16x16xf32> to vector<16x16xbf16>
      %convert_element_type3A_214 = arith.truncf %reduce_sum3A_208 : vector<256x16xf32> to vector<256x16xbf16>
      %dot_general3A_215 = arith.constant dense<0.000000e+00> : vector<256x16xf32>
      %dot_general3A_216 = tpu.matmul %convert_element_type3A_214, %convert_element_type3A_213, %dot_general3A_215 {dimension_numbers = #tpu.dot_dimension_numbers<[1], [0], [0], [1], [0, 0, 1, 1], [], []>, transpose_lhs_hint = false} : vector<256x16xbf16>, vector<16x16xbf16>, vector<256x16xf32> -> vector<256x16xf32>
      %broadcast_in_dim3A_217 = vector.shape_cast %dot_general3A_216 : vector<256x16xf32> to vector<256x16x1xf32>
      %add3A = vector.broadcast %broadcast_in_dim3A_217 : vector<256x16x1xf32> to vector<256x16x128xf32>
      %add3A_218 = arith.addf %reshape3A_206, %add3A : vector<256x16x128xf32>
      %reshape3A_219 = vector.shape_cast %convert_element_type3A_198 : vector<256x2048xf32> to vector<256x16x128xf32>
      %gt3A_220 = arith.constant 5.000000e-01 : f32
      %gt3A_221 = vector.broadcast %gt3A_220 : f32 to vector<256x16x128xf32>
      %gt3A_222 = arith.cmpf ogt, %reshape3A_219, %gt3A_221 : vector<256x16x128xf32>
      %le3A_223 = arith.constant 3.250000e+01 : f32
      %le3A_224 = vector.broadcast %le3A_223 : f32 to vector<256x16x128xf32>
      %le3A_225 = arith.cmpf ole, %add3A_218, %le3A_224 : vector<256x16x128xf32>
      %and3A = arith.andi %gt3A_222, %le3A_225 : vector<256x16x128xi1>
      %jit3A = arith.constant 1.000000e+00 : f32
      %jit3A_226 = arith.constant 0.000000e+00 : f32
      %broadcast_in_dim3A_227 = vector.broadcast %jit3A : f32 to vector<256x16x128xf32>
      %broadcast_in_dim3A_228 = vector.broadcast %jit3A_226 : f32 to vector<256x16x128xf32>
      %select_n3A = arith.select %and3A, %broadcast_in_dim3A_227, %broadcast_in_dim3A_228 : vector<256x16x128xi1>, vector<256x16x128xf32>
      %reshape3A_229 = vector.shape_cast %select_n3A : vector<256x16x128xf32> to vector<256x2048xf32>
      %dot_general3A_230 = arith.constant dense<0.000000e+00> : vector<256x2048xf32>
      %dot_general3A_231 = tpu.matmul %get3A_182, %get3A_185, %dot_general3A_230 {dimension_numbers = #tpu.dot_dimension_numbers<[1], [1], [0], [0], [0, 0, 1, 0], [], []>, transpose_lhs_hint = false} : vector<256x64xf32>, vector<2048x64xf32>, vector<256x2048xf32> -> vector<256x2048xf32>
      %mul3A = arith.constant 1.250000e-01 : f32
      %mul3A_232 = vector.broadcast %mul3A : f32 to vector<256x2048xf32>
      %mul3A_233 = arith.mulf %dot_general3A_231, %mul3A_232 : vector<256x2048xf32>
      %gt3A_234 = arith.constant 5.000000e-01 : f32
      %gt3A_235 = vector.broadcast %gt3A_234 : f32 to vector<256x2048xf32>
      %gt3A_236 = arith.cmpf ogt, %reshape3A_229, %gt3A_235 : vector<256x2048xf32>
      %jit3A_237 = arith.constant -1.000000e+09 : f32
      %broadcast_in_dim3A_238 = vector.broadcast %jit3A_237 : f32 to vector<256x2048xf32>
      %select_n3A_239 = arith.select %gt3A_236, %mul3A_233, %broadcast_in_dim3A_238 : vector<256x2048xi1>, vector<256x2048xf32>
      %reduce_max3A_240 = arith.constant dense<0xFF800000> : vector<256xf32>
      %reduce_max3A_241 = vector.multi_reduction <maximumf>, %select_n3A_239, %reduce_max3A_240 [1] : vector<256x2048xf32> to vector<256xf32>
      %broadcast_in_dim3A_242 = vector.shape_cast %reduce_max3A_241 : vector<256xf32> to vector<256x1xf32>
      %sub3A = vector.broadcast %broadcast_in_dim3A_242 : vector<256x1xf32> to vector<256x2048xf32>
      %sub3A_243 = arith.subf %select_n3A_239, %sub3A : vector<256x2048xf32>
      %exp3A = math.exp %sub3A_243 : vector<256x2048xf32>
      %reduce_sum3A_244 = arith.constant dense<0.000000e+00> : vector<256xf32>
      %reduce_sum3A_245 = vector.multi_reduction <add>, %exp3A, %reduce_sum3A_244 [1] : vector<256x2048xf32> to vector<256xf32>
      %broadcast_in_dim3A_246 = vector.shape_cast %reduce_sum3A_245 : vector<256xf32> to vector<256x1xf32>
      %div3A = vector.broadcast %broadcast_in_dim3A_246 : vector<256x1xf32> to vector<256x2048xf32>
      %div3A_247 = arith.divf %exp3A, %div3A : vector<256x2048xf32>
      %mul3A_248 = arith.mulf %div3A_247, %reshape3A_229 : vector<256x2048xf32>
      %get3A_249 = arith.constant 0 : index
      %get3A_250 = arith.constant 0 : index
      %get3A_251 = vector.load %arg6[%get3A_249, %get3A_250] : memref<2048x64xf32, #tpu.memory_space<vmem>>, vector<2048x64xf32>
      %dot_general3A_252 = arith.constant dense<0.000000e+00> : vector<256x64xf32>
      %dot_general3A_253 = tpu.matmul %mul3A_248, %get3A_251, %dot_general3A_252 {dimension_numbers = #tpu.dot_dimension_numbers<[1], [0], [0], [1], [0, 0, 1, 1], [], []>, transpose_lhs_hint = false} : vector<256x2048xf32>, vector<2048x64xf32>, vector<256x64xf32> -> vector<256x64xf32>
      %get3A_254 = arith.constant 0 : index
      %get3A_255 = arith.constant 0 : index
      %get3A_256 = vector.load %arg8[%get3A_254, %get3A_255] : memref<256x1024xf32, #tpu.memory_space<vmem>>, vector<256x1024xf32>
      %get3A_257 = arith.constant 7 : index
      %get3A_258 = arith.constant 0 : index
      %get3A_259 = arith.constant 0 : index
      %get3A_260 = vector.load %arg7[%get3A_257, %get3A_258, %get3A_259] : memref<12x64x1024xf32, #tpu.memory_space<vmem>>, vector<1x64x1024xf32>
      %get3A_261 = vector.shape_cast %get3A_260 : vector<1x64x1024xf32> to vector<64x1024xf32>
      %dot_general3A_262 = arith.constant dense<0.000000e+00> : vector<256x1024xf32>
      %dot_general3A_263 = tpu.matmul %dot_general3A_253, %get3A_261, %dot_general3A_262 {dimension_numbers = #tpu.dot_dimension_numbers<[1], [0], [0], [1], [0, 0, 1, 1], [], []>, transpose_lhs_hint = false} : vector<256x64xf32>, vector<64x1024xf32>, vector<256x1024xf32> -> vector<256x1024xf32>
      %add3A_264 = arith.addf %get3A_256, %dot_general3A_263 : vector<256x1024xf32>
      %swap3A_265 = arith.constant 0 : index
      %swap3A_266 = arith.constant 0 : index
      %swap3A_267 = vector.load %arg8[%swap3A_265, %swap3A_266] : memref<256x1024xf32, #tpu.memory_space<vmem>>, vector<256x1024xf32>
      tpu.vector_store %arg8[%swap3A_265, %swap3A_266], %add3A_264 {strides = array<i32>} : memref<256x1024xf32, #tpu.memory_space<vmem>>, vector<256x1024xf32>,
    } else {
    }
    %get3A_118 = arith.constant 0 : index
    %get3A_119 = arith.constant 8 : index
    %get3A_120 = arith.constant 0 : index
    %get3A_121 = vector.load %arg1[%get3A_118, %get3A_119, %get3A_120] : memref<1x12x256xf32, #tpu.memory_space<vmem>>, vector<1x1x256xf32>
    %get3A_122 = vector.shape_cast %get3A_121 : vector<1x1x256xf32> to vector<256xf32>
    %reduce_max3A_123 = vector.shape_cast %get3A_122 : vector<256xf32> to vector<1x256xf32>
    %reduce_max3A_124 = arith.constant dense<0xFF800000> : vector<1xf32>
    %reduce_max3A_125 = vector.multi_reduction <maximumf>, %reduce_max3A_123, %reduce_max3A_124 [1] : vector<1x256xf32> to vector<1xf32>
    %reduce_max3A_126 = vector.shape_cast %reduce_max3A_125 : vector<1xf32> to vector<1x1xf32>
    %reduce_max3A_127 = vector.extract %reduce_max3A_126[0, 0] : f32 from vector<1x1xf32>
    %gt3A_128 = arith.constant 5.000000e-01 : f32
    %gt3A_129 = arith.cmpf ogt, %reduce_max3A_127, %gt3A_128 : f32
    %convert_element_type3A_130 = arith.extui %gt3A_129 : i1 to i32
    %cond3A_131 = arith.constant 0 : i32
    %cond3A_132 = arith.cmpi ne, %convert_element_type3A_130, %cond3A_131 : i32
    scf.if %cond3A_132 {
      %get3A_178 = arith.constant 8 : index
      %get3A_179 = arith.constant 0 : index
      %get3A_180 = arith.constant 0 : index
      %get3A_181 = vector.load %arg2[%get3A_178, %get3A_179, %get3A_180] : memref<12x256x64xf32, #tpu.memory_space<vmem>>, vector<1x256x64xf32>
      %get3A_182 = vector.shape_cast %get3A_181 : vector<1x256x64xf32> to vector<256x64xf32>
      %get3A_183 = arith.constant 0 : index
      %get3A_184 = arith.constant 0 : index
      %get3A_185 = vector.load %arg4[%get3A_183, %get3A_184] : memref<2048x64xf32, #tpu.memory_space<vmem>>, vector<2048x64xf32>
      %get3A_186 = arith.constant 8 : index
      %get3A_187 = arith.constant 0 : index
      %get3A_188 = arith.constant 0 : index
      %get3A_189 = vector.load %arg3[%get3A_186, %get3A_187, %get3A_188] : memref<12x256x64xbf16, #tpu.memory_space<vmem>>, vector<1x256x64xbf16>
      %get3A_190 = vector.shape_cast %get3A_189 : vector<1x256x64xbf16> to vector<256x64xbf16>
      %get3A_191 = arith.constant 0 : index
      %get3A_192 = arith.constant 0 : index
      %get3A_193 = vector.load %arg5[%get3A_191, %get3A_192] : memref<2048x64xbf16, #tpu.memory_space<vmem>>, vector<2048x64xbf16>
      %dot_general3A = arith.constant dense<0.000000e+00> : vector<256x2048xf32>
      %dot_general3A_194 = tpu.matmul %get3A_190, %get3A_193, %dot_general3A {dimension_numbers = #tpu.dot_dimension_numbers<[1], [1], [0], [0], [0, 0, 1, 0], [], []>, transpose_lhs_hint = false} : vector<256x64xbf16>, vector<2048x64xbf16>, vector<256x2048xf32> -> vector<256x2048xf32>
      %ge3A = arith.constant 6.350000e+01 : f32
      %ge3A_195 = vector.broadcast %ge3A : f32 to vector<256x2048xf32>
      %ge3A_196 = arith.cmpf oge, %dot_general3A_194, %ge3A_195 : vector<256x2048xf32>
      %convert_element_type3A_197 = arith.extui %ge3A_196 : vector<256x2048xi1> to vector<256x2048xi32>
      %convert_element_type3A_198 = arith.sitofp %convert_element_type3A_197 : vector<256x2048xi32> to vector<256x2048xf32>
      %convert_element_type3A_199 = arith.truncf %convert_element_type3A_198 : vector<256x2048xf32> to vector<256x2048xbf16>
      %reshape3A = vector.shape_cast %convert_element_type3A_199 : vector<256x2048xbf16> to vector<4096x128xbf16>
      %iota3A = tpu.iota {dimensions = array<i32: 0>} : vector<128x128xi32>
      %iota3A_200 = tpu.iota {dimensions = array<i32: 1>} : vector<128x128xi32>
      %le3A = arith.cmpi sle, %iota3A, %iota3A_200 : vector<128x128xi32>
      %convert_element_type3A_201 = arith.extui %le3A : vector<128x128xi1> to vector<128x128xi32>
      %convert_element_type3A_202 = arith.sitofp %convert_element_type3A_201 : vector<128x128xi32> to vector<128x128xf32>
      %convert_element_type3A_203 = arith.truncf %convert_element_type3A_202 : vector<128x128xf32> to vector<128x128xbf16>
      %dot_general3A_204 = arith.constant dense<0.000000e+00> : vector<4096x128xf32>
      %dot_general3A_205 = tpu.matmul %reshape3A, %convert_element_type3A_203, %dot_general3A_204 {dimension_numbers = #tpu.dot_dimension_numbers<[1], [0], [0], [1], [0, 0, 1, 1], [], []>, transpose_lhs_hint = false} : vector<4096x128xbf16>, vector<128x128xbf16>, vector<4096x128xf32> -> vector<4096x128xf32>
      %reshape3A_206 = vector.shape_cast %dot_general3A_205 : vector<4096x128xf32> to vector<256x16x128xf32>
      %reshape3A_207 = vector.shape_cast %convert_element_type3A_198 : vector<256x2048xf32> to vector<256x16x128xf32>
      %reduce_sum3A = arith.constant dense<0.000000e+00> : vector<256x16xf32>
      %reduce_sum3A_208 = vector.multi_reduction <add>, %reshape3A_207, %reduce_sum3A [2] : vector<256x16x128xf32> to vector<256x16xf32>
      %iota3A_209 = tpu.iota {dimensions = array<i32: 0>} : vector<16x16xi32>
      %iota3A_210 = tpu.iota {dimensions = array<i32: 1>} : vector<16x16xi32>
      %lt3A = arith.cmpi slt, %iota3A_209, %iota3A_210 : vector<16x16xi32>
      %convert_element_type3A_211 = arith.extui %lt3A : vector<16x16xi1> to vector<16x16xi32>
      %convert_element_type3A_212 = arith.sitofp %convert_element_type3A_211 : vector<16x16xi32> to vector<16x16xf32>
      %convert_element_type3A_213 = arith.truncf %convert_element_type3A_212 : vector<16x16xf32> to vector<16x16xbf16>
      %convert_element_type3A_214 = arith.truncf %reduce_sum3A_208 : vector<256x16xf32> to vector<256x16xbf16>
      %dot_general3A_215 = arith.constant dense<0.000000e+00> : vector<256x16xf32>
      %dot_general3A_216 = tpu.matmul %convert_element_type3A_214, %convert_element_type3A_213, %dot_general3A_215 {dimension_numbers = #tpu.dot_dimension_numbers<[1], [0], [0], [1], [0, 0, 1, 1], [], []>, transpose_lhs_hint = false} : vector<256x16xbf16>, vector<16x16xbf16>, vector<256x16xf32> -> vector<256x16xf32>
      %broadcast_in_dim3A_217 = vector.shape_cast %dot_general3A_216 : vector<256x16xf32> to vector<256x16x1xf32>
      %add3A = vector.broadcast %broadcast_in_dim3A_217 : vector<256x16x1xf32> to vector<256x16x128xf32>
      %add3A_218 = arith.addf %reshape3A_206, %add3A : vector<256x16x128xf32>
      %reshape3A_219 = vector.shape_cast %convert_element_type3A_198 : vector<256x2048xf32> to vector<256x16x128xf32>
      %gt3A_220 = arith.constant 5.000000e-01 : f32
      %gt3A_221 = vector.broadcast %gt3A_220 : f32 to vector<256x16x128xf32>
      %gt3A_222 = arith.cmpf ogt, %reshape3A_219, %gt3A_221 : vector<256x16x128xf32>
      %le3A_223 = arith.constant 3.250000e+01 : f32
      %le3A_224 = vector.broadcast %le3A_223 : f32 to vector<256x16x128xf32>
      %le3A_225 = arith.cmpf ole, %add3A_218, %le3A_224 : vector<256x16x128xf32>
      %and3A = arith.andi %gt3A_222, %le3A_225 : vector<256x16x128xi1>
      %jit3A = arith.constant 1.000000e+00 : f32
      %jit3A_226 = arith.constant 0.000000e+00 : f32
      %broadcast_in_dim3A_227 = vector.broadcast %jit3A : f32 to vector<256x16x128xf32>
      %broadcast_in_dim3A_228 = vector.broadcast %jit3A_226 : f32 to vector<256x16x128xf32>
      %select_n3A = arith.select %and3A, %broadcast_in_dim3A_227, %broadcast_in_dim3A_228 : vector<256x16x128xi1>, vector<256x16x128xf32>
      %reshape3A_229 = vector.shape_cast %select_n3A : vector<256x16x128xf32> to vector<256x2048xf32>
      %dot_general3A_230 = arith.constant dense<0.000000e+00> : vector<256x2048xf32>
      %dot_general3A_231 = tpu.matmul %get3A_182, %get3A_185, %dot_general3A_230 {dimension_numbers = #tpu.dot_dimension_numbers<[1], [1], [0], [0], [0, 0, 1, 0], [], []>, transpose_lhs_hint = false} : vector<256x64xf32>, vector<2048x64xf32>, vector<256x2048xf32> -> vector<256x2048xf32>
      %mul3A = arith.constant 1.250000e-01 : f32
      %mul3A_232 = vector.broadcast %mul3A : f32 to vector<256x2048xf32>
      %mul3A_233 = arith.mulf %dot_general3A_231, %mul3A_232 : vector<256x2048xf32>
      %gt3A_234 = arith.constant 5.000000e-01 : f32
      %gt3A_235 = vector.broadcast %gt3A_234 : f32 to vector<256x2048xf32>
      %gt3A_236 = arith.cmpf ogt, %reshape3A_229, %gt3A_235 : vector<256x2048xf32>
      %jit3A_237 = arith.constant -1.000000e+09 : f32
      %broadcast_in_dim3A_238 = vector.broadcast %jit3A_237 : f32 to vector<256x2048xf32>
      %select_n3A_239 = arith.select %gt3A_236, %mul3A_233, %broadcast_in_dim3A_238 : vector<256x2048xi1>, vector<256x2048xf32>
      %reduce_max3A_240 = arith.constant dense<0xFF800000> : vector<256xf32>
      %reduce_max3A_241 = vector.multi_reduction <maximumf>, %select_n3A_239, %reduce_max3A_240 [1] : vector<256x2048xf32> to vector<256xf32>
      %broadcast_in_dim3A_242 = vector.shape_cast %reduce_max3A_241 : vector<256xf32> to vector<256x1xf32>
      %sub3A = vector.broadcast %broadcast_in_dim3A_242 : vector<256x1xf32> to vector<256x2048xf32>
      %sub3A_243 = arith.subf %select_n3A_239, %sub3A : vector<256x2048xf32>
      %exp3A = math.exp %sub3A_243 : vector<256x2048xf32>
      %reduce_sum3A_244 = arith.constant dense<0.000000e+00> : vector<256xf32>
      %reduce_sum3A_245 = vector.multi_reduction <add>, %exp3A, %reduce_sum3A_244 [1] : vector<256x2048xf32> to vector<256xf32>
      %broadcast_in_dim3A_246 = vector.shape_cast %reduce_sum3A_245 : vector<256xf32> to vector<256x1xf32>
      %div3A = vector.broadcast %broadcast_in_dim3A_246 : vector<256x1xf32> to vector<256x2048xf32>
      %div3A_247 = arith.divf %exp3A, %div3A : vector<256x2048xf32>
      %mul3A_248 = arith.mulf %div3A_247, %reshape3A_229 : vector<256x2048xf32>
      %get3A_249 = arith.constant 0 : index
      %get3A_250 = arith.constant 0 : index
      %get3A_251 = vector.load %arg6[%get3A_249, %get3A_250] : memref<2048x64xf32, #tpu.memory_space<vmem>>, vector<2048x64xf32>
      %dot_general3A_252 = arith.constant dense<0.000000e+00> : vector<256x64xf32>
      %dot_general3A_253 = tpu.matmul %mul3A_248, %get3A_251, %dot_general3A_252 {dimension_numbers = #tpu.dot_dimension_numbers<[1], [0], [0], [1], [0, 0, 1, 1], [], []>, transpose_lhs_hint = false} : vector<256x2048xf32>, vector<2048x64xf32>, vector<256x64xf32> -> vector<256x64xf32>
      %get3A_254 = arith.constant 0 : index
      %get3A_255 = arith.constant 0 : index
      %get3A_256 = vector.load %arg8[%get3A_254, %get3A_255] : memref<256x1024xf32, #tpu.memory_space<vmem>>, vector<256x1024xf32>
      %get3A_257 = arith.constant 8 : index
      %get3A_258 = arith.constant 0 : index
      %get3A_259 = arith.constant 0 : index
      %get3A_260 = vector.load %arg7[%get3A_257, %get3A_258, %get3A_259] : memref<12x64x1024xf32, #tpu.memory_space<vmem>>, vector<1x64x1024xf32>
      %get3A_261 = vector.shape_cast %get3A_260 : vector<1x64x1024xf32> to vector<64x1024xf32>
      %dot_general3A_262 = arith.constant dense<0.000000e+00> : vector<256x1024xf32>
      %dot_general3A_263 = tpu.matmul %dot_general3A_253, %get3A_261, %dot_general3A_262 {dimension_numbers = #tpu.dot_dimension_numbers<[1], [0], [0], [1], [0, 0, 1, 1], [], []>, transpose_lhs_hint = false} : vector<256x64xf32>, vector<64x1024xf32>, vector<256x1024xf32> -> vector<256x1024xf32>
      %add3A_264 = arith.addf %get3A_256, %dot_general3A_263 : vector<256x1024xf32>
      %swap3A_265 = arith.constant 0 : index
      %swap3A_266 = arith.constant 0 : index
      %swap3A_267 = vector.load %arg8[%swap3A_265, %swap3A_266] : memref<256x1024xf32, #tpu.memory_space<vmem>>, vector<256x1024xf32>
      tpu.vector_store %arg8[%swap3A_265, %swap3A_266], %add3A_264 {strides = array<i32>} : memref<256x1024xf32, #tpu.memory_space<vmem>>, vector<256x1024xf32>,
    } else {
    }
    %get3A_133 = arith.constant 0 : index
    %get3A_134 = arith.constant 9 : index
    %get3A_135 = arith.constant 0 : index
    %get3A_136 = vector.load %arg1[%get3A_133, %get3A_134, %get3A_135] : memref<1x12x256xf32, #tpu.memory_space<vmem>>, vector<1x1x256xf32>
    %get3A_137 = vector.shape_cast %get3A_136 : vector<1x1x256xf32> to vector<256xf32>
    %reduce_max3A_138 = vector.shape_cast %get3A_137 : vector<256xf32> to vector<1x256xf32>
    %reduce_max3A_139 = arith.constant dense<0xFF800000> : vector<1xf32>
    %reduce_max3A_140 = vector.multi_reduction <maximumf>, %reduce_max3A_138, %reduce_max3A_139 [1] : vector<1x256xf32> to vector<1xf32>
    %reduce_max3A_141 = vector.shape_cast %reduce_max3A_140 : vector<1xf32> to vector<1x1xf32>
    %reduce_max3A_142 = vector.extract %reduce_max3A_141[0, 0] : f32 from vector<1x1xf32>
    %gt3A_143 = arith.constant 5.000000e-01 : f32
    %gt3A_144 = arith.cmpf ogt, %reduce_max3A_142, %gt3A_143 : f32
    %convert_element_type3A_145 = arith.extui %gt3A_144 : i1 to i32
    %cond3A_146 = arith.constant 0 : i32
    %cond3A_147 = arith.cmpi ne, %convert_element_type3A_145, %cond3A_146 : i32
    scf.if %cond3A_147 {
      %get3A_178 = arith.constant 9 : index
      %get3A_179 = arith.constant 0 : index
      %get3A_180 = arith.constant 0 : index
      %get3A_181 = vector.load %arg2[%get3A_178, %get3A_179, %get3A_180] : memref<12x256x64xf32, #tpu.memory_space<vmem>>, vector<1x256x64xf32>
      %get3A_182 = vector.shape_cast %get3A_181 : vector<1x256x64xf32> to vector<256x64xf32>
      %get3A_183 = arith.constant 0 : index
      %get3A_184 = arith.constant 0 : index
      %get3A_185 = vector.load %arg4[%get3A_183, %get3A_184] : memref<2048x64xf32, #tpu.memory_space<vmem>>, vector<2048x64xf32>
      %get3A_186 = arith.constant 9 : index
      %get3A_187 = arith.constant 0 : index
      %get3A_188 = arith.constant 0 : index
      %get3A_189 = vector.load %arg3[%get3A_186, %get3A_187, %get3A_188] : memref<12x256x64xbf16, #tpu.memory_space<vmem>>, vector<1x256x64xbf16>
      %get3A_190 = vector.shape_cast %get3A_189 : vector<1x256x64xbf16> to vector<256x64xbf16>
      %get3A_191 = arith.constant 0 : index
      %get3A_192 = arith.constant 0 : index
      %get3A_193 = vector.load %arg5[%get3A_191, %get3A_192] : memref<2048x64xbf16, #tpu.memory_space<vmem>>, vector<2048x64xbf16>
      %dot_general3A = arith.constant dense<0.000000e+00> : vector<256x2048xf32>
      %dot_general3A_194 = tpu.matmul %get3A_190, %get3A_193, %dot_general3A {dimension_numbers = #tpu.dot_dimension_numbers<[1], [1], [0], [0], [0, 0, 1, 0], [], []>, transpose_lhs_hint = false} : vector<256x64xbf16>, vector<2048x64xbf16>, vector<256x2048xf32> -> vector<256x2048xf32>
      %ge3A = arith.constant 6.350000e+01 : f32
      %ge3A_195 = vector.broadcast %ge3A : f32 to vector<256x2048xf32>
      %ge3A_196 = arith.cmpf oge, %dot_general3A_194, %ge3A_195 : vector<256x2048xf32>
      %convert_element_type3A_197 = arith.extui %ge3A_196 : vector<256x2048xi1> to vector<256x2048xi32>
      %convert_element_type3A_198 = arith.sitofp %convert_element_type3A_197 : vector<256x2048xi32> to vector<256x2048xf32>
      %convert_element_type3A_199 = arith.truncf %convert_element_type3A_198 : vector<256x2048xf32> to vector<256x2048xbf16>
      %reshape3A = vector.shape_cast %convert_element_type3A_199 : vector<256x2048xbf16> to vector<4096x128xbf16>
      %iota3A = tpu.iota {dimensions = array<i32: 0>} : vector<128x128xi32>
      %iota3A_200 = tpu.iota {dimensions = array<i32: 1>} : vector<128x128xi32>
      %le3A = arith.cmpi sle, %iota3A, %iota3A_200 : vector<128x128xi32>
      %convert_element_type3A_201 = arith.extui %le3A : vector<128x128xi1> to vector<128x128xi32>
      %convert_element_type3A_202 = arith.sitofp %convert_element_type3A_201 : vector<128x128xi32> to vector<128x128xf32>
      %convert_element_type3A_203 = arith.truncf %convert_element_type3A_202 : vector<128x128xf32> to vector<128x128xbf16>
      %dot_general3A_204 = arith.constant dense<0.000000e+00> : vector<4096x128xf32>
      %dot_general3A_205 = tpu.matmul %reshape3A, %convert_element_type3A_203, %dot_general3A_204 {dimension_numbers = #tpu.dot_dimension_numbers<[1], [0], [0], [1], [0, 0, 1, 1], [], []>, transpose_lhs_hint = false} : vector<4096x128xbf16>, vector<128x128xbf16>, vector<4096x128xf32> -> vector<4096x128xf32>
      %reshape3A_206 = vector.shape_cast %dot_general3A_205 : vector<4096x128xf32> to vector<256x16x128xf32>
      %reshape3A_207 = vector.shape_cast %convert_element_type3A_198 : vector<256x2048xf32> to vector<256x16x128xf32>
      %reduce_sum3A = arith.constant dense<0.000000e+00> : vector<256x16xf32>
      %reduce_sum3A_208 = vector.multi_reduction <add>, %reshape3A_207, %reduce_sum3A [2] : vector<256x16x128xf32> to vector<256x16xf32>
      %iota3A_209 = tpu.iota {dimensions = array<i32: 0>} : vector<16x16xi32>
      %iota3A_210 = tpu.iota {dimensions = array<i32: 1>} : vector<16x16xi32>
      %lt3A = arith.cmpi slt, %iota3A_209, %iota3A_210 : vector<16x16xi32>
      %convert_element_type3A_211 = arith.extui %lt3A : vector<16x16xi1> to vector<16x16xi32>
      %convert_element_type3A_212 = arith.sitofp %convert_element_type3A_211 : vector<16x16xi32> to vector<16x16xf32>
      %convert_element_type3A_213 = arith.truncf %convert_element_type3A_212 : vector<16x16xf32> to vector<16x16xbf16>
      %convert_element_type3A_214 = arith.truncf %reduce_sum3A_208 : vector<256x16xf32> to vector<256x16xbf16>
      %dot_general3A_215 = arith.constant dense<0.000000e+00> : vector<256x16xf32>
      %dot_general3A_216 = tpu.matmul %convert_element_type3A_214, %convert_element_type3A_213, %dot_general3A_215 {dimension_numbers = #tpu.dot_dimension_numbers<[1], [0], [0], [1], [0, 0, 1, 1], [], []>, transpose_lhs_hint = false} : vector<256x16xbf16>, vector<16x16xbf16>, vector<256x16xf32> -> vector<256x16xf32>
      %broadcast_in_dim3A_217 = vector.shape_cast %dot_general3A_216 : vector<256x16xf32> to vector<256x16x1xf32>
      %add3A = vector.broadcast %broadcast_in_dim3A_217 : vector<256x16x1xf32> to vector<256x16x128xf32>
      %add3A_218 = arith.addf %reshape3A_206, %add3A : vector<256x16x128xf32>
      %reshape3A_219 = vector.shape_cast %convert_element_type3A_198 : vector<256x2048xf32> to vector<256x16x128xf32>
      %gt3A_220 = arith.constant 5.000000e-01 : f32
      %gt3A_221 = vector.broadcast %gt3A_220 : f32 to vector<256x16x128xf32>
      %gt3A_222 = arith.cmpf ogt, %reshape3A_219, %gt3A_221 : vector<256x16x128xf32>
      %le3A_223 = arith.constant 3.250000e+01 : f32
      %le3A_224 = vector.broadcast %le3A_223 : f32 to vector<256x16x128xf32>
      %le3A_225 = arith.cmpf ole, %add3A_218, %le3A_224 : vector<256x16x128xf32>
      %and3A = arith.andi %gt3A_222, %le3A_225 : vector<256x16x128xi1>
      %jit3A = arith.constant 1.000000e+00 : f32
      %jit3A_226 = arith.constant 0.000000e+00 : f32
      %broadcast_in_dim3A_227 = vector.broadcast %jit3A : f32 to vector<256x16x128xf32>
      %broadcast_in_dim3A_228 = vector.broadcast %jit3A_226 : f32 to vector<256x16x128xf32>
      %select_n3A = arith.select %and3A, %broadcast_in_dim3A_227, %broadcast_in_dim3A_228 : vector<256x16x128xi1>, vector<256x16x128xf32>
      %reshape3A_229 = vector.shape_cast %select_n3A : vector<256x16x128xf32> to vector<256x2048xf32>
      %dot_general3A_230 = arith.constant dense<0.000000e+00> : vector<256x2048xf32>
      %dot_general3A_231 = tpu.matmul %get3A_182, %get3A_185, %dot_general3A_230 {dimension_numbers = #tpu.dot_dimension_numbers<[1], [1], [0], [0], [0, 0, 1, 0], [], []>, transpose_lhs_hint = false} : vector<256x64xf32>, vector<2048x64xf32>, vector<256x2048xf32> -> vector<256x2048xf32>
      %mul3A = arith.constant 1.250000e-01 : f32
      %mul3A_232 = vector.broadcast %mul3A : f32 to vector<256x2048xf32>
      %mul3A_233 = arith.mulf %dot_general3A_231, %mul3A_232 : vector<256x2048xf32>
      %gt3A_234 = arith.constant 5.000000e-01 : f32
      %gt3A_235 = vector.broadcast %gt3A_234 : f32 to vector<256x2048xf32>
      %gt3A_236 = arith.cmpf ogt, %reshape3A_229, %gt3A_235 : vector<256x2048xf32>
      %jit3A_237 = arith.constant -1.000000e+09 : f32
      %broadcast_in_dim3A_238 = vector.broadcast %jit3A_237 : f32 to vector<256x2048xf32>
      %select_n3A_239 = arith.select %gt3A_236, %mul3A_233, %broadcast_in_dim3A_238 : vector<256x2048xi1>, vector<256x2048xf32>
      %reduce_max3A_240 = arith.constant dense<0xFF800000> : vector<256xf32>
      %reduce_max3A_241 = vector.multi_reduction <maximumf>, %select_n3A_239, %reduce_max3A_240 [1] : vector<256x2048xf32> to vector<256xf32>
      %broadcast_in_dim3A_242 = vector.shape_cast %reduce_max3A_241 : vector<256xf32> to vector<256x1xf32>
      %sub3A = vector.broadcast %broadcast_in_dim3A_242 : vector<256x1xf32> to vector<256x2048xf32>
      %sub3A_243 = arith.subf %select_n3A_239, %sub3A : vector<256x2048xf32>
      %exp3A = math.exp %sub3A_243 : vector<256x2048xf32>
      %reduce_sum3A_244 = arith.constant dense<0.000000e+00> : vector<256xf32>
      %reduce_sum3A_245 = vector.multi_reduction <add>, %exp3A, %reduce_sum3A_244 [1] : vector<256x2048xf32> to vector<256xf32>
      %broadcast_in_dim3A_246 = vector.shape_cast %reduce_sum3A_245 : vector<256xf32> to vector<256x1xf32>
      %div3A = vector.broadcast %broadcast_in_dim3A_246 : vector<256x1xf32> to vector<256x2048xf32>
      %div3A_247 = arith.divf %exp3A, %div3A : vector<256x2048xf32>
      %mul3A_248 = arith.mulf %div3A_247, %reshape3A_229 : vector<256x2048xf32>
      %get3A_249 = arith.constant 0 : index
      %get3A_250 = arith.constant 0 : index
      %get3A_251 = vector.load %arg6[%get3A_249, %get3A_250] : memref<2048x64xf32, #tpu.memory_space<vmem>>, vector<2048x64xf32>
      %dot_general3A_252 = arith.constant dense<0.000000e+00> : vector<256x64xf32>
      %dot_general3A_253 = tpu.matmul %mul3A_248, %get3A_251, %dot_general3A_252 {dimension_numbers = #tpu.dot_dimension_numbers<[1], [0], [0], [1], [0, 0, 1, 1], [], []>, transpose_lhs_hint = false} : vector<256x2048xf32>, vector<2048x64xf32>, vector<256x64xf32> -> vector<256x64xf32>
      %get3A_254 = arith.constant 0 : index
      %get3A_255 = arith.constant 0 : index
      %get3A_256 = vector.load %arg8[%get3A_254, %get3A_255] : memref<256x1024xf32, #tpu.memory_space<vmem>>, vector<256x1024xf32>
      %get3A_257 = arith.constant 9 : index
      %get3A_258 = arith.constant 0 : index
      %get3A_259 = arith.constant 0 : index
      %get3A_260 = vector.load %arg7[%get3A_257, %get3A_258, %get3A_259] : memref<12x64x1024xf32, #tpu.memory_space<vmem>>, vector<1x64x1024xf32>
      %get3A_261 = vector.shape_cast %get3A_260 : vector<1x64x1024xf32> to vector<64x1024xf32>
      %dot_general3A_262 = arith.constant dense<0.000000e+00> : vector<256x1024xf32>
      %dot_general3A_263 = tpu.matmul %dot_general3A_253, %get3A_261, %dot_general3A_262 {dimension_numbers = #tpu.dot_dimension_numbers<[1], [0], [0], [1], [0, 0, 1, 1], [], []>, transpose_lhs_hint = false} : vector<256x64xf32>, vector<64x1024xf32>, vector<256x1024xf32> -> vector<256x1024xf32>
      %add3A_264 = arith.addf %get3A_256, %dot_general3A_263 : vector<256x1024xf32>
      %swap3A_265 = arith.constant 0 : index
      %swap3A_266 = arith.constant 0 : index
      %swap3A_267 = vector.load %arg8[%swap3A_265, %swap3A_266] : memref<256x1024xf32, #tpu.memory_space<vmem>>, vector<256x1024xf32>
      tpu.vector_store %arg8[%swap3A_265, %swap3A_266], %add3A_264 {strides = array<i32>} : memref<256x1024xf32, #tpu.memory_space<vmem>>, vector<256x1024xf32>,
    } else {
    }
    %get3A_148 = arith.constant 0 : index
    %get3A_149 = arith.constant 10 : index
    %get3A_150 = arith.constant 0 : index
    %get3A_151 = vector.load %arg1[%get3A_148, %get3A_149, %get3A_150] : memref<1x12x256xf32, #tpu.memory_space<vmem>>, vector<1x1x256xf32>
    %get3A_152 = vector.shape_cast %get3A_151 : vector<1x1x256xf32> to vector<256xf32>
    %reduce_max3A_153 = vector.shape_cast %get3A_152 : vector<256xf32> to vector<1x256xf32>
    %reduce_max3A_154 = arith.constant dense<0xFF800000> : vector<1xf32>
    %reduce_max3A_155 = vector.multi_reduction <maximumf>, %reduce_max3A_153, %reduce_max3A_154 [1] : vector<1x256xf32> to vector<1xf32>
    %reduce_max3A_156 = vector.shape_cast %reduce_max3A_155 : vector<1xf32> to vector<1x1xf32>
    %reduce_max3A_157 = vector.extract %reduce_max3A_156[0, 0] : f32 from vector<1x1xf32>
    %gt3A_158 = arith.constant 5.000000e-01 : f32
    %gt3A_159 = arith.cmpf ogt, %reduce_max3A_157, %gt3A_158 : f32
    %convert_element_type3A_160 = arith.extui %gt3A_159 : i1 to i32
    %cond3A_161 = arith.constant 0 : i32
    %cond3A_162 = arith.cmpi ne, %convert_element_type3A_160, %cond3A_161 : i32
    scf.if %cond3A_162 {
      %get3A_178 = arith.constant 10 : index
      %get3A_179 = arith.constant 0 : index
      %get3A_180 = arith.constant 0 : index
      %get3A_181 = vector.load %arg2[%get3A_178, %get3A_179, %get3A_180] : memref<12x256x64xf32, #tpu.memory_space<vmem>>, vector<1x256x64xf32>
      %get3A_182 = vector.shape_cast %get3A_181 : vector<1x256x64xf32> to vector<256x64xf32>
      %get3A_183 = arith.constant 0 : index
      %get3A_184 = arith.constant 0 : index
      %get3A_185 = vector.load %arg4[%get3A_183, %get3A_184] : memref<2048x64xf32, #tpu.memory_space<vmem>>, vector<2048x64xf32>
      %get3A_186 = arith.constant 10 : index
      %get3A_187 = arith.constant 0 : index
      %get3A_188 = arith.constant 0 : index
      %get3A_189 = vector.load %arg3[%get3A_186, %get3A_187, %get3A_188] : memref<12x256x64xbf16, #tpu.memory_space<vmem>>, vector<1x256x64xbf16>
      %get3A_190 = vector.shape_cast %get3A_189 : vector<1x256x64xbf16> to vector<256x64xbf16>
      %get3A_191 = arith.constant 0 : index
      %get3A_192 = arith.constant 0 : index
      %get3A_193 = vector.load %arg5[%get3A_191, %get3A_192] : memref<2048x64xbf16, #tpu.memory_space<vmem>>, vector<2048x64xbf16>
      %dot_general3A = arith.constant dense<0.000000e+00> : vector<256x2048xf32>
      %dot_general3A_194 = tpu.matmul %get3A_190, %get3A_193, %dot_general3A {dimension_numbers = #tpu.dot_dimension_numbers<[1], [1], [0], [0], [0, 0, 1, 0], [], []>, transpose_lhs_hint = false} : vector<256x64xbf16>, vector<2048x64xbf16>, vector<256x2048xf32> -> vector<256x2048xf32>
      %ge3A = arith.constant 6.350000e+01 : f32
      %ge3A_195 = vector.broadcast %ge3A : f32 to vector<256x2048xf32>
      %ge3A_196 = arith.cmpf oge, %dot_general3A_194, %ge3A_195 : vector<256x2048xf32>
      %convert_element_type3A_197 = arith.extui %ge3A_196 : vector<256x2048xi1> to vector<256x2048xi32>
      %convert_element_type3A_198 = arith.sitofp %convert_element_type3A_197 : vector<256x2048xi32> to vector<256x2048xf32>
      %convert_element_type3A_199 = arith.truncf %convert_element_type3A_198 : vector<256x2048xf32> to vector<256x2048xbf16>
      %reshape3A = vector.shape_cast %convert_element_type3A_199 : vector<256x2048xbf16> to vector<4096x128xbf16>
      %iota3A = tpu.iota {dimensions = array<i32: 0>} : vector<128x128xi32>
      %iota3A_200 = tpu.iota {dimensions = array<i32: 1>} : vector<128x128xi32>
      %le3A = arith.cmpi sle, %iota3A, %iota3A_200 : vector<128x128xi32>
      %convert_element_type3A_201 = arith.extui %le3A : vector<128x128xi1> to vector<128x128xi32>
      %convert_element_type3A_202 = arith.sitofp %convert_element_type3A_201 : vector<128x128xi32> to vector<128x128xf32>
      %convert_element_type3A_203 = arith.truncf %convert_element_type3A_202 : vector<128x128xf32> to vector<128x128xbf16>
      %dot_general3A_204 = arith.constant dense<0.000000e+00> : vector<4096x128xf32>
      %dot_general3A_205 = tpu.matmul %reshape3A, %convert_element_type3A_203, %dot_general3A_204 {dimension_numbers = #tpu.dot_dimension_numbers<[1], [0], [0], [1], [0, 0, 1, 1], [], []>, transpose_lhs_hint = false} : vector<4096x128xbf16>, vector<128x128xbf16>, vector<4096x128xf32> -> vector<4096x128xf32>
      %reshape3A_206 = vector.shape_cast %dot_general3A_205 : vector<4096x128xf32> to vector<256x16x128xf32>
      %reshape3A_207 = vector.shape_cast %convert_element_type3A_198 : vector<256x2048xf32> to vector<256x16x128xf32>
      %reduce_sum3A = arith.constant dense<0.000000e+00> : vector<256x16xf32>
      %reduce_sum3A_208 = vector.multi_reduction <add>, %reshape3A_207, %reduce_sum3A [2] : vector<256x16x128xf32> to vector<256x16xf32>
      %iota3A_209 = tpu.iota {dimensions = array<i32: 0>} : vector<16x16xi32>
      %iota3A_210 = tpu.iota {dimensions = array<i32: 1>} : vector<16x16xi32>
      %lt3A = arith.cmpi slt, %iota3A_209, %iota3A_210 : vector<16x16xi32>
      %convert_element_type3A_211 = arith.extui %lt3A : vector<16x16xi1> to vector<16x16xi32>
      %convert_element_type3A_212 = arith.sitofp %convert_element_type3A_211 : vector<16x16xi32> to vector<16x16xf32>
      %convert_element_type3A_213 = arith.truncf %convert_element_type3A_212 : vector<16x16xf32> to vector<16x16xbf16>
      %convert_element_type3A_214 = arith.truncf %reduce_sum3A_208 : vector<256x16xf32> to vector<256x16xbf16>
      %dot_general3A_215 = arith.constant dense<0.000000e+00> : vector<256x16xf32>
      %dot_general3A_216 = tpu.matmul %convert_element_type3A_214, %convert_element_type3A_213, %dot_general3A_215 {dimension_numbers = #tpu.dot_dimension_numbers<[1], [0], [0], [1], [0, 0, 1, 1], [], []>, transpose_lhs_hint = false} : vector<256x16xbf16>, vector<16x16xbf16>, vector<256x16xf32> -> vector<256x16xf32>
      %broadcast_in_dim3A_217 = vector.shape_cast %dot_general3A_216 : vector<256x16xf32> to vector<256x16x1xf32>
      %add3A = vector.broadcast %broadcast_in_dim3A_217 : vector<256x16x1xf32> to vector<256x16x128xf32>
      %add3A_218 = arith.addf %reshape3A_206, %add3A : vector<256x16x128xf32>
      %reshape3A_219 = vector.shape_cast %convert_element_type3A_198 : vector<256x2048xf32> to vector<256x16x128xf32>
      %gt3A_220 = arith.constant 5.000000e-01 : f32
      %gt3A_221 = vector.broadcast %gt3A_220 : f32 to vector<256x16x128xf32>
      %gt3A_222 = arith.cmpf ogt, %reshape3A_219, %gt3A_221 : vector<256x16x128xf32>
      %le3A_223 = arith.constant 3.250000e+01 : f32
      %le3A_224 = vector.broadcast %le3A_223 : f32 to vector<256x16x128xf32>
      %le3A_225 = arith.cmpf ole, %add3A_218, %le3A_224 : vector<256x16x128xf32>
      %and3A = arith.andi %gt3A_222, %le3A_225 : vector<256x16x128xi1>
      %jit3A = arith.constant 1.000000e+00 : f32
      %jit3A_226 = arith.constant 0.000000e+00 : f32
      %broadcast_in_dim3A_227 = vector.broadcast %jit3A : f32 to vector<256x16x128xf32>
      %broadcast_in_dim3A_228 = vector.broadcast %jit3A_226 : f32 to vector<256x16x128xf32>
      %select_n3A = arith.select %and3A, %broadcast_in_dim3A_227, %broadcast_in_dim3A_228 : vector<256x16x128xi1>, vector<256x16x128xf32>
      %reshape3A_229 = vector.shape_cast %select_n3A : vector<256x16x128xf32> to vector<256x2048xf32>
      %dot_general3A_230 = arith.constant dense<0.000000e+00> : vector<256x2048xf32>
      %dot_general3A_231 = tpu.matmul %get3A_182, %get3A_185, %dot_general3A_230 {dimension_numbers = #tpu.dot_dimension_numbers<[1], [1], [0], [0], [0, 0, 1, 0], [], []>, transpose_lhs_hint = false} : vector<256x64xf32>, vector<2048x64xf32>, vector<256x2048xf32> -> vector<256x2048xf32>
      %mul3A = arith.constant 1.250000e-01 : f32
      %mul3A_232 = vector.broadcast %mul3A : f32 to vector<256x2048xf32>
      %mul3A_233 = arith.mulf %dot_general3A_231, %mul3A_232 : vector<256x2048xf32>
      %gt3A_234 = arith.constant 5.000000e-01 : f32
      %gt3A_235 = vector.broadcast %gt3A_234 : f32 to vector<256x2048xf32>
      %gt3A_236 = arith.cmpf ogt, %reshape3A_229, %gt3A_235 : vector<256x2048xf32>
      %jit3A_237 = arith.constant -1.000000e+09 : f32
      %broadcast_in_dim3A_238 = vector.broadcast %jit3A_237 : f32 to vector<256x2048xf32>
      %select_n3A_239 = arith.select %gt3A_236, %mul3A_233, %broadcast_in_dim3A_238 : vector<256x2048xi1>, vector<256x2048xf32>
      %reduce_max3A_240 = arith.constant dense<0xFF800000> : vector<256xf32>
      %reduce_max3A_241 = vector.multi_reduction <maximumf>, %select_n3A_239, %reduce_max3A_240 [1] : vector<256x2048xf32> to vector<256xf32>
      %broadcast_in_dim3A_242 = vector.shape_cast %reduce_max3A_241 : vector<256xf32> to vector<256x1xf32>
      %sub3A = vector.broadcast %broadcast_in_dim3A_242 : vector<256x1xf32> to vector<256x2048xf32>
      %sub3A_243 = arith.subf %select_n3A_239, %sub3A : vector<256x2048xf32>
      %exp3A = math.exp %sub3A_243 : vector<256x2048xf32>
      %reduce_sum3A_244 = arith.constant dense<0.000000e+00> : vector<256xf32>
      %reduce_sum3A_245 = vector.multi_reduction <add>, %exp3A, %reduce_sum3A_244 [1] : vector<256x2048xf32> to vector<256xf32>
      %broadcast_in_dim3A_246 = vector.shape_cast %reduce_sum3A_245 : vector<256xf32> to vector<256x1xf32>
      %div3A = vector.broadcast %broadcast_in_dim3A_246 : vector<256x1xf32> to vector<256x2048xf32>
      %div3A_247 = arith.divf %exp3A, %div3A : vector<256x2048xf32>
      %mul3A_248 = arith.mulf %div3A_247, %reshape3A_229 : vector<256x2048xf32>
      %get3A_249 = arith.constant 0 : index
      %get3A_250 = arith.constant 0 : index
      %get3A_251 = vector.load %arg6[%get3A_249, %get3A_250] : memref<2048x64xf32, #tpu.memory_space<vmem>>, vector<2048x64xf32>
      %dot_general3A_252 = arith.constant dense<0.000000e+00> : vector<256x64xf32>
      %dot_general3A_253 = tpu.matmul %mul3A_248, %get3A_251, %dot_general3A_252 {dimension_numbers = #tpu.dot_dimension_numbers<[1], [0], [0], [1], [0, 0, 1, 1], [], []>, transpose_lhs_hint = false} : vector<256x2048xf32>, vector<2048x64xf32>, vector<256x64xf32> -> vector<256x64xf32>
      %get3A_254 = arith.constant 0 : index
      %get3A_255 = arith.constant 0 : index
      %get3A_256 = vector.load %arg8[%get3A_254, %get3A_255] : memref<256x1024xf32, #tpu.memory_space<vmem>>, vector<256x1024xf32>
      %get3A_257 = arith.constant 10 : index
      %get3A_258 = arith.constant 0 : index
      %get3A_259 = arith.constant 0 : index
      %get3A_260 = vector.load %arg7[%get3A_257, %get3A_258, %get3A_259] : memref<12x64x1024xf32, #tpu.memory_space<vmem>>, vector<1x64x1024xf32>
      %get3A_261 = vector.shape_cast %get3A_260 : vector<1x64x1024xf32> to vector<64x1024xf32>
      %dot_general3A_262 = arith.constant dense<0.000000e+00> : vector<256x1024xf32>
      %dot_general3A_263 = tpu.matmul %dot_general3A_253, %get3A_261, %dot_general3A_262 {dimension_numbers = #tpu.dot_dimension_numbers<[1], [0], [0], [1], [0, 0, 1, 1], [], []>, transpose_lhs_hint = false} : vector<256x64xf32>, vector<64x1024xf32>, vector<256x1024xf32> -> vector<256x1024xf32>
      %add3A_264 = arith.addf %get3A_256, %dot_general3A_263 : vector<256x1024xf32>
      %swap3A_265 = arith.constant 0 : index
      %swap3A_266 = arith.constant 0 : index
      %swap3A_267 = vector.load %arg8[%swap3A_265, %swap3A_266] : memref<256x1024xf32, #tpu.memory_space<vmem>>, vector<256x1024xf32>
      tpu.vector_store %arg8[%swap3A_265, %swap3A_266], %add3A_264 {strides = array<i32>} : memref<256x1024xf32, #tpu.memory_space<vmem>>, vector<256x1024xf32>,
    } else {
    }
    %get3A_163 = arith.constant 0 : index
    %get3A_164 = arith.constant 11 : index
    %get3A_165 = arith.constant 0 : index
    %get3A_166 = vector.load %arg1[%get3A_163, %get3A_164, %get3A_165] : memref<1x12x256xf32, #tpu.memory_space<vmem>>, vector<1x1x256xf32>
    %get3A_167 = vector.shape_cast %get3A_166 : vector<1x1x256xf32> to vector<256xf32>
    %reduce_max3A_168 = vector.shape_cast %get3A_167 : vector<256xf32> to vector<1x256xf32>
    %reduce_max3A_169 = arith.constant dense<0xFF800000> : vector<1xf32>
    %reduce_max3A_170 = vector.multi_reduction <maximumf>, %reduce_max3A_168, %reduce_max3A_169 [1] : vector<1x256xf32> to vector<1xf32>
    %reduce_max3A_171 = vector.shape_cast %reduce_max3A_170 : vector<1xf32> to vector<1x1xf32>
    %reduce_max3A_172 = vector.extract %reduce_max3A_171[0, 0] : f32 from vector<1x1xf32>
    %gt3A_173 = arith.constant 5.000000e-01 : f32
    %gt3A_174 = arith.cmpf ogt, %reduce_max3A_172, %gt3A_173 : f32
    %convert_element_type3A_175 = arith.extui %gt3A_174 : i1 to i32
    %cond3A_176 = arith.constant 0 : i32
    %cond3A_177 = arith.cmpi ne, %convert_element_type3A_175, %cond3A_176 : i32
    scf.if %cond3A_177 {
      %get3A_178 = arith.constant 11 : index
      %get3A_179 = arith.constant 0 : index
      %get3A_180 = arith.constant 0 : index
      %get3A_181 = vector.load %arg2[%get3A_178, %get3A_179, %get3A_180] : memref<12x256x64xf32, #tpu.memory_space<vmem>>, vector<1x256x64xf32>
      %get3A_182 = vector.shape_cast %get3A_181 : vector<1x256x64xf32> to vector<256x64xf32>
      %get3A_183 = arith.constant 0 : index
      %get3A_184 = arith.constant 0 : index
      %get3A_185 = vector.load %arg4[%get3A_183, %get3A_184] : memref<2048x64xf32, #tpu.memory_space<vmem>>, vector<2048x64xf32>
      %get3A_186 = arith.constant 11 : index
      %get3A_187 = arith.constant 0 : index
      %get3A_188 = arith.constant 0 : index
      %get3A_189 = vector.load %arg3[%get3A_186, %get3A_187, %get3A_188] : memref<12x256x64xbf16, #tpu.memory_space<vmem>>, vector<1x256x64xbf16>
      %get3A_190 = vector.shape_cast %get3A_189 : vector<1x256x64xbf16> to vector<256x64xbf16>
      %get3A_191 = arith.constant 0 : index
      %get3A_192 = arith.constant 0 : index
      %get3A_193 = vector.load %arg5[%get3A_191, %get3A_192] : memref<2048x64xbf16, #tpu.memory_space<vmem>>, vector<2048x64xbf16>
      %dot_general3A = arith.constant dense<0.000000e+00> : vector<256x2048xf32>
      %dot_general3A_194 = tpu.matmul %get3A_190, %get3A_193, %dot_general3A {dimension_numbers = #tpu.dot_dimension_numbers<[1], [1], [0], [0], [0, 0, 1, 0], [], []>, transpose_lhs_hint = false} : vector<256x64xbf16>, vector<2048x64xbf16>, vector<256x2048xf32> -> vector<256x2048xf32>
      %ge3A = arith.constant 6.350000e+01 : f32
      %ge3A_195 = vector.broadcast %ge3A : f32 to vector<256x2048xf32>
      %ge3A_196 = arith.cmpf oge, %dot_general3A_194, %ge3A_195 : vector<256x2048xf32>
      %convert_element_type3A_197 = arith.extui %ge3A_196 : vector<256x2048xi1> to vector<256x2048xi32>
      %convert_element_type3A_198 = arith.sitofp %convert_element_type3A_197 : vector<256x2048xi32> to vector<256x2048xf32>
      %convert_element_type3A_199 = arith.truncf %convert_element_type3A_198 : vector<256x2048xf32> to vector<256x2048xbf16>
      %reshape3A = vector.shape_cast %convert_element_type3A_199 : vector<256x2048xbf16> to vector<4096x128xbf16>
      %iota3A = tpu.iota {dimensions = array<i32: 0>} : vector<128x128xi32>
      %iota3A_200 = tpu.iota {dimensions = array<i32: 1>} : vector<128x128xi32>
      %le3A = arith.cmpi sle, %iota3A, %iota3A_200 : vector<128x128xi32>
      %convert_element_type3A_201 = arith.extui %le3A : vector<128x128xi1> to vector<128x128xi32>
      %convert_element_type3A_202 = arith.sitofp %convert_element_type3A_201 : vector<128x128xi32> to vector<128x128xf32>
      %convert_element_type3A_203 = arith.truncf %convert_element_type3A_202 : vector<128x128xf32> to vector<128x128xbf16>
      %dot_general3A_204 = arith.constant dense<0.000000e+00> : vector<4096x128xf32>
      %dot_general3A_205 = tpu.matmul %reshape3A, %convert_element_type3A_203, %dot_general3A_204 {dimension_numbers = #tpu.dot_dimension_numbers<[1], [0], [0], [1], [0, 0, 1, 1], [], []>, transpose_lhs_hint = false} : vector<4096x128xbf16>, vector<128x128xbf16>, vector<4096x128xf32> -> vector<4096x128xf32>
      %reshape3A_206 = vector.shape_cast %dot_general3A_205 : vector<4096x128xf32> to vector<256x16x128xf32>
      %reshape3A_207 = vector.shape_cast %convert_element_type3A_198 : vector<256x2048xf32> to vector<256x16x128xf32>
      %reduce_sum3A = arith.constant dense<0.000000e+00> : vector<256x16xf32>
      %reduce_sum3A_208 = vector.multi_reduction <add>, %reshape3A_207, %reduce_sum3A [2] : vector<256x16x128xf32> to vector<256x16xf32>
      %iota3A_209 = tpu.iota {dimensions = array<i32: 0>} : vector<16x16xi32>
      %iota3A_210 = tpu.iota {dimensions = array<i32: 1>} : vector<16x16xi32>
      %lt3A = arith.cmpi slt, %iota3A_209, %iota3A_210 : vector<16x16xi32>
      %convert_element_type3A_211 = arith.extui %lt3A : vector<16x16xi1> to vector<16x16xi32>
      %convert_element_type3A_212 = arith.sitofp %convert_element_type3A_211 : vector<16x16xi32> to vector<16x16xf32>
      %convert_element_type3A_213 = arith.truncf %convert_element_type3A_212 : vector<16x16xf32> to vector<16x16xbf16>
      %convert_element_type3A_214 = arith.truncf %reduce_sum3A_208 : vector<256x16xf32> to vector<256x16xbf16>
      %dot_general3A_215 = arith.constant dense<0.000000e+00> : vector<256x16xf32>
      %dot_general3A_216 = tpu.matmul %convert_element_type3A_214, %convert_element_type3A_213, %dot_general3A_215 {dimension_numbers = #tpu.dot_dimension_numbers<[1], [0], [0], [1], [0, 0, 1, 1], [], []>, transpose_lhs_hint = false} : vector<256x16xbf16>, vector<16x16xbf16>, vector<256x16xf32> -> vector<256x16xf32>
      %broadcast_in_dim3A_217 = vector.shape_cast %dot_general3A_216 : vector<256x16xf32> to vector<256x16x1xf32>
      %add3A = vector.broadcast %broadcast_in_dim3A_217 : vector<256x16x1xf32> to vector<256x16x128xf32>
      %add3A_218 = arith.addf %reshape3A_206, %add3A : vector<256x16x128xf32>
      %reshape3A_219 = vector.shape_cast %convert_element_type3A_198 : vector<256x2048xf32> to vector<256x16x128xf32>
      %gt3A_220 = arith.constant 5.000000e-01 : f32
      %gt3A_221 = vector.broadcast %gt3A_220 : f32 to vector<256x16x128xf32>
      %gt3A_222 = arith.cmpf ogt, %reshape3A_219, %gt3A_221 : vector<256x16x128xf32>
      %le3A_223 = arith.constant 3.250000e+01 : f32
      %le3A_224 = vector.broadcast %le3A_223 : f32 to vector<256x16x128xf32>
      %le3A_225 = arith.cmpf ole, %add3A_218, %le3A_224 : vector<256x16x128xf32>
      %and3A = arith.andi %gt3A_222, %le3A_225 : vector<256x16x128xi1>
      %jit3A = arith.constant 1.000000e+00 : f32
      %jit3A_226 = arith.constant 0.000000e+00 : f32
      %broadcast_in_dim3A_227 = vector.broadcast %jit3A : f32 to vector<256x16x128xf32>
      %broadcast_in_dim3A_228 = vector.broadcast %jit3A_226 : f32 to vector<256x16x128xf32>
      %select_n3A = arith.select %and3A, %broadcast_in_dim3A_227, %broadcast_in_dim3A_228 : vector<256x16x128xi1>, vector<256x16x128xf32>
      %reshape3A_229 = vector.shape_cast %select_n3A : vector<256x16x128xf32> to vector<256x2048xf32>
      %dot_general3A_230 = arith.constant dense<0.000000e+00> : vector<256x2048xf32>
      %dot_general3A_231 = tpu.matmul %get3A_182, %get3A_185, %dot_general3A_230 {dimension_numbers = #tpu.dot_dimension_numbers<[1], [1], [0], [0], [0, 0, 1, 0], [], []>, transpose_lhs_hint = false} : vector<256x64xf32>, vector<2048x64xf32>, vector<256x2048xf32> -> vector<256x2048xf32>
      %mul3A = arith.constant 1.250000e-01 : f32
      %mul3A_232 = vector.broadcast %mul3A : f32 to vector<256x2048xf32>
      %mul3A_233 = arith.mulf %dot_general3A_231, %mul3A_232 : vector<256x2048xf32>
      %gt3A_234 = arith.constant 5.000000e-01 : f32
      %gt3A_235 = vector.broadcast %gt3A_234 : f32 to vector<256x2048xf32>
      %gt3A_236 = arith.cmpf ogt, %reshape3A_229, %gt3A_235 : vector<256x2048xf32>
      %jit3A_237 = arith.constant -1.000000e+09 : f32
      %broadcast_in_dim3A_238 = vector.broadcast %jit3A_237 : f32 to vector<256x2048xf32>
      %select_n3A_239 = arith.select %gt3A_236, %mul3A_233, %broadcast_in_dim3A_238 : vector<256x2048xi1>, vector<256x2048xf32>
      %reduce_max3A_240 = arith.constant dense<0xFF800000> : vector<256xf32>
      %reduce_max3A_241 = vector.multi_reduction <maximumf>, %select_n3A_239, %reduce_max3A_240 [1] : vector<256x2048xf32> to vector<256xf32>
      %broadcast_in_dim3A_242 = vector.shape_cast %reduce_max3A_241 : vector<256xf32> to vector<256x1xf32>
      %sub3A = vector.broadcast %broadcast_in_dim3A_242 : vector<256x1xf32> to vector<256x2048xf32>
      %sub3A_243 = arith.subf %select_n3A_239, %sub3A : vector<256x2048xf32>
      %exp3A = math.exp %sub3A_243 : vector<256x2048xf32>
      %reduce_sum3A_244 = arith.constant dense<0.000000e+00> : vector<256xf32>
      %reduce_sum3A_245 = vector.multi_reduction <add>, %exp3A, %reduce_sum3A_244 [1] : vector<256x2048xf32> to vector<256xf32>
      %broadcast_in_dim3A_246 = vector.shape_cast %reduce_sum3A_245 : vector<256xf32> to vector<256x1xf32>
      %div3A = vector.broadcast %broadcast_in_dim3A_246 : vector<256x1xf32> to vector<256x2048xf32>
      %div3A_247 = arith.divf %exp3A, %div3A : vector<256x2048xf32>
      %mul3A_248 = arith.mulf %div3A_247, %reshape3A_229 : vector<256x2048xf32>
      %get3A_249 = arith.constant 0 : index
      %get3A_250 = arith.constant 0 : index
      %get3A_251 = vector.load %arg6[%get3A_249, %get3A_250] : memref<2048x64xf32, #tpu.memory_space<vmem>>, vector<2048x64xf32>
      %dot_general3A_252 = arith.constant dense<0.000000e+00> : vector<256x64xf32>
      %dot_general3A_253 = tpu.matmul %mul3A_248, %get3A_251, %dot_general3A_252 {dimension_numbers = #tpu.dot_dimension_numbers<[1], [0], [0], [1], [0, 0, 1, 1], [], []>, transpose_lhs_hint = false} : vector<256x2048xf32>, vector<2048x64xf32>, vector<256x64xf32> -> vector<256x64xf32>
      %get3A_254 = arith.constant 0 : index
      %get3A_255 = arith.constant 0 : index
      %get3A_256 = vector.load %arg8[%get3A_254, %get3A_255] : memref<256x1024xf32, #tpu.memory_space<vmem>>, vector<256x1024xf32>
      %get3A_257 = arith.constant 11 : index
      %get3A_258 = arith.constant 0 : index
      %get3A_259 = arith.constant 0 : index
      %get3A_260 = vector.load %arg7[%get3A_257, %get3A_258, %get3A_259] : memref<12x64x1024xf32, #tpu.memory_space<vmem>>, vector<1x64x1024xf32>
      %get3A_261 = vector.shape_cast %get3A_260 : vector<1x64x1024xf32> to vector<64x1024xf32>
      %dot_general3A_262 = arith.constant dense<0.000000e+00> : vector<256x1024xf32>
      %dot_general3A_263 = tpu.matmul %dot_general3A_253, %get3A_261, %dot_general3A_262 {dimension_numbers = #tpu.dot_dimension_numbers<[1], [0], [0], [1], [0, 0, 1, 1], [], []>, transpose_lhs_hint = false} : vector<256x64xf32>, vector<64x1024xf32>, vector<256x1024xf32> -> vector<256x1024xf32>
      %add3A_264 = arith.addf %get3A_256, %dot_general3A_263 : vector<256x1024xf32>
      %swap3A_265 = arith.constant 0 : index
      %swap3A_266 = arith.constant 0 : index
      %swap3A_267 = vector.load %arg8[%swap3A_265, %swap3A_266] : memref<256x1024xf32, #tpu.memory_space<vmem>>, vector<256x1024xf32>
      tpu.vector_store %arg8[%swap3A_265, %swap3A_266], %add3A_264 {strides = array<i32>} : memref<256x1024xf32, #tpu.memory_space<vmem>>, vector<256x1024xf32>,
    } else {
    }
    return
  }
  func.func @transform_0(%arg0: i32) -> (i32, i32, i32) {
    %c0_i32 = arith.constant 0 : i32
    %c0_i32_0 = arith.constant 0 : i32
    %c0_i32_1 = arith.constant 0 : i32
    return %arg0, %c0_i32, %c0_i32_0 : i32, i32, i32
  }
  func.func @transform_1(%arg0: i32) -> (i32, i32, i32) {
    %c0_i32 = arith.constant 0 : i32
    %c0_i32_0 = arith.constant 0 : i32
    %c0_i32_1 = arith.constant 0 : i32
    return %c0_i32, %arg0, %c0_i32_0 : i32, i32, i32
  }
  func.func @transform_2(%arg0: i32) -> (i32, i32, i32) {
    %c0_i32 = arith.constant 0 : i32
    %c0_i32_0 = arith.constant 0 : i32
    %c0_i32_1 = arith.constant 0 : i32
    return %c0_i32, %arg0, %c0_i32_0 : i32, i32, i32
  }
  func.func @transform_3(%arg0: i32) -> (i32, i32) {
    %c0_i32 = arith.constant 0 : i32
    %c0_i32_0 = arith.constant 0 : i32
    %c0_i32_1 = arith.constant 0 : i32
    return %c0_i32, %c0_i32_0 : i32, i32
  }
  func.func @transform_4(%arg0: i32) -> (i32, i32) {
    %c0_i32 = arith.constant 0 : i32
    %c0_i32_0 = arith.constant 0 : i32
    %c0_i32_1 = arith.constant 0 : i32
    return %c0_i32, %c0_i32_0 : i32, i32
  }
  func.func @transform_5(%arg0: i32) -> (i32, i32) {
    %c0_i32 = arith.constant 0 : i32
    %c0_i32_0 = arith.constant 0 : i32
    %c0_i32_1 = arith.constant 0 : i32
    return %c0_i32, %c0_i32_0 : i32, i32
  }
  func.func @transform_6(%arg0: i32) -> (i32, i32, i32) {
    %c0_i32 = arith.constant 0 : i32
    %c0_i32_0 = arith.constant 0 : i32
    %c0_i32_1 = arith.constant 0 : i32
    %c0_i32_2 = arith.constant 0 : i32
    return %c0_i32, %c0_i32_0, %c0_i32_1 : i32, i32, i32
  }
  func.func @transform_7(%arg0: i32) -> (i32, i32) {
    %c0_i32 = arith.constant 0 : i32
    %c0_i32_0 = arith.constant 0 : i32
    return %arg0, %c0_i32 : i32, i32
  }
}

</mosaic_0001>

<sc_bundles>
// kernel: kernel.5.cloned.1.call-start
scs
__scs_entry_jumppad:
0x0: {  	(pc) =	sbr.rel $0x88, $3  }
0x1: {  	(tag) =	ssettag $0x0;
	lr =	simm.s32 $0x1  }
0x2: {  	[smem:$0x3F96] =	sst lr;
	_ =	strace $0xD0000000  }
0x3: {  	_ = 	snop  }
0x4: {  	_ = 	snop  }
0x5: {  	_ = 	snop  }
0x6: {  	_ = 	snop  }
0x7: {  	_ = 	snop  }
__scs_overlays_trampoline_lowered:
0x8: {  	[smem:$0x3FA5] =	sst s0  }
0x9: {  	[smem:$0x3FA6] =	sst s1  }
0xa: {  	[smem:$0x3FA7] =	sst s2  }
0xb: {  	[smem:$0x3FA8] =	sst s3  }
0xc: {  	[smem:$0x3FA9] =	sst s4  }
0xd: {  	[smem:$0x3FAA] =	sst s5  }
0xe: {  	[smem:$0x3FAB] =	sst s6  }
0xf: {  	[smem:$0x3FAC] =	sst s7  }
0x10: {  	[smem:$0x3FAD] =	sst s8  }
0x11: {  	[smem:$0x3FAE] =	sst s9;
	s0 =	simm.s32 @!p0 $0x0  }
0x12: {  	s1 =	sld [smem:$0x3F94];
	s0 =	simm.s32 @p0 $0x1  }
0x13: {  	[smem:$0x3FAF] =	sst s0;
	s0 =	simm.s32 @!p1 $0x0  }
0x14: {  	s2 =	sld [smem:$0x3F93];
	s0 =	simm.s32 @p1 $0x1  }
0x15: {  	[smem:$0x3FB0] =	sst s0;
	s0 =	simm.s32 @!p2 $0x0  }
0x16: {  	s3 =	sld [smem:$0x3FDB];
	s0 =	simm.s32 @p2 $0x1  }
0x17: {  	s4 =	simm.s32 $0x1BF5;
	[smem:$0x3FB2] =	sst s0  }
0x18: {  	s0 =	sld [smem:$0x3F95];
	_ =	swait.ge [sflag:s4], $0x0  }
0x19: {  	s7 =	sld [smem:$0x3F96]  }
0x1a: {  	s8 =	sadd.s32 $0xFFFFE003, lr  }
0x1b: {  	s9 =	sadd.s32 $0xFFFFFEF7, lr;
	s5 =	simm.s32 $0xFFFFFFFF;
	p2 =	slt.u32 s8, $0xFFFFF086  }
0x1c: {  	p1 =	slt.u32 s9, $0xF7A;
	s5 =	simm.s32 @!p2 $0x0  }
0x1d: {  	s5 =	simm.s32 @p1 $0x1;
	p0 =	seq.s32 s7, s2  }
0x1e: {  	s7 =	smul.u32 @!p0 $0xF7A, s2;
	p2 =	seq.s32 @!p0 s5, $0x0  }
0x1f: {  	s9 =	smul.u32 $0xF7A, s1;
	s8 =	simm.s32 @!p0 $0x1BF5;
	p2 =	por !p2, p0  }
0x20: {  	[sflag:s8] =	ssyncset.s32 @!p0 $0xFFFFF086;
	s6 =	sadd.s32 @!p0 s3, s7;
	s7 =	simm.s32 @!p0 $0x108  }
0x21: {  	s3 =	sadd.s32 s3, s9;
	s6 =	sadd.s32 @!p0 $0x88, s6;
	s7 =	simm.s32 @p2 $0x1082  }
0x22: {  	[simem:s7], [sflag:s8] =	dma.local @!p0 [hbm:s6], $0xF7A  }
0x23: {  	s9 =	sor.u32 $0xD0000000, s2;
	s6 =	simm.s32 $0x108;
	_ =	swait.ge @!p0 [sflag:s8], $0x0  }
0x24: {  	s3 =	sadd.s32 $0x88, s3;
	s6 =	simm.s32 @!p1 $0x1082;
	[sflag:s4] =	ssyncset.s32 $0xFFFFF086  }
0x25: {  	[simem:s6], [sflag:s4] =	dma.local [hbm:s3], $0xF7A  }
0x26: {  	[smem:$0x3F96] =	sst s1;
	(tag) =	ssettag s2;
	_ =	strace s9  }
0x27: {  	s1 =	sld [smem:$0x3FA6]  }
0x28: {  	s2 =	sld [smem:$0x3FA7]  }
0x29: {  	s4 =	sld [smem:$0x3FA9]  }
0x2a: {  	p0 =	seq.s32 s5, $0x0;
	s5 =	sld [smem:$0x3FAA]  }
0x2b: {  	s6 =	sld [smem:$0x3FAB]  }
0x2c: {  	s7 =	sld [smem:$0x3FAC]  }
0x2d: {  	s3 =	simm.s32 $0x108;
	s8 =	sld [smem:$0x3FAD]  }
0x2e: {  	s3 =	simm.s32 @!p0 $0x1082;
	s9 =	sld [smem:$0x3FAE]  }
0x2f: {  	lr =	sadd.s32 s0, s3;
	s0 =	sld [smem:$0x3FA5]  }
0x30: {  	s3 =	sld [smem:$0x3FA8]  }
0x31: {  	[smem:$0x3FB1] =	sst s10  }
0x32: {  	s10 =	sld [smem:$0x3FAF];
	_ =	sdelay $0x3  }
0x33: {  	p0 =	seq.s32 s10, $0x1;
	s10 =	sld [smem:$0x3FB1];
	_ =	sdelay $0x3  }
0x34: {  	[smem:$0x3FB1] =	sst s10  }
0x35: {  	s10 =	sld [smem:$0x3FB0];
	_ =	sdelay $0x3  }
0x36: {  	p1 =	seq.s32 s10, $0x1;
	s10 =	sld [smem:$0x3FB1];
	_ =	sdelay $0x3  }
0x37: {  	[smem:$0x3FB1] =	sst s10  }
0x38: {  	s10 =	sld [smem:$0x3FB2]  }
0x39: {  	_ = 	snop;
	(pc) =	sbr.ind lr, $3  }
0x3a: {  	_ = 	snop  }
0x3b: {  	_ = 	snop  }
0x3c: {  	p2 =	seq.s32 s10, $0x1;
	s10 =	sld [smem:$0x3FB1]  }
0x3d: {  	_ =	shalt  }
0x3e: {  	_ =	shalt  }
0x3f: {  	_ =	shalt  }
0x40: {  	_ =	shalt  }
0x41: {  	_ =	shalt  }
0x42: {  	_ =	shalt  }
0x43: {  	_ =	shalt  }
0x44: {  	_ =	shalt  }
0x45: {  	_ =	shalt  }
0x46: {  	_ =	shalt  }
0x47: {  	_ =	shalt  }
0x48: {  	_ =	shalt  }
0x49: {  	_ =	shalt  }
0x4a: {  	_ =	shalt  }
0x4b: {  	_ =	shalt  }
0x4c: {  	_ =	shalt  }
0x4d: {  	_ =	shalt  }
0x4e: {  	_ =	shalt  }
0x4f: {  	_ =	shalt  }
0x50: {  	_ =	shalt  }
0x51: {  	_ =	shalt  }
0x52: {  	_ =	shalt  }
0x53: {  	_ =	shalt  }
0x54: {  	_ =	shalt  }
0x55: {  	_ =	shalt  }
0x56: {  	_ =	shalt  }
0x57: {  	_ =	shalt  }
0x58: {  	_ =	shalt  }
0x59: {  	_ =	shalt  }
0x5a: {  	_ =	shalt  }
0x5b: {  	_ =	shalt  }
0x5c: {  	_ =	shalt  }
0x5d: {  	_ =	shalt  }
0x5e: {  	_ =	shalt  }
0x5f: {  	_ =	shalt  }
0x60: {  	_ =	shalt  }
0x61: {  	_ =	shalt  }
0x62: {  	_ =	shalt  }
0x63: {  	_ =	shalt  }
0x64: {  	_ =	shalt  }
0x65: {  	_ =	shalt  }
0x66: {  	_ =	shalt  }
0x67: {  	_ =	shalt  }
0x68: {  	_ =	shalt  }
0x69: {  	_ =	shalt  }
0x6a: {  	_ =	shalt  }
0x6b: {  	_ =	shalt  }
0x6c: {  	_ =	shalt  }
0x6d: {  	_ =	shalt  }
0x6e: {  	_ =	shalt  }
0x6f: {  	_ =	shalt  }
0x70: {  	_ =	shalt  }
0x71: {  	_ =	shalt  }
0x72: {  	_ =	shalt  }
0x73: {  	_ =	shalt  }
0x74: {  	_ =	shalt  }
0x75: {  	_ =	shalt  }
0x76: {  	_ =	shalt  }
0x77: {  	_ =	shalt  }
0x78: {  	_ =	shalt  }
0x79: {  	_ =	shalt  }
0x7a: {  	_ =	shalt  }
0x7b: {  	_ =	shalt  }
0x7c: {  	_ =	shalt  }
0x7d: {  	_ =	shalt  }
0x7e: {  	_ =	shalt  }
0x7f: {  	_ =	shalt  }
0x80: {  	_ =	shalt  }
0x81: {  	_ =	shalt  }
0x82: {  	_ =	shalt  }
0x83: {  	_ =	shalt  }
0x84: {  	_ =	shalt  }
0x85: {  	_ =	shalt  }
0x86: {  	_ =	shalt  }
0x87: {  	_ =	shalt  }
.Lfunc_end0:
.L_simem_size_0:
called_computation_lowered:
.L_overlay_start_0:
0x88: {  	s2 =	sld [smem:$0x3FD9]  }
0x89: {  	s3 =	sld [smem:$0x3FFE];
	_ =	sdelay $0x1  }
0x8a: {  	s1 =	srdreg.scid  }
0x8b: {  	s0 =	sand.u32 $0x1, s1  }
0x8c: {  	s17 =	sshll.u32 s0, $0xA;
	s2 =	sadd.s32 s3, s2  }
0x8d: {  	s2 =	sadd.s32 s2, s17  }
0x8e: {  	[smem:$0x3FBD] =	sst s2  }
0x8f: {  	_ = 	snop  }
0x90: {  	s2 =	sld [smem:$0x3FD0];
	(tm) =	ssettm $0x1  }
0x91: {  	s18 =	sld [smem:$0x3FFB];
	_ =	sdelay $0x3  }
0x92: {  	_ =	strace s18  }
0x93: {  	s3 =	sld [smem:$0x3FFC];
	_ =	sdelay $0x3  }
0x94: {  	_ =	strace s3  }
0x95: {  	s3 =	sld [smem:$0x3FFD];
	_ =	sdelay $0x3  }
0x96: {  	_ =	strace s3  }
0x97: {  	_ =	strace $0x8FFFFFFF  }
0x98: {  	s19 =	sld [smem:$0x3FDB];
	_ =	sdelay $0x1  }
0x99: {  	s4 =	simm.s32 $_scs_section_size  }
0x9a: {  	s5 =	simm.s32 $_size__tile_overlayer_lowered;
	s6 =	simm.s32 $_tile_overlayer_lowered  }
0x9b: {  	s22 =	simm.s32 $0x1BFF;
	s21 =	sshll.u32 s6, $0x1;
	s3 =	sadd.s32 s4, s19  }
0x9c: {  	s7 =	simm.s32 $0x0;
	s20 =	sshll.u32 s5, $0x1;
	s5 =	sadd.s32 s21, s3  }
0x9d: {  	[timem:s7], [sflag:s22] =	dma.local [hbm:s5], s20  }
0x9e: {  	_ =	swait.ge [sflag:s22], s20  }
0x9f: {  	s4 =	ssub.s32 $0x0, s20;
	[sflag:s22] =	ssyncset.done $0x0  }
0xa0: {  	[sflag:s22] =	ssyncadd.s32 s4;
	_ =	sdelay $0x1  }
0xa1: {  	s23 =	simm.s32 $0x1B8B  }
0xa2: {  	_ =	swait.ge [sflag:s23], $0x1  }
0xa3: {  	[sflag:s23] =	ssyncset.done $0x0  }
0xa4: {  	s25 =	simm.s32 $0x1B8E;
	s24 =	sld [smem:$0x3FFE];
	[sflag:s23] =	ssyncadd.s32 $0xFFFFFFFF  }
0xa5: {  	s26 =	simm.s32 $execute0_lowered;
	[smem:$0x3FD2] =	sst s25  }
0xa6: {  	s5 =	sshll.u32 s26, $0x1;
	_ =	strace $0x80000046;
	[dreg:$0x1] =	wrdreg $0xFFFFFFFF  }
0xa7: {  	s28 =	simm.s32 $_size_execute0_lowered;
	s3 =	sadd.s32 s3, s5;
	[dreg:$0x0] =	wrdreg $0x0  }
0xa8: {  	s5 =	sshll.u32 s28, $0x1;
	[dreg:$0x2] =	wrdreg s3  }
0xa9: {  	[dreg:$0x3] =	wrdreg s5  }
0xaa: {  	[dreg:$0x4] =	wrdreg $0xC0  }
0xab: {  	_ =	task [dreg:s7], $0x5FFFF  }
0xac: {  	[dreg:$0x1] =	wrdreg $0xFFFFFFFF  }
0xad: {  	[dreg:$0x0] =	wrdreg $0x60  }
0xae: {  	[dreg:$0x2] =	wrdreg s2  }
0xaf: {  	[dreg:$0x3] =	wrdreg s24  }
0xb0: {  	[dreg:$0x4] =	wrdreg $0x9  }
0xb1: {  	_ =	task.clear_ibuf [dreg:s7], $0x5FFFF;
	_ =	strace $0x90000046  }
0xb2: {  	s29 =	simm.s32 $0x9;
	_ =	strace $0x80000048  }
0xb3: {  	_ =	swait.ge [sflag:s29], $0x1  }
0xb4: {  	[sflag:s29] =	ssyncadd.s32 $0xFFFFFFFF  }
0xb5: {  	_ =	strace $0x90000048  }
0xb6: {  	_ =	sfence  }
0xb7: {  	s30 =	sld [smem:$0x0];
	_ =	sdelay $0x2  }
0xb8: {  	s31 =	sshll.u32 s1, $0xD;
	s1 =	sshrl.u32 s1, $0x2  }
0xb9: {  	s3 =	sand.u32 $0x4000, s31;
	s1 =	sadd.s32 s1, s30  }
0xba: {  	s0 =	sor.u32 s3, s0;
	s1 =	sshll.u32 s1, $0x11  }
0xbb: {  	s0 =	sor.u32 s1, s0  }
0xbc: {  	s0 =	sadd.s32 $0x8F2B, s0  }
0xbd: {  	[sflag:s0] =	ssyncadd.remote.s32 $0x1  }
0xbe: {  	_ =	sfence.sel $0xFFFF  }
0xbf: {  	[dreg:$0x0] =	wrdreg $0xFFFFFFFF;
	(pc) =	sbr.abs _section_cstart, $3  }
0xc0: {  	[dreg:$0x1] =	wrdreg $0xFFFFFFFF  }
0xc1: {  	_ =	task.clear_ibuf [dreg:s7], $0x2FFFF;
	_ =	strace $0x9FFFFFFF  }
0xc2: {  	(tm) =	ssettm $0x7FFFFFFF  }
0xc3: {  	_ =	shalt  }
tec
execute0_lowered:
.L_overlay_start_1:
0x0: {  	(tag) =	ssettag $0x1  }
0x1: {  	s1 =	srdreg.scid;
	s7 =	rddreg [dreg:$0x0]  }
0x2: {  	s0 =	stileid.u32;
	s9 =	rddreg [dreg:$0x1]  }
0x3: {  	s2 =	simm.s32 $0x0;
	s14 =	simm.s32 $0x11800;
	s15 =	simm.s32 $0x1  }
0x4: {  	s16 =	simm.s32 $0x11B00;
	s17 =	simm.s32 $0x11E00;
	s18 =	simm.s32 $0x10000  }
0x5: {  	s19 =	simm.s32 $0x10800;
	s5 =	sand.u32 $0x1, s1;
	s25 =	sshll.u32 s0, $0x1  }
0x6: {  	s20 =	simm.s32 $0x11000;
	s21 =	simm.s32 $0x12100;
	s1 =	sor.u32 s5, s25  }
0x7: {  	s22 =	simm.s32 $0x12200;
	s23 =	simm.s32 $0x12300;
	s3 =	smul.u32 $0x300, s1  }
0x8: {  	s24 =	simm.s32 $0x0;
	[smem:$0x7FF] =	sst s2;
	s5 =	ssub.s32 $0x2, s5  }
0x9: {  	s26 =	sshrl.u32 s5, $0x1;
	s6 =	sand.u32 $0x700, s3;
	s8 =	sshrl.u32 s3, $0xB  }
0xa: {  	s4 =	sshrl.u32 s6, $0x8;
	s11 =	sshll.u32 s8, $0x8;
	s8 =	smul.u32 $0x1800, s8  }
0xb: {  	s1 =	rddreg [dreg:$0x2];
	s13 =	ssub.s32 s5, s26;
	s10 =	smul.u32 $0xC00, s4  }
0xc: {  	_ =	strace $0x80000047;
	s3 =	sadd.s32 $0x61000, s9;
	s13 =	smax.u32 s13, $0x1  }
0xd: {  	s4 =	sadd.s32 $0x61400, s9;
	s6 =	sor.u32 s6, s8;
	s10 =	sadd.s32 s11, s10  }
0xe: {  	s28 =	sadd.s32 $0x800, s6;
	s8 =	sshrl.u32 s6, $0x3;
	s30 =	sadd.s32 $0x1000, s6  }
0xf: {  	s10 =	sshrl.u32 s10, $0x3;
	s29 =	sshrl.u32 s28, $0x3;
	s5 =	sadd.s32 s7, s8  }
0x10: {  	s31 =	sshrl.u32 s30, $0x3;
	s8 =	sadd.s32 $0x61100, s9;
	s12 =	sadd.s32 s10, s9  }
0x11: {  	s6 =	sadd.s32 s7, s29;
	s7 =	sadd.s32 s7, s31;
	s9 =	sadd.s32 $0x61200, s9  }
0x12: {  	v0 =	vlaneseq.u32;
	v1 =	vimm.s32 $0x1;
	v2 =	vimm.f32 $0.0e+00;
	s10 =	sadd.s32 $0x63400, s12;
	s11 =	sadd.s32 $0x63580, s12;
	s12 =	sadd.s32 $0x63700, s12  }
.LBB2_1:
0x13: {  	[tilespmem:s14], [sflag:$0x1] =	stream.linear.gather [hbm4b:s5+s2], $0x300, $0x38;
	[tilespmem:$0x12400] =	vst v63  }
0x14: {  	_ =	swait.ge [sflag:s15], $0x300  }
0x15: {  	[sflag:s15] =	ssyncset.done $0x0  }
0x16: {  	[sflag:s15] =	ssyncadd.s32 $0xFFFFFD00  }
0x17: {  	[tilespmem:s16], [sflag:$0x1] =	stream.linear.gather [hbm4b:s6+s2], $0x300, $0x38;
	[tilespmem:$0x12400] =	vst v63  }
0x18: {  	_ =	swait.ge [sflag:s15], $0x300  }
0x19: {  	[sflag:s15] =	ssyncset.done $0x0  }
0x1a: {  	[sflag:s15] =	ssyncadd.s32 $0xFFFFFD00  }
0x1b: {  	[tilespmem:s17], [sflag:$0x1] =	stream.linear.gather [hbm4b:s7+s2], $0x300, $0x38;
	[tilespmem:$0x12400] =	vst v63  }
0x1c: {  	_ =	swait.ge [sflag:s15], $0x300  }
0x1d: {  	[sflag:s15] =	ssyncset.done $0x0  }
0x1e: {  	[sflag:s15] =	ssyncadd.s32 $0xFFFFFD00  }
0x1f: {  	[tilespmem:s18], [sflag:$0x1] =	stream.linear.gather [hbm4b:s3+s2], $0x800, $0x38;
	[tilespmem:$0x12400] =	vst v63  }
0x20: {  	_ =	swait.ge [sflag:s15], $0x800  }
0x21: {  	[sflag:s15] =	ssyncset.done $0x0  }
0x22: {  	[sflag:s15] =	ssyncadd.s32 $0xFFFFF800  }
0x23: {  	[tilespmem:s19], [sflag:$0x1] =	stream.linear.gather [hbm4b:s8+s2], $0x800, $0x38;
	[tilespmem:$0x12400] =	vst v63  }
0x24: {  	_ =	swait.ge [sflag:s15], $0x800  }
0x25: {  	[sflag:s15] =	ssyncset.done $0x0  }
0x26: {  	[sflag:s15] =	ssyncadd.s32 $0xFFFFF800  }
0x27: {  	[tilespmem:s20], [sflag:$0x1] =	stream.linear.gather [hbm4b:s9+s2], $0x800, $0x38;
	[tilespmem:$0x12400] =	vst v63  }
0x28: {  	_ =	swait.ge [sflag:s15], $0x800  }
0x29: {  	[sflag:s15] =	ssyncset.done $0x0  }
0x2a: {  	v3 =	vor.u32 s2, v0;
	[sflag:s15] =	ssyncadd.s32 $0xFFFFF800  }
0x2b: {  	[tilespmem:s2], [sflag:$0x1] =	stream.linear.gather [hbm4b:s4+s2], $0x10000, $0x38;
	[tilespmem:$0x12400] =	vst v63  }
0x2c: {  	_ =	swait.ge [sflag:s15], $0x10000  }
0x2d: {  	[sflag:s15] =	ssyncset.done $0x0  }
0x2e: {  	[sflag:s15] =	ssyncadd.s32 $0xFFFF0000  }
0x2f: {  	v4 =	vld.idx.msk [tilespmem:v3+s18+$0x0], $0xffff  }
0x30: {  	v5 =	vld.idx.msk [tilespmem:v3+s19+$0x0], $0xffff  }
0x31: {  	v3 =	vld.idx.msk [tilespmem:v3+s20+$0x0], $0xffff;
	_ =	sdelay $0x2  }
0x32: {  	v6 =	vshll.u32 v4, $0x9;
	v7 =	vshrl.u32 v4, $0x5  }
0x33: {  	v8 =	vshll.u32 v5, $0x9;
	v9 =	vshrl.u32 v5, $0x5;
	v5 =	vshrl.u32 v5, $0x4  }
0x34: {  	v6 =	vxor.u32 v7, v6;
	v7 =	vshrl.u32 v3, $0x4;
	v8 =	vxor.u32 v8, v9  }
0x35: {  	v5 =	vxor.u32 v5, v6;
	v6 =	vxor.u32 v7, v8  }
0x36: {  	v4 =	vxor.u32 v4, v6  }
0x37: {  	v3 =	vxor.u32 v3, v5;
	v5 =	vand.u32 $0xFFFF, v4  }
0x38: {  	v3 =	vor.u32 $0x1, v3  }
0x39: {  	v4 =	vadd.s32 v4, v3  }
0x3a: {  	v6 =	vand.u32 $0xFFFF, v4;
	v4 =	vadd.s32 v3, v4  }
0x3b: {  	v3 =	vadd.s32 v3, v4;
	v4 =	vand.u32 $0xFFFF, v4  }
0x3c: {  	s26 =	simm.s32 $0x10;
	[tilespmem:v5+s2+$0x0] =	vst.idx.msk $0xffff, v1;
	v5 =	vand.u32 $0xFFFF, v3  }
0x3d: {  	v3 =	vor.u32 s26, v0;
	_ =	sdelay $0x1  }
0x3e: {  	s25 =	simm.s32 $0x20;
	s26 =	simm.s32 $0x0;
	[tilespmem:v6+s2+$0x0] =	vst.idx.msk $0xffff, v1  }
.LBB2_2:
0x3f: {  	p0 =	sne.s32 s25, $0x7F0;
	[tilespmem:v4+s26+$0x0] =	vst.idx.msk $0xffff, v1;
	s28 =	smov.u32 s25;
	s25 =	sadd.s32 $0x10, s25  }
0x40: {  	[tilespmem:v5+s26+$0x0] =	vst.idx.msk $0xffff, v1  }
0x41: {  	v4 =	vld.idx.msk [tilespmem:v3+s18+$0x0], $0xffff  }
0x42: {  	v5 =	vld.idx.msk [tilespmem:v3+s19+$0x0], $0xffff  }
0x43: {  	v3 =	vld.idx.msk [tilespmem:v3+s20+$0x0], $0xffff;
	_ =	sdelay $0x3  }
0x44: {  	v6 =	vshll.u32 v4, $0x9;
	v7 =	vshrl.u32 v4, $0x5  }
0x45: {  	v8 =	vshll.u32 v5, $0x9;
	v9 =	vshrl.u32 v5, $0x5;
	v6 =	vxor.u32 v7, v6  }
0x46: {  	v5 =	vshrl.u32 v5, $0x4;
	v7 =	vshrl.u32 v3, $0x4;
	v8 =	vxor.u32 v8, v9  }
0x47: {  	v5 =	vxor.u32 v5, v6;
	v7 =	vxor.u32 v7, v8  }
0x48: {  	v3 =	vxor.u32 v3, v5;
	v4 =	vxor.u32 v4, v7  }
0x49: {  	v3 =	vor.u32 $0x1, v3;
	v6 =	vand.u32 $0xFFFF, v4  }
0x4a: {  	v4 =	vadd.s32 v4, v3  }
0x4b: {  	v7 =	vand.u32 $0xFFFF, v4;
	v5 =	vadd.s32 v3, v4  }
.Ltmp0:
0x4c: {  	v4 =	vand.u32 $0xFFFF, v5;
	v3 =	vadd.s32 v3, v5;
	(pc) =	sbr.rel @p0 .LBB2_2-.Ltmp0, $3  }
0x4d: {  	s26 =	simm.s32 $0x0;
	v5 =	vand.u32 $0xFFFF, v3  }
0x4e: {  	v3 =	vor.u32 s28, v0;
	[tilespmem:v6+s26+$0x0] =	vst.idx.msk $0xffff, v1;
	_ =	sdelay $0x1  }
0x4f: {  	[tilespmem:v7+s26+$0x0] =	vst.idx.msk $0xffff, v1  }
0x50: {  	_ =	sdelay $0x3  }
0x51: {  	[tilespmem:v4+s26+$0x0] =	vst.idx.msk $0xffff, v1  }
0x52: {  	[tilespmem:v5+s26+$0x0] =	vst.idx.msk $0xffff, v1  }
0x53: {  	v4 =	vld.idx.msk [tilespmem:v3+s18+$0x0], $0xffff  }
0x54: {  	v5 =	vld.idx.msk [tilespmem:v3+s19+$0x0], $0xffff;
	_ =	sdelay $0x1  }
0x55: {  	v3 =	vld.idx.msk [tilespmem:v3+s20+$0x0], $0xffff;
	_ =	sdelay $0x2  }
0x56: {  	v6 =	vshll.u32 v4, $0x9;
	v7 =	vshrl.u32 v4, $0x5;
	v8 =	vshll.u32 v5, $0x9  }
0x57: {  	v9 =	vshrl.u32 v5, $0x5;
	v5 =	vshrl.u32 v5, $0x4;
	v6 =	vxor.u32 v7, v6  }
0x58: {  	v60 =	vshrl.u32 v3, $0x4;
	v8 =	vxor.u32 v8, v9;
	v5 =	vxor.u32 v5, v6  }
0x59: {  	v61 =	vxor.u32 v60, v8;
	v3 =	vxor.u32 v3, v5  }
0x5a: {  	v4 =	vxor.u32 v4, v61;
	v3 =	vor.u32 $0x1, v3  }
0x5b: {  	v5 =	vand.u32 $0xFFFF, v4;
	v4 =	vadd.s32 v4, v3  }
0x5c: {  	v62 =	vand.u32 $0xFFFF, v4;
	v4 =	vadd.s32 v3, v4  }
0x5d: {  	v63 =	vand.u32 $0xFFFF, v4;
	v3 =	vadd.s32 v3, v4  }
0x5e: {  	v3 =	vand.u32 $0xFFFF, v3;
	_ =	sdelay $0x1  }
0x5f: {  	p1 =	por $0x1, $0x1;
	[tilespmem:v5+s26+$0x0] =	vst.idx.msk $0xffff, v1  }
.Ltmp1:
0x60: {  	[tilespmem:v62+s26+$0x0] =	vst.idx.msk $0xffff, v1;
	(pc) =	sbr.rel @!p1 .LBB2_4-.Ltmp1, $3  }
0x61: {  	[tilespmem:v63+s26+$0x0] =	vst.idx.msk $0xffff, v1  }
0x62: {  	[tilespmem:v3+s26+$0x0] =	vst.idx.msk $0xffff, v1;
	v3 =	vor.u32 s26, v0;
	_ =	sdelay $0x1  }
0x63: {  	s25 =	simm.s32 $0x10;
	p0 =	por $0x0, $0x0  }
0x64: {  	_ =	sdelay $0x3  }
0x65: {  	v4 =	vld.idx.msk [tilespmem:v3+s14+$0x0], $0xffff  }
0x66: {  	v5 =	vld.idx.msk [tilespmem:v3+s16+$0x0], $0xffff;
	_ =	sdelay $0x1  }
0x67: {  	v6 =	vld.idx.msk [tilespmem:v3+s17+$0x0], $0xffff;
	_ =	sdelay $0x2  }
0x68: {  	v7 =	vshll.u32 v4, $0x9;
	v8 =	vshrl.u32 v4, $0x5;
	v61 =	vshll.u32 v5, $0x9  }
0x69: {  	v9 =	vshrl.u32 v5, $0x5;
	v5 =	vshrl.u32 v5, $0x4;
	v7 =	vxor.u32 v8, v7  }
0x6a: {  	v10 =	vshrl.u32 v6, $0x4;
	v8 =	vxor.u32 v61, v9;
	v5 =	vxor.u32 v5, v7  }
0x6b: {  	v7 =	vxor.u32 v10, v8;
	v5 =	vxor.u32 v6, v5  }
0x6c: {  	v4 =	vxor.u32 v4, v7;
	v5 =	vor.u32 $0x1, v5  }
0x6d: {  	v6 =	vand.u32 $0xFFFF, v4;
	v4 =	vadd.s32 v4, v5  }
0x6e: {  	v7 =	vand.u32 $0xFFFF, v4;
	v4 =	vadd.s32 v5, v4  }
0x6f: {  	v62 =	vand.u32 $0xFFFF, v4;
	v4 =	vadd.s32 v5, v4  }
0x70: {  	v4 =	vand.u32 $0xFFFF, v4;
	_ =	sdelay $0x1  }
0x71: {  	v5 =	vld.idx.msk [tilespmem:v6+s2+$0x0], $0xffff  }
0x72: {  	v6 =	vld.idx.msk [tilespmem:v7+s2+$0x0], $0xffff  }
0x73: {  	v7 =	vld.idx.msk [tilespmem:v62+s2+$0x0], $0xffff  }
0x74: {  	p1 =	por $0x1, $0x1;
	v63 =	vld.idx.msk [tilespmem:v4+s2+$0x0], $0xffff  }
.Ltmp2:
0x75: {  	_ = 	snop;
	(pc) =	sbr.rel @!p1 .LBB2_6-.Ltmp2, $4  }
0x76: {  	_ = 	snop  }
0x77: {  	vm0 =	vgt.s32 v5, $0x0;
	vm1 =	vgt.s32 v6, $0x0  }
0x78: {  	vm0 =	vmand vm0, vm1;
	vm1 =	vgt.s32 v7, $0x0  }
0x79: {  	p0 =	por $0x1, $0x1;
	v4 =	vor.u32 s25, v0;
	s25 =	simm.s32 $0x20;
	vm0 =	vmand vm0, vm1;
	vm1 =	vgt.s32 v63, $0x0  }
.LBB2_7:
0x7a: {  	p1 =	sne.s32 s25, $0x2F0;
	vm0 =	vmand vm0, vm1  }
0x7b: {  	v5 =	vsel vm0, $0x3F800000, v2  }
0x7c: {  	[tilespmem:v3+s21+$0x0] =	vst.idx.msk $0xffff, v5;
	v3 =	vmov v4  }
0x7d: {  	v5 =	vld.idx.msk [tilespmem:v4+s14+$0x0], $0xffff;
	_ =	sdelay $0x1  }
0x7e: {  	v6 =	vld.idx.msk [tilespmem:v4+s16+$0x0], $0xffff  }
0x7f: {  	v4 =	vld.idx.msk [tilespmem:v4+s17+$0x0], $0xffff;
	_ =	sdelay $0x2  }
0x80: {  	v7 =	vshll.u32 v5, $0x9;
	v8 =	vshrl.u32 v5, $0x5  }
0x81: {  	v7 =	vxor.u32 v8, v7  }
0x82: {  	v8 =	vshll.u32 v6, $0x9;
	v9 =	vshrl.u32 v6, $0x5;
	v6 =	vshrl.u32 v6, $0x4  }
0x83: {  	v10 =	vshrl.u32 v4, $0x4;
	v8 =	vxor.u32 v8, v9;
	v6 =	vxor.u32 v6, v7  }
0x84: {  	v7 =	vxor.u32 v10, v8;
	v4 =	vxor.u32 v4, v6  }
0x85: {  	v5 =	vxor.u32 v5, v7;
	v4 =	vor.u32 $0x1, v4  }
0x86: {  	v6 =	vand.u32 $0xFFFF, v5;
	v5 =	vadd.s32 v5, v4  }
0x87: {  	v7 =	vand.u32 $0xFFFF, v5;
	v5 =	vadd.s32 v4, v5  }
0x88: {  	v8 =	vand.u32 $0xFFFF, v5;
	v4 =	vadd.s32 v4, v5  }
0x89: {  	v4 =	vand.u32 $0xFFFF, v4;
	_ =	sdelay $0x1  }
0x8a: {  	v5 =	vld.idx.msk [tilespmem:v6+s2+$0x0], $0xffff  }
0x8b: {  	v6 =	vld.idx.msk [tilespmem:v7+s2+$0x0], $0xffff  }
0x8c: {  	v7 =	vld.idx.msk [tilespmem:v8+s2+$0x0], $0xffff  }
0x8d: {  	v8 =	vld.idx.msk [tilespmem:v4+s2+$0x0], $0xffff;
	_ =	sdelay $0x1  }
.Ltmp3:
0x8e: {  	(pc) =	sbr.rel @p1 .LBB2_7-.Ltmp3, $4  }
0x8f: {  	_ = 	snop  }
0x90: {  	vm0 =	vgt.s32 v5, $0x0;
	vm1 =	vgt.s32 v6, $0x0  }
0x91: {  	v4 =	vor.u32 s25, v0;
	vm0 =	vmand vm0, vm1;
	vm1 =	vgt.s32 v7, $0x0  }
0x92: {  	s25 =	sadd.s32 $0x10, s25;
	vm0 =	vmand vm0, vm1;
	vm1 =	vgt.s32 v8, $0x0  }
0x93: {  	v5 =	vmov v3;
	v3 =	vmov v4  }
.LBB2_9:
0x94: {  	_ =	sdelay $0x1  }
0x95: {  	vm0 =	vmand @p0 vm0, vm1  }
0x96: {  	v4 =	vsel @p0 vm0, $0x3F800000, v2  }
0x97: {  	[tilespmem:v5+s21+$0x0] =	vst.idx.msk @p0 $0xffff, v4  }
0x98: {  	v4 =	vld.idx.msk [tilespmem:v3+s14+$0x0], $0xffff  }
0x99: {  	v5 =	vld.idx.msk [tilespmem:v3+s16+$0x0], $0xffff;
	_ =	sdelay $0x1  }
0x9a: {  	v6 =	vld.idx.msk [tilespmem:v3+s17+$0x0], $0xffff;
	_ =	sdelay $0x2  }
0x9b: {  	v7 =	vshll.u32 v4, $0x9;
	v8 =	vshrl.u32 v4, $0x5;
	v55 =	vshll.u32 v5, $0x9  }
0x9c: {  	v9 =	vshrl.u32 v5, $0x5;
	v5 =	vshrl.u32 v5, $0x4;
	v7 =	vxor.u32 v8, v7  }
0x9d: {  	v10 =	vshrl.u32 v6, $0x4;
	v8 =	vxor.u32 v55, v9;
	v5 =	vxor.u32 v5, v7  }
0x9e: {  	v56 =	vxor.u32 v10, v8;
	v5 =	vxor.u32 v6, v5  }
0x9f: {  	v4 =	vxor.u32 v4, v56;
	v5 =	vor.u32 $0x1, v5  }
0xa0: {  	v57 =	vand.u32 $0xFFFF, v4;
	v4 =	vadd.s32 v4, v5  }
0xa1: {  	v58 =	vand.u32 $0xFFFF, v4;
	v4 =	vadd.s32 v5, v4  }
0xa2: {  	v59 =	vand.u32 $0xFFFF, v4;
	v4 =	vadd.s32 v5, v4  }
0xa3: {  	v4 =	vand.u32 $0xFFFF, v4;
	_ =	sdelay $0x1  }
0xa4: {  	v60 =	vld.idx.msk [tilespmem:v57+s2+$0x0], $0xffff  }
0xa5: {  	v61 =	vld.idx.msk [tilespmem:v58+s2+$0x0], $0xffff  }
0xa6: {  	v62 =	vld.idx.msk [tilespmem:v59+s2+$0x0], $0xffff  }
0xa7: {  	v4 =	vld.idx.msk [tilespmem:v4+s2+$0x0], $0xffff;
	_ =	sdelay $0x2  }
0xa8: {  	vm12 =	vgt.s32 v60, $0x0;
	vm13 =	vgt.s32 v61, $0x0  }
0xa9: {  	vm0 =	vmand vm12, vm13;
	vm14 =	vgt.s32 v62, $0x0  }
0xaa: {  	vm0 =	vmand vm0, vm14;
	vm15 =	vgt.s32 v4, $0x0  }
0xab: {  	vm0 =	vmand vm0, vm15  }
0xac: {  	v63 =	vsel vm0, $0x3F800000, v2  }
0xad: {  	[tilespmem:v3+s21+$0x0] =	vst.idx.msk $0xffff, v63  }
0xae: {  	[hbm4b:s10+s2] =	stream.linear.scatter [tilespmem:s21], [sflag:$0x1], $0x100, $0x38;
	[tilespmem:$0x12400] =	vst v63  }
0xaf: {  	_ =	swait.ge [sflag:s15], $0x100  }
0xb0: {  	[sflag:s15] =	ssyncset.done $0x0  }
0xb1: {  	[sflag:s15] =	ssyncadd.s32 $0xFFFFFF00  }
0xb2: {  	[hbm4b:s11+s2] =	stream.linear.scatter [tilespmem:s22], [sflag:$0x1], $0x100, $0x38;
	[tilespmem:$0x12400] =	vst v63  }
0xb3: {  	_ =	swait.ge [sflag:s15], $0x100  }
0xb4: {  	s24 =	sadd.s32 $0x1, s24;
	[sflag:s15] =	ssyncset.done $0x0  }
0xb5: {  	p0 =	sne.s32 s24, s13;
	[sflag:s15] =	ssyncadd.s32 $0xFFFFFF00  }
0xb6: {  	[hbm4b:s12+s2] =	stream.linear.scatter [tilespmem:s23], [sflag:$0x1], $0x100, $0x38;
	[tilespmem:$0x12400] =	vst v63  }
.Ltmp4:
0xb7: {  	_ = 	snop;
	(pc) =	sbr.rel @p0 .LBB2_1-.Ltmp4, $4  }
.Ltmp5:
0xb8: {  	_ = 	snop;
	(pc) =	sbr.rel @!p0 .LBB2_10-.Ltmp5, $4  }
0xb9: {  	_ =	swait.ge [sflag:s15], $0x100  }
0xba: {  	[sflag:s15] =	ssyncset.done $0x0  }
0xbb: {  	[sflag:s15] =	ssyncadd.s32 $0xFFFFFF00  }
0xbc: {  	_ = 	snop  }
.LBB2_4:
.Ltmp6:
0xbd: {  	(pc) =	sbr.rel .LBB2_9-.Ltmp6, $2  }
0xbe: {  	_ =	sdelay $0x2  }
0xbf: {  	_ = 	snop  }
.LBB2_6:
.Ltmp7:
0xc0: {  	(pc) =	sbr.rel .LBB2_9-.Ltmp7, $2  }
0xc1: {  	_ =	sdelay $0x2  }
0xc2: {  	v5 =	vmov v3;
	v3 =	vmov v4  }
.LBB2_10:
0xc3: {  	_ =	sfence.sel $0x180000  }
0xc4: {  	[bflag:$0x0] =	sbarrier.arrive $0xFFFF  }
0xc5: {  	p0 =	sne.s32 s0, $0x0;
	_ =	strace $0x90000047  }
0xc6: {  	s0 =	sadd.s32 @!p0 $0x100000, s1;
	[bflag:$0x2] =	sbarrier.arrive $0xFFFF  }
0xc7: {  	[sflag:s0] =	ssyncadd.tile.s32 @!p0 $0x1;
	_ =	shalt  }
.Lfunc_end2:
_tile_overlayer_lowered:
.L_overlay_start_2:
0xc8: {  	(tag) =	ssettag $0x2  }
0xc9: {  	s0 =	rddreg [dreg:$0x0];
	s2 =	stileid.u32  }
0xca: {  	s1 =	rddreg [dreg:$0x1];
	p0 =	sne.s32 s2, $0x0  }
0xcb: {  	s3 =	rddreg [dreg:$0x2];
	[bflag:$0x3] =	sbarrier.arrive $0xFFFF;
	s2 =	simm.s32 @!p0 $0x1C01  }
0xcc: {  	[timem:s3], [sflag:s2] =	dma.local @!p0 [hbm:s0], s1  }
0xcd: {  	s0 =	simm.s32 @!p0 $0x1  }
0xce: {  	_ =	swait.ge @!p0 [sflag:s0], s1  }
0xcf: {  	s1 =	ssub.s32 @!p0 $0x0, s1;
	[sflag:s0] =	ssyncset.done @!p0 $0x0  }
0xd0: {  	[sflag:s0] =	ssyncadd.s32 @!p0 s1  }
0xd1: {  	[bflag:$0x3] =	sbarrier.arrive $0xFFFF  }
0xd2: {  	_ =	shalt  }

</sc_bundles>
